<compile_context>
chip_gen: v7x
topology: tpu7x:2x2x1
jax: 0.10.2.dev20260603
libtpu: 0.0.44.dev20260713+nightly
codegen_flags: <defaults>
</compile_context>

<pallas_src>
import functools

import jax
import jax.numpy as jnp
from jax import lax
from jax.experimental import pallas as pl
from jax.experimental.pallas import tpu as pltpu
from jax.experimental.pallas import tpu_sc as plsc

_NC = 2
_NS = 16
_NW = _NC * _NS
_CHUNK = 64



def _logits_body(x_ref, w_ref, w1_ref, w2_ref, o_ref, w1b_ref, w2b_ref):
    x = x_ref[...]
    o_ref[...] = jnp.dot(x.astype(jnp.bfloat16),
                         w_ref[...].astype(jnp.bfloat16)[:, None],
                         preferred_element_type=jnp.float32)
    w1b_ref[...] = w1_ref[...].astype(jnp.bfloat16)
    w2b_ref[...] = w2_ref[...].astype(jnp.bfloat16)


def _router_logits(h2, w, w1, w2):
    n, d = h2.shape
    dff = w1.shape[1]
    rb = 1024
    nblk = n // rb
    fb = dff // nblk
    out, w1b, w2b = pl.pallas_call(
        _logits_body,
        grid=(nblk,),
        in_specs=[
            pl.BlockSpec((rb, d), lambda i: (i, 0)),
            pl.BlockSpec((d,), lambda i: (0,)),
            pl.BlockSpec((d, fb), lambda i: (0, i)),
            pl.BlockSpec((fb, d), lambda i: (i, 0)),
        ],
        out_specs=[
            pl.BlockSpec((rb, 1), lambda i: (i, 0)),
            pl.BlockSpec((d, fb), lambda i: (0, i)),
            pl.BlockSpec((fb, d), lambda i: (i, 0)),
        ],
        out_shape=[
            jax.ShapeDtypeStruct((n, 1), jnp.float32),
            jax.ShapeDtypeStruct((d, dff), jnp.bfloat16),
            jax.ShapeDtypeStruct((dff, d), jnp.bfloat16),
        ],
    )(h2, w, w1, w2)
    return out.reshape(n), w1b, w2b



def _ffn_body(x_ref, w1_ref, b1_ref, w2_ref, b2_ref, v_ref, o_ref):
    x = x_ref[...]
    h = jnp.dot(x.astype(jnp.bfloat16), w1_ref[...],
                preferred_element_type=jnp.float32)
    h = jax.nn.gelu((h + b1_ref[...][None, :]).astype(jnp.bfloat16))
    y = jnp.dot(h, w2_ref[...], preferred_element_type=jnp.float32)
    y = y + b2_ref[...][None, :]
    o_ref[...] = x + v_ref[...] * y


def _ffn(x, w1b, b1, w2b, b2, vals):
    n, d = x.shape
    dff = w1b.shape[1]
    bm = 512
    return pl.pallas_call(
        _ffn_body,
        grid=(n // bm,),
        in_specs=[
            pl.BlockSpec((bm, d), lambda i: (i, 0)),
            pl.BlockSpec((d, dff), lambda i: (0, 0)),
            pl.BlockSpec((dff,), lambda i: (0,)),
            pl.BlockSpec((dff, d), lambda i: (0, 0)),
            pl.BlockSpec((d,), lambda i: (0,)),
            pl.BlockSpec((bm, 1), lambda i: (i, 0)),
        ],
        out_specs=pl.BlockSpec((bm, d), lambda i: (i, 0)),
        out_shape=jax.ShapeDtypeStruct((n, d), jnp.float32),
    )(x, w1b, b1, w2b, b2, vals)



def _sc_mesh():
    return plsc.VectorSubcoreMesh(core_axis_name="c", subcore_axis_name="s",
                                  num_cores=_NC, num_subcores=_NS)


def _make_copy(n_rows, d):
    rows_per_w = n_rows // _NW

    cchunk = 128
    n_chunks = rows_per_w // cchunk

    @functools.partial(
        pl.kernel,
        out_type=jax.ShapeDtypeStruct((n_rows, d), jnp.float32),
        mesh=_sc_mesh(),
        scratch_types=[pltpu.VMEM((cchunk, d), jnp.float32)],
    )
    def copy_k(src_hbm, dummy_hbm, out_hbm, rows_v):
        wid = lax.axis_index("s") * _NC + lax.axis_index("c")
        base = wid * rows_per_w
        for c in range(n_chunks):
            off = base + c * cchunk
            pltpu.sync_copy(src_hbm.at[pl.ds(off, cchunk)], rows_v)
            pltpu.sync_copy(rows_v, out_hbm.at[pl.ds(off, cchunk)])

    return copy_k


def _make_gather(n_rows, d):
    rows_per_w = n_rows // _NW
    n_chunks = rows_per_w // _CHUNK

    @functools.partial(
        pl.kernel,
        out_type=jax.ShapeDtypeStruct((n_rows, d), jnp.float32),
        mesh=_sc_mesh(),
        scratch_types=[
            pltpu.VMEM((_CHUNK,), jnp.int32),
            pltpu.VMEM((_CHUNK, d), jnp.float32),
            pltpu.SemaphoreType.DMA,
        ],
    )
    def gather_k(src_hbm, idx_hbm, out_hbm, idx_v, rows_v, sem):
        wid = lax.axis_index("s") * _NC + lax.axis_index("c")
        base = wid * rows_per_w
        for c in range(n_chunks):
            off = base + c * _CHUNK
            pltpu.sync_copy(idx_hbm.at[pl.ds(off, _CHUNK)], idx_v)
            pltpu.async_copy(src_hbm.at[idx_v], rows_v, sem).wait()
            pltpu.sync_copy(rows_v, out_hbm.at[pl.ds(off, _CHUNK)])

    return gather_k


def _make_scatter(n_rows, d):
    rows_per_w = n_rows // _NW
    n_chunks = rows_per_w // _CHUNK

    @functools.partial(
        pl.kernel,
        out_type=(),
        mesh=_sc_mesh(),
        scratch_types=[
            pltpu.VMEM((_CHUNK,), jnp.int32),
            pltpu.VMEM((_CHUNK, d), jnp.float32),
            pltpu.SemaphoreType.DMA,
        ],
    )
    def scatter_k(out_hbm, rows_hbm, idx_hbm, idx_v, rows_v, sem):
        wid = lax.axis_index("s") * _NC + lax.axis_index("c")
        base = wid * rows_per_w
        for c in range(n_chunks):
            off = base + c * _CHUNK
            pltpu.sync_copy(idx_hbm.at[pl.ds(off, _CHUNK)], idx_v)
            pltpu.sync_copy(rows_hbm.at[pl.ds(off, _CHUNK)], rows_v)
            pltpu.async_copy(rows_v, out_hbm.at[idx_v], sem).wait()

    return scatter_k



def kernel(hidden, router_weight, router_bias, W1, b1, W2, b2):
    b, s, d = hidden.shape
    k = s // 2
    n = b * k
    h2 = hidden.reshape(b * s, d)

    logits, w1b, w2b = _router_logits(h2, router_weight, W1, W2)
    probs = jax.nn.sigmoid(logits.reshape(b, s) + router_bias)
    top_vals, top_idx = lax.top_k(probs, k)
    idx_flat = (top_idx.astype(jnp.int32)
                + (jnp.arange(b, dtype=jnp.int32) * s)[:, None]).reshape(n)

    vals = top_vals.reshape(n, 1)

    gather_k = _make_gather(k, d)
    scatter_k = _make_scatter(k, d)
    gs = [gather_k(h2, idx_flat[pl.ds(i * k, k)]) for i in range(b)]

    rows0 = _ffn(gs[0], w1b, b1, w2b, b2, vals[pl.ds(0, k), :])

    h2c = _make_copy(b * s, d)(h2, gs[0])
    out_ref = jax.new_ref(h2c)
    scatter_k(out_ref, rows0, idx_flat[pl.ds(0, k)])

    for i in range(1, b):
        sl = pl.ds(i * k, k)
        rows = _ffn(gs[i], w1b, b1, w2b, b2, vals[sl, :])
        scatter_k(out_ref, rows, idx_flat[sl])

    return out_ref[...].reshape(b, s, d)

# --- scband reference (transcript-rebuilt; emitter-appended) ---
"""Pipeline reference for scband-mo-dblock-18356690223155 (READ-ONLY COPY).

The authoritative reference and input builder live on the scoring server;
editing this copy changes nothing except your own understanding.
"""

import jax, jax.numpy as jnp
import numpy as np

B, S, D, DFF = 4, 4096, 1024, 4096
CAPACITY_FACTOR = 0.5
AUX_W = 0.01
K = max(1, int(S * CAPACITY_FACTOR))


def setup_inputs(seed: int = 0) -> dict:
    key = jax.random.key(seed)
    ks = jax.random.split(key, 6)
    hidden = jax.random.normal(ks[0], (B, S, D), dtype=jnp.float32)
    router_weight = jax.random.normal(ks[1], (D,), dtype=jnp.float32) * (1.0 / np.sqrt(D))
    router_bias = jnp.zeros((), dtype=jnp.float32)
    W1 = jax.random.normal(ks[2], (D, DFF), dtype=jnp.float32) * 0.02
    b1 = jnp.zeros((DFF,), dtype=jnp.float32)
    W2 = jax.random.normal(ks[3], (DFF, D), dtype=jnp.float32) * 0.02
    b2 = jnp.zeros((D,), dtype=jnp.float32)
    return {"hidden": hidden, "router_weight": router_weight, "router_bias": router_bias,
            "W1": W1, "b1": b1, "W2": W2, "b2": b2}


def reference(hidden, router_weight, router_bias, W1, b1, W2, b2):
    # --- MoDRouter: per-token scalar router ---
    router_logits = jnp.einsum('bsd,d->bs', hidden, router_weight) + router_bias  # [B, S]
    router_probs = jax.nn.sigmoid(router_logits)                                  # [B, S]
    # top-k token selection per sequence under fixed capacity budget
    top_vals, top_idx = jax.lax.top_k(router_probs, K)                            # [B, K]
    b_idx = jnp.arange(B)[:, None]                                                # [B, 1]
    selected_mask = jnp.zeros((B, S), dtype=hidden.dtype).at[b_idx, top_idx].set(1.0)
    # auxiliary load-balancing / predictor loss per batch element
    aux_loss = AUX_W * jnp.mean((router_probs - selected_mask) ** 2, axis=-1)     # [B]
    # --- mo_d_gather: gather selected tokens ---
    gathered = hidden[b_idx, top_idx]                                             # [B, K, D]
    # --- inner layer: FFN(gelu) ---
    h = jax.nn.gelu(jnp.einsum('bkd,df->bkf', gathered, W1) + b1)                 # [B, K, DFF]
    processed = jnp.einsum('bkf,fd->bkd', h, W2) + b2                             # [B, K, D]
    # --- mo_d_scatter: residual update at selected positions, scaled by router prob ---
    output = hidden.at[b_idx, top_idx].add(top_vals[..., None] * processed)       # [B, S, D]
    return output

if __name__ == "__main__":
    import jax
    _d = setup_inputs()
    print(jax.jit(kernel)(*tuple(_d.values())))

</pallas_src>

<mosaic_0001>
#map = affine_map<(d0, d1) -> (0, 0)>
#map1 = affine_map<(d0, d1) -> (0)>
module attributes {stable_mosaic.version = 14 : i64} {
  func.func @gather_k(%arg0: i32, %arg1: i32, %arg2: memref<16384x1024xf32, #tpu.memory_space<hbm>>, %arg3: memref<2048xi32, #tpu.memory_space<hbm>>, %arg4: memref<2048x1024xf32, #tpu.memory_space<hbm>>, %arg5: memref<64xi32, #tpu.memory_space<vmem>>, %arg6: memref<64x1024xf32, #tpu.memory_space<vmem>>, %arg7: memref<!tpu.dma_semaphore, #tpu.memory_space<semaphore_mem>>) attributes {dimension_semantics = [#tpu.dimension_semantics<core_parallel>, #tpu.dimension_semantics<subcore_parallel>], iteration_bounds = array<i64: 2, 16>, scalar_prefetch = 0 : i64, scratch_operands = 3 : i64, tpu.core_type = #tpu.core_type<sc_vector_subcore>, window_params = [{transform_indices = #map}, {transform_indices = #map1}, {transform_indices = #map}]} {
    %mul3A = arith.constant 2 : i32
    %mul3A_0 = arith.muli %arg1, %mul3A : i32
    %add3A = arith.addi %mul3A_0, %arg0 : i32
    %mul3A_1 = arith.constant 64 : i32
    %mul3A_2 = arith.muli %add3A, %mul3A_1 : i32
    %add3A_3 = arith.constant 0 : i32
    %add3A_4 = arith.addi %mul3A_2, %add3A_3 : i32
    "tpu.region"() ({
      %run_scoped3A = tpu.sem_alloc : memref<!tpu.dma_semaphore, #tpu.memory_space<semaphore_mem>>
      %dma_start3A_9 = tpu.memref_slice %arg3[%add3A_4] : memref<2048xi32, #tpu.memory_space<hbm>> -> memref<64xi32, #tpu.memory_space<hbm>>
      %dma_start3A_10 = tpu.memref_slice %arg3[%add3A_4] : memref<2048xi32, #tpu.memory_space<hbm>> -> memref<64xi32, #tpu.memory_space<hbm>>
      tpu.enqueue_dma source(%dma_start3A_10 : memref<64xi32, #tpu.memory_space<hbm>>) target(%arg5 : memref<64xi32, #tpu.memory_space<vmem>>) target_semaphore(%run_scoped3A : memref<!tpu.dma_semaphore, #tpu.memory_space<semaphore_mem>>)
      %dma_wait3A_11 = tpu.memref_slice %arg3[%add3A_4] : memref<2048xi32, #tpu.memory_space<hbm>> -> memref<64xi32, #tpu.memory_space<hbm>>
      %dma_wait3A_12 = tpu.memref_slice %arg3[%add3A_4] : memref<2048xi32, #tpu.memory_space<hbm>> -> memref<64xi32, #tpu.memory_space<hbm>>
      tpu.wait_dma2 semaphore(%run_scoped3A : memref<!tpu.dma_semaphore, #tpu.memory_space<semaphore_mem>>) src(%dma_wait3A_12 : memref<64xi32, #tpu.memory_space<hbm>>) dst(%arg5 : memref<64xi32, #tpu.memory_space<vmem>>)
      tpu.yield
    }) : () -> ()
    %dma_start3A = arith.constant 0 : i32
    %dma_start3A_5 = arith.constant 0 : i32
    %dma_start3A_6 = tpu.memref_slice %arg2[%dma_start3A, %dma_start3A_5] : memref<16384x1024xf32, #tpu.memory_space<hbm>> -> memref<16384x1024xf32, #tpu.memory_space<hbm>>
    tpu.enqueue_indirect_dma source(%dma_start3A_6 : memref<16384x1024xf32, #tpu.memory_space<hbm>>) target(%arg6 : memref<64x1024xf32, #tpu.memory_space<vmem>>) offsets(%arg5 : memref<64xi32, #tpu.memory_space<vmem>>) semaphore(%arg7 : memref<!tpu.dma_semaphore, #tpu.memory_space<semaphore_mem>>)
    %dma_wait3A = arith.constant 0 : i32
    %dma_wait3A_7 = arith.constant 0 : i32
    %dma_wait3A_8 = tpu.memref_slice %arg2[%dma_wait3A, %dma_wait3A_7] : memref<16384x1024xf32, #tpu.memory_space<hbm>> -> memref<16384x1024xf32, #tpu.memory_space<hbm>>
    tpu.wait_indirect_dma semaphore(%arg7 : memref<!tpu.dma_semaphore, #tpu.memory_space<semaphore_mem>>) src(%dma_wait3A_8 : memref<16384x1024xf32, #tpu.memory_space<hbm>>) dst(%arg6 : memref<64x1024xf32, #tpu.memory_space<vmem>>)
    "tpu.region"() ({
      %run_scoped3A = tpu.sem_alloc : memref<!tpu.dma_semaphore, #tpu.memory_space<semaphore_mem>>
      %dma_start3A_9 = arith.constant 0 : i32
      %dma_start3A_10 = tpu.memref_slice %arg4[%add3A_4, %dma_start3A_9] : memref<2048x1024xf32, #tpu.memory_space<hbm>> -> memref<64x1024xf32, #tpu.memory_space<hbm>>
      %dma_start3A_11 = arith.constant 0 : i32
      %dma_start3A_12 = tpu.memref_slice %arg4[%add3A_4, %dma_start3A_11] : memref<2048x1024xf32, #tpu.memory_space<hbm>> -> memref<64x1024xf32, #tpu.memory_space<hbm>>
      tpu.enqueue_dma source(%arg6 : memref<64x1024xf32, #tpu.memory_space<vmem>>) target(%dma_start3A_12 : memref<64x1024xf32, #tpu.memory_space<hbm>>) target_semaphore(%run_scoped3A : memref<!tpu.dma_semaphore, #tpu.memory_space<semaphore_mem>>)
      %dma_wait3A_13 = arith.constant 0 : i32
      %dma_wait3A_14 = tpu.memref_slice %arg4[%add3A_4, %dma_wait3A_13] : memref<2048x1024xf32, #tpu.memory_space<hbm>> -> memref<64x1024xf32, #tpu.memory_space<hbm>>
      %dma_wait3A_15 = arith.constant 0 : i32
      %dma_wait3A_16 = tpu.memref_slice %arg4[%add3A_4, %dma_wait3A_15] : memref<2048x1024xf32, #tpu.memory_space<hbm>> -> memref<64x1024xf32, #tpu.memory_space<hbm>>
      tpu.wait_dma2 semaphore(%run_scoped3A : memref<!tpu.dma_semaphore, #tpu.memory_space<semaphore_mem>>) src(%arg6 : memref<64x1024xf32, #tpu.memory_space<vmem>>) dst(%dma_wait3A_16 : memref<64x1024xf32, #tpu.memory_space<hbm>>)
      tpu.yield
    }) : () -> ()
    return
  }
}

#map = affine_map<(d0, d1) -> (0, 0)>
module attributes {stable_mosaic.version = 14 : i64} {
  func.func @copy_k(%arg0: i32, %arg1: i32, %arg2: memref<16384x1024xf32, #tpu.memory_space<hbm>>, %arg3: memref<2048x1024xf32, #tpu.memory_space<hbm>>, %arg4: memref<16384x1024xf32, #tpu.memory_space<hbm>>, %arg5: memref<128x1024xf32, #tpu.memory_space<vmem>>) attributes {dimension_semantics = [#tpu.dimension_semantics<core_parallel>, #tpu.dimension_semantics<subcore_parallel>], iteration_bounds = array<i64: 2, 16>, scalar_prefetch = 0 : i64, scratch_operands = 1 : i64, tpu.core_type = #tpu.core_type<sc_vector_subcore>, window_params = [{transform_indices = #map}, {transform_indices = #map}, {transform_indices = #map}]} {
    %mul3A = arith.constant 2 : i32
    %mul3A_0 = arith.muli %arg1, %mul3A : i32
    %add3A = arith.addi %mul3A_0, %arg0 : i32
    %mul3A_1 = arith.constant 512 : i32
    %mul3A_2 = arith.muli %add3A, %mul3A_1 : i32
    %add3A_3 = arith.constant 0 : i32
    %add3A_4 = arith.addi %mul3A_2, %add3A_3 : i32
    "tpu.region"() ({
      %run_scoped3A = tpu.sem_alloc : memref<!tpu.dma_semaphore, #tpu.memory_space<semaphore_mem>>
      %dma_start3A = arith.constant 0 : i32
      %dma_start3A_11 = tpu.memref_slice %arg2[%add3A_4, %dma_start3A] : memref<16384x1024xf32, #tpu.memory_space<hbm>> -> memref<128x1024xf32, #tpu.memory_space<hbm>>
      %dma_start3A_12 = arith.constant 0 : i32
      %dma_start3A_13 = tpu.memref_slice %arg2[%add3A_4, %dma_start3A_12] : memref<16384x1024xf32, #tpu.memory_space<hbm>> -> memref<128x1024xf32, #tpu.memory_space<hbm>>
      tpu.enqueue_dma source(%dma_start3A_13 : memref<128x1024xf32, #tpu.memory_space<hbm>>) target(%arg5 : memref<128x1024xf32, #tpu.memory_space<vmem>>) target_semaphore(%run_scoped3A : memref<!tpu.dma_semaphore, #tpu.memory_space<semaphore_mem>>)
      %dma_wait3A = arith.constant 0 : i32
      %dma_wait3A_14 = tpu.memref_slice %arg2[%add3A_4, %dma_wait3A] : memref<16384x1024xf32, #tpu.memory_space<hbm>> -> memref<128x1024xf32, #tpu.memory_space<hbm>>
      %dma_wait3A_15 = arith.constant 0 : i32
      %dma_wait3A_16 = tpu.memref_slice %arg2[%add3A_4, %dma_wait3A_15] : memref<16384x1024xf32, #tpu.memory_space<hbm>> -> memref<128x1024xf32, #tpu.memory_space<hbm>>
      tpu.wait_dma2 semaphore(%run_scoped3A : memref<!tpu.dma_semaphore, #tpu.memory_space<semaphore_mem>>) src(%dma_wait3A_16 : memref<128x1024xf32, #tpu.memory_space<hbm>>) dst(%arg5 : memref<128x1024xf32, #tpu.memory_space<vmem>>)
      tpu.yield
    }) : () -> ()
    "tpu.region"() ({
      %run_scoped3A = tpu.sem_alloc : memref<!tpu.dma_semaphore, #tpu.memory_space<semaphore_mem>>
      %dma_start3A = arith.constant 0 : i32
      %dma_start3A_11 = tpu.memref_slice %arg4[%add3A_4, %dma_start3A] : memref<16384x1024xf32, #tpu.memory_space<hbm>> -> memref<128x1024xf32, #tpu.memory_space<hbm>>
      %dma_start3A_12 = arith.constant 0 : i32
      %dma_start3A_13 = tpu.memref_slice %arg4[%add3A_4, %dma_start3A_12] : memref<16384x1024xf32, #tpu.memory_space<hbm>> -> memref<128x1024xf32, #tpu.memory_space<hbm>>
      tpu.enqueue_dma source(%arg5 : memref<128x1024xf32, #tpu.memory_space<vmem>>) target(%dma_start3A_13 : memref<128x1024xf32, #tpu.memory_space<hbm>>) target_semaphore(%run_scoped3A : memref<!tpu.dma_semaphore, #tpu.memory_space<semaphore_mem>>)
      %dma_wait3A = arith.constant 0 : i32
      %dma_wait3A_14 = tpu.memref_slice %arg4[%add3A_4, %dma_wait3A] : memref<16384x1024xf32, #tpu.memory_space<hbm>> -> memref<128x1024xf32, #tpu.memory_space<hbm>>
      %dma_wait3A_15 = arith.constant 0 : i32
      %dma_wait3A_16 = tpu.memref_slice %arg4[%add3A_4, %dma_wait3A_15] : memref<16384x1024xf32, #tpu.memory_space<hbm>> -> memref<128x1024xf32, #tpu.memory_space<hbm>>
      tpu.wait_dma2 semaphore(%run_scoped3A : memref<!tpu.dma_semaphore, #tpu.memory_space<semaphore_mem>>) src(%arg5 : memref<128x1024xf32, #tpu.memory_space<vmem>>) dst(%dma_wait3A_16 : memref<128x1024xf32, #tpu.memory_space<hbm>>)
      tpu.yield
    }) : () -> ()
    %add3A_5 = arith.constant 128 : i32
    %add3A_6 = arith.addi %mul3A_2, %add3A_5 : i32
    "tpu.region"() ({
      %run_scoped3A = tpu.sem_alloc : memref<!tpu.dma_semaphore, #tpu.memory_space<semaphore_mem>>
      %dma_start3A = arith.constant 0 : i32
      %dma_start3A_11 = tpu.memref_slice %arg2[%add3A_6, %dma_start3A] : memref<16384x1024xf32, #tpu.memory_space<hbm>> -> memref<128x1024xf32, #tpu.memory_space<hbm>>
      %dma_start3A_12 = arith.constant 0 : i32
      %dma_start3A_13 = tpu.memref_slice %arg2[%add3A_6, %dma_start3A_12] : memref<16384x1024xf32, #tpu.memory_space<hbm>> -> memref<128x1024xf32, #tpu.memory_space<hbm>>
      tpu.enqueue_dma source(%dma_start3A_13 : memref<128x1024xf32, #tpu.memory_space<hbm>>) target(%arg5 : memref<128x1024xf32, #tpu.memory_space<vmem>>) target_semaphore(%run_scoped3A : memref<!tpu.dma_semaphore, #tpu.memory_space<semaphore_mem>>)
      %dma_wait3A = arith.constant 0 : i32
      %dma_wait3A_14 = tpu.memref_slice %arg2[%add3A_6, %dma_wait3A] : memref<16384x1024xf32, #tpu.memory_space<hbm>> -> memref<128x1024xf32, #tpu.memory_space<hbm>>
      %dma_wait3A_15 = arith.constant 0 : i32
      %dma_wait3A_16 = tpu.memref_slice %arg2[%add3A_6, %dma_wait3A_15] : memref<16384x1024xf32, #tpu.memory_space<hbm>> -> memref<128x1024xf32, #tpu.memory_space<hbm>>
      tpu.wait_dma2 semaphore(%run_scoped3A : memref<!tpu.dma_semaphore, #tpu.memory_space<semaphore_mem>>) src(%dma_wait3A_16 : memref<128x1024xf32, #tpu.memory_space<hbm>>) dst(%arg5 : memref<128x1024xf32, #tpu.memory_space<vmem>>)
      tpu.yield
    }) : () -> ()
    "tpu.region"() ({
      %run_scoped3A = tpu.sem_alloc : memref<!tpu.dma_semaphore, #tpu.memory_space<semaphore_mem>>
      %dma_start3A = arith.constant 0 : i32
      %dma_start3A_11 = tpu.memref_slice %arg4[%add3A_6, %dma_start3A] : memref<16384x1024xf32, #tpu.memory_space<hbm>> -> memref<128x1024xf32, #tpu.memory_space<hbm>>
      %dma_start3A_12 = arith.constant 0 : i32
      %dma_start3A_13 = tpu.memref_slice %arg4[%add3A_6, %dma_start3A_12] : memref<16384x1024xf32, #tpu.memory_space<hbm>> -> memref<128x1024xf32, #tpu.memory_space<hbm>>
      tpu.enqueue_dma source(%arg5 : memref<128x1024xf32, #tpu.memory_space<vmem>>) target(%dma_start3A_13 : memref<128x1024xf32, #tpu.memory_space<hbm>>) target_semaphore(%run_scoped3A : memref<!tpu.dma_semaphore, #tpu.memory_space<semaphore_mem>>)
      %dma_wait3A = arith.constant 0 : i32
      %dma_wait3A_14 = tpu.memref_slice %arg4[%add3A_6, %dma_wait3A] : memref<16384x1024xf32, #tpu.memory_space<hbm>> -> memref<128x1024xf32, #tpu.memory_space<hbm>>
      %dma_wait3A_15 = arith.constant 0 : i32
      %dma_wait3A_16 = tpu.memref_slice %arg4[%add3A_6, %dma_wait3A_15] : memref<16384x1024xf32, #tpu.memory_space<hbm>> -> memref<128x1024xf32, #tpu.memory_space<hbm>>
      tpu.wait_dma2 semaphore(%run_scoped3A : memref<!tpu.dma_semaphore, #tpu.memory_space<semaphore_mem>>) src(%arg5 : memref<128x1024xf32, #tpu.memory_space<vmem>>) dst(%dma_wait3A_16 : memref<128x1024xf32, #tpu.memory_space<hbm>>)
      tpu.yield
    }) : () -> ()
    %add3A_7 = arith.constant 256 : i32
    %add3A_8 = arith.addi %mul3A_2, %add3A_7 : i32
    "tpu.region"() ({
      %run_scoped3A = tpu.sem_alloc : memref<!tpu.dma_semaphore, #tpu.memory_space<semaphore_mem>>
      %dma_start3A = arith.constant 0 : i32
      %dma_start3A_11 = tpu.memref_slice %arg2[%add3A_8, %dma_start3A] : memref<16384x1024xf32, #tpu.memory_space<hbm>> -> memref<128x1024xf32, #tpu.memory_space<hbm>>
      %dma_start3A_12 = arith.constant 0 : i32
      %dma_start3A_13 = tpu.memref_slice %arg2[%add3A_8, %dma_start3A_12] : memref<16384x1024xf32, #tpu.memory_space<hbm>> -> memref<128x1024xf32, #tpu.memory_space<hbm>>
      tpu.enqueue_dma source(%dma_start3A_13 : memref<128x1024xf32, #tpu.memory_space<hbm>>) target(%arg5 : memref<128x1024xf32, #tpu.memory_space<vmem>>) target_semaphore(%run_scoped3A : memref<!tpu.dma_semaphore, #tpu.memory_space<semaphore_mem>>)
      %dma_wait3A = arith.constant 0 : i32
      %dma_wait3A_14 = tpu.memref_slice %arg2[%add3A_8, %dma_wait3A] : memref<16384x1024xf32, #tpu.memory_space<hbm>> -> memref<128x1024xf32, #tpu.memory_space<hbm>>
      %dma_wait3A_15 = arith.constant 0 : i32
      %dma_wait3A_16 = tpu.memref_slice %arg2[%add3A_8, %dma_wait3A_15] : memref<16384x1024xf32, #tpu.memory_space<hbm>> -> memref<128x1024xf32, #tpu.memory_space<hbm>>
      tpu.wait_dma2 semaphore(%run_scoped3A : memref<!tpu.dma_semaphore, #tpu.memory_space<semaphore_mem>>) src(%dma_wait3A_16 : memref<128x1024xf32, #tpu.memory_space<hbm>>) dst(%arg5 : memref<128x1024xf32, #tpu.memory_space<vmem>>)
      tpu.yield
    }) : () -> ()
    "tpu.region"() ({
      %run_scoped3A = tpu.sem_alloc : memref<!tpu.dma_semaphore, #tpu.memory_space<semaphore_mem>>
      %dma_start3A = arith.constant 0 : i32
      %dma_start3A_11 = tpu.memref_slice %arg4[%add3A_8, %dma_start3A] : memref<16384x1024xf32, #tpu.memory_space<hbm>> -> memref<128x1024xf32, #tpu.memory_space<hbm>>
      %dma_start3A_12 = arith.constant 0 : i32
      %dma_start3A_13 = tpu.memref_slice %arg4[%add3A_8, %dma_start3A_12] : memref<16384x1024xf32, #tpu.memory_space<hbm>> -> memref<128x1024xf32, #tpu.memory_space<hbm>>
      tpu.enqueue_dma source(%arg5 : memref<128x1024xf32, #tpu.memory_space<vmem>>) target(%dma_start3A_13 : memref<128x1024xf32, #tpu.memory_space<hbm>>) target_semaphore(%run_scoped3A : memref<!tpu.dma_semaphore, #tpu.memory_space<semaphore_mem>>)
      %dma_wait3A = arith.constant 0 : i32
      %dma_wait3A_14 = tpu.memref_slice %arg4[%add3A_8, %dma_wait3A] : memref<16384x1024xf32, #tpu.memory_space<hbm>> -> memref<128x1024xf32, #tpu.memory_space<hbm>>
      %dma_wait3A_15 = arith.constant 0 : i32
      %dma_wait3A_16 = tpu.memref_slice %arg4[%add3A_8, %dma_wait3A_15] : memref<16384x1024xf32, #tpu.memory_space<hbm>> -> memref<128x1024xf32, #tpu.memory_space<hbm>>
      tpu.wait_dma2 semaphore(%run_scoped3A : memref<!tpu.dma_semaphore, #tpu.memory_space<semaphore_mem>>) src(%arg5 : memref<128x1024xf32, #tpu.memory_space<vmem>>) dst(%dma_wait3A_16 : memref<128x1024xf32, #tpu.memory_space<hbm>>)
      tpu.yield
    }) : () -> ()
    %add3A_9 = arith.constant 384 : i32
    %add3A_10 = arith.addi %mul3A_2, %add3A_9 : i32
    "tpu.region"() ({
      %run_scoped3A = tpu.sem_alloc : memref<!tpu.dma_semaphore, #tpu.memory_space<semaphore_mem>>
      %dma_start3A = arith.constant 0 : i32
      %dma_start3A_11 = tpu.memref_slice %arg2[%add3A_10, %dma_start3A] : memref<16384x1024xf32, #tpu.memory_space<hbm>> -> memref<128x1024xf32, #tpu.memory_space<hbm>>
      %dma_start3A_12 = arith.constant 0 : i32
      %dma_start3A_13 = tpu.memref_slice %arg2[%add3A_10, %dma_start3A_12] : memref<16384x1024xf32, #tpu.memory_space<hbm>> -> memref<128x1024xf32, #tpu.memory_space<hbm>>
      tpu.enqueue_dma source(%dma_start3A_13 : memref<128x1024xf32, #tpu.memory_space<hbm>>) target(%arg5 : memref<128x1024xf32, #tpu.memory_space<vmem>>) target_semaphore(%run_scoped3A : memref<!tpu.dma_semaphore, #tpu.memory_space<semaphore_mem>>)
      %dma_wait3A = arith.constant 0 : i32
      %dma_wait3A_14 = tpu.memref_slice %arg2[%add3A_10, %dma_wait3A] : memref<16384x1024xf32, #tpu.memory_space<hbm>> -> memref<128x1024xf32, #tpu.memory_space<hbm>>
      %dma_wait3A_15 = arith.constant 0 : i32
      %dma_wait3A_16 = tpu.memref_slice %arg2[%add3A_10, %dma_wait3A_15] : memref<16384x1024xf32, #tpu.memory_space<hbm>> -> memref<128x1024xf32, #tpu.memory_space<hbm>>
      tpu.wait_dma2 semaphore(%run_scoped3A : memref<!tpu.dma_semaphore, #tpu.memory_space<semaphore_mem>>) src(%dma_wait3A_16 : memref<128x1024xf32, #tpu.memory_space<hbm>>) dst(%arg5 : memref<128x1024xf32, #tpu.memory_space<vmem>>)
      tpu.yield
    }) : () -> ()
    "tpu.region"() ({
      %run_scoped3A = tpu.sem_alloc : memref<!tpu.dma_semaphore, #tpu.memory_space<semaphore_mem>>
      %dma_start3A = arith.constant 0 : i32
      %dma_start3A_11 = tpu.memref_slice %arg4[%add3A_10, %dma_start3A] : memref<16384x1024xf32, #tpu.memory_space<hbm>> -> memref<128x1024xf32, #tpu.memory_space<hbm>>
      %dma_start3A_12 = arith.constant 0 : i32
      %dma_start3A_13 = tpu.memref_slice %arg4[%add3A_10, %dma_start3A_12] : memref<16384x1024xf32, #tpu.memory_space<hbm>> -> memref<128x1024xf32, #tpu.memory_space<hbm>>
      tpu.enqueue_dma source(%arg5 : memref<128x1024xf32, #tpu.memory_space<vmem>>) target(%dma_start3A_13 : memref<128x1024xf32, #tpu.memory_space<hbm>>) target_semaphore(%run_scoped3A : memref<!tpu.dma_semaphore, #tpu.memory_space<semaphore_mem>>)
      %dma_wait3A = arith.constant 0 : i32
      %dma_wait3A_14 = tpu.memref_slice %arg4[%add3A_10, %dma_wait3A] : memref<16384x1024xf32, #tpu.memory_space<hbm>> -> memref<128x1024xf32, #tpu.memory_space<hbm>>
      %dma_wait3A_15 = arith.constant 0 : i32
      %dma_wait3A_16 = tpu.memref_slice %arg4[%add3A_10, %dma_wait3A_15] : memref<16384x1024xf32, #tpu.memory_space<hbm>> -> memref<128x1024xf32, #tpu.memory_space<hbm>>
      tpu.wait_dma2 semaphore(%run_scoped3A : memref<!tpu.dma_semaphore, #tpu.memory_space<semaphore_mem>>) src(%arg5 : memref<128x1024xf32, #tpu.memory_space<vmem>>) dst(%dma_wait3A_16 : memref<128x1024xf32, #tpu.memory_space<hbm>>)
      tpu.yield
    }) : () -> ()
    return
  }
}

#map = affine_map<(d0, d1) -> (0, 0)>
#map1 = affine_map<(d0, d1) -> (0)>
module attributes {stable_mosaic.version = 14 : i64} {
  func.func @new_body(%arg0: i32, %arg1: i32, %arg2: memref<16384x1024xf32, #tpu.memory_space<hbm>>, %arg3: memref<2048x1024xf32, #tpu.memory_space<hbm>>, %arg4: memref<2048xi32, #tpu.memory_space<hbm>>, %arg5: memref<16384x1024xf32, #tpu.memory_space<hbm>>, %arg6: memref<64xi32, #tpu.memory_space<vmem>>, %arg7: memref<64x1024xf32, #tpu.memory_space<vmem>>, %arg8: memref<!tpu.dma_semaphore, #tpu.memory_space<semaphore_mem>>) attributes {dimension_semantics = [#tpu.dimension_semantics<core_parallel>, #tpu.dimension_semantics<subcore_parallel>], iteration_bounds = array<i64: 2, 16>, scalar_prefetch = 0 : i64, scratch_operands = 3 : i64, tpu.core_type = #tpu.core_type<sc_vector_subcore>, window_params = [{transform_indices = #map}, {transform_indices = #map}, {transform_indices = #map1}, {transform_indices = #map}]} {
    %mul3A = arith.constant 2 : i32
    %mul3A_0 = arith.muli %arg1, %mul3A : i32
    %add3A = arith.addi %mul3A_0, %arg0 : i32
    %mul3A_1 = arith.constant 64 : i32
    %mul3A_2 = arith.muli %add3A, %mul3A_1 : i32
    %add3A_3 = arith.constant 0 : i32
    %add3A_4 = arith.addi %mul3A_2, %add3A_3 : i32
    "tpu.region"() ({
      %run_scoped3A = tpu.sem_alloc : memref<!tpu.dma_semaphore, #tpu.memory_space<semaphore_mem>>
      %dma_start3A_9 = tpu.memref_slice %arg4[%add3A_4] : memref<2048xi32, #tpu.memory_space<hbm>> -> memref<64xi32, #tpu.memory_space<hbm>>
      %dma_start3A_10 = tpu.memref_slice %arg4[%add3A_4] : memref<2048xi32, #tpu.memory_space<hbm>> -> memref<64xi32, #tpu.memory_space<hbm>>
      tpu.enqueue_dma source(%dma_start3A_10 : memref<64xi32, #tpu.memory_space<hbm>>) target(%arg6 : memref<64xi32, #tpu.memory_space<vmem>>) target_semaphore(%run_scoped3A : memref<!tpu.dma_semaphore, #tpu.memory_space<semaphore_mem>>)
      %dma_wait3A_11 = tpu.memref_slice %arg4[%add3A_4] : memref<2048xi32, #tpu.memory_space<hbm>> -> memref<64xi32, #tpu.memory_space<hbm>>
      %dma_wait3A_12 = tpu.memref_slice %arg4[%add3A_4] : memref<2048xi32, #tpu.memory_space<hbm>> -> memref<64xi32, #tpu.memory_space<hbm>>
      tpu.wait_dma2 semaphore(%run_scoped3A : memref<!tpu.dma_semaphore, #tpu.memory_space<semaphore_mem>>) src(%dma_wait3A_12 : memref<64xi32, #tpu.memory_space<hbm>>) dst(%arg6 : memref<64xi32, #tpu.memory_space<vmem>>)
      tpu.yield
    }) : () -> ()
    "tpu.region"() ({
      %run_scoped3A = tpu.sem_alloc : memref<!tpu.dma_semaphore, #tpu.memory_space<semaphore_mem>>
      %dma_start3A_9 = arith.constant 0 : i32
      %dma_start3A_10 = tpu.memref_slice %arg3[%add3A_4, %dma_start3A_9] : memref<2048x1024xf32, #tpu.memory_space<hbm>> -> memref<64x1024xf32, #tpu.memory_space<hbm>>
      %dma_start3A_11 = arith.constant 0 : i32
      %dma_start3A_12 = tpu.memref_slice %arg3[%add3A_4, %dma_start3A_11] : memref<2048x1024xf32, #tpu.memory_space<hbm>> -> memref<64x1024xf32, #tpu.memory_space<hbm>>
      tpu.enqueue_dma source(%dma_start3A_12 : memref<64x1024xf32, #tpu.memory_space<hbm>>) target(%arg7 : memref<64x1024xf32, #tpu.memory_space<vmem>>) target_semaphore(%run_scoped3A : memref<!tpu.dma_semaphore, #tpu.memory_space<semaphore_mem>>)
      %dma_wait3A_13 = arith.constant 0 : i32
      %dma_wait3A_14 = tpu.memref_slice %arg3[%add3A_4, %dma_wait3A_13] : memref<2048x1024xf32, #tpu.memory_space<hbm>> -> memref<64x1024xf32, #tpu.memory_space<hbm>>
      %dma_wait3A_15 = arith.constant 0 : i32
      %dma_wait3A_16 = tpu.memref_slice %arg3[%add3A_4, %dma_wait3A_15] : memref<2048x1024xf32, #tpu.memory_space<hbm>> -> memref<64x1024xf32, #tpu.memory_space<hbm>>
      tpu.wait_dma2 semaphore(%run_scoped3A : memref<!tpu.dma_semaphore, #tpu.memory_space<semaphore_mem>>) src(%dma_wait3A_16 : memref<64x1024xf32, #tpu.memory_space<hbm>>) dst(%arg7 : memref<64x1024xf32, #tpu.memory_space<vmem>>)
      tpu.yield
    }) : () -> ()
    %dma_start3A = arith.constant 0 : i32
    %dma_start3A_5 = arith.constant 0 : i32
    %dma_start3A_6 = tpu.memref_slice %arg2[%dma_start3A, %dma_start3A_5] : memref<16384x1024xf32, #tpu.memory_space<hbm>> -> memref<16384x1024xf32, #tpu.memory_space<hbm>>
    tpu.enqueue_indirect_dma source(%arg7 : memref<64x1024xf32, #tpu.memory_space<vmem>>) target(%dma_start3A_6 : memref<16384x1024xf32, #tpu.memory_space<hbm>>) offsets(%arg6 : memref<64xi32, #tpu.memory_space<vmem>>) semaphore(%arg8 : memref<!tpu.dma_semaphore, #tpu.memory_space<semaphore_mem>>)
    %dma_wait3A = arith.constant 0 : i32
    %dma_wait3A_7 = arith.constant 0 : i32
    %dma_wait3A_8 = tpu.memref_slice %arg2[%dma_wait3A, %dma_wait3A_7] : memref<16384x1024xf32, #tpu.memory_space<hbm>> -> memref<16384x1024xf32, #tpu.memory_space<hbm>>
    tpu.wait_indirect_dma semaphore(%arg8 : memref<!tpu.dma_semaphore, #tpu.memory_space<semaphore_mem>>) src(%arg7 : memref<64x1024xf32, #tpu.memory_space<vmem>>) dst(%dma_wait3A_8 : memref<16384x1024xf32, #tpu.memory_space<hbm>>)
    return
  }
}

#map = affine_map<(d0, d1) -> (0, 0)>
#map1 = affine_map<(d0, d1) -> (0)>
module attributes {stable_mosaic.version = 14 : i64} {
  func.func @gather_k(%arg0: i32, %arg1: i32, %arg2: memref<16384x1024xf32, #tpu.memory_space<hbm>>, %arg3: memref<2048xi32, #tpu.memory_space<hbm>>, %arg4: memref<2048x1024xf32, #tpu.memory_space<hbm>>, %arg5: memref<64xi32, #tpu.memory_space<vmem>>, %arg6: memref<64x1024xf32, #tpu.memory_space<vmem>>, %arg7: memref<!tpu.dma_semaphore, #tpu.memory_space<semaphore_mem>>) attributes {dimension_semantics = [#tpu.dimension_semantics<core_parallel>, #tpu.dimension_semantics<subcore_parallel>], iteration_bounds = array<i64: 2, 16>, scalar_prefetch = 0 : i64, scratch_operands = 3 : i64, tpu.core_type = #tpu.core_type<sc_vector_subcore>, window_params = [{transform_indices = #map}, {transform_indices = #map1}, {transform_indices = #map}]} {
    %mul3A = arith.constant 2 : i32
    %mul3A_0 = arith.muli %arg1, %mul3A : i32
    %add3A = arith.addi %mul3A_0, %arg0 : i32
    %mul3A_1 = arith.constant 64 : i32
    %mul3A_2 = arith.muli %add3A, %mul3A_1 : i32
    %add3A_3 = arith.constant 0 : i32
    %add3A_4 = arith.addi %mul3A_2, %add3A_3 : i32
    "tpu.region"() ({
      %run_scoped3A = tpu.sem_alloc : memref<!tpu.dma_semaphore, #tpu.memory_space<semaphore_mem>>
      %dma_start3A_9 = tpu.memref_slice %arg3[%add3A_4] : memref<2048xi32, #tpu.memory_space<hbm>> -> memref<64xi32, #tpu.memory_space<hbm>>
      %dma_start3A_10 = tpu.memref_slice %arg3[%add3A_4] : memref<2048xi32, #tpu.memory_space<hbm>> -> memref<64xi32, #tpu.memory_space<hbm>>
      tpu.enqueue_dma source(%dma_start3A_10 : memref<64xi32, #tpu.memory_space<hbm>>) target(%arg5 : memref<64xi32, #tpu.memory_space<vmem>>) target_semaphore(%run_scoped3A : memref<!tpu.dma_semaphore, #tpu.memory_space<semaphore_mem>>)
      %dma_wait3A_11 = tpu.memref_slice %arg3[%add3A_4] : memref<2048xi32, #tpu.memory_space<hbm>> -> memref<64xi32, #tpu.memory_space<hbm>>
      %dma_wait3A_12 = tpu.memref_slice %arg3[%add3A_4] : memref<2048xi32, #tpu.memory_space<hbm>> -> memref<64xi32, #tpu.memory_space<hbm>>
      tpu.wait_dma2 semaphore(%run_scoped3A : memref<!tpu.dma_semaphore, #tpu.memory_space<semaphore_mem>>) src(%dma_wait3A_12 : memref<64xi32, #tpu.memory_space<hbm>>) dst(%arg5 : memref<64xi32, #tpu.memory_space<vmem>>)
      tpu.yield
    }) : () -> ()
    %dma_start3A = arith.constant 0 : i32
    %dma_start3A_5 = arith.constant 0 : i32
    %dma_start3A_6 = tpu.memref_slice %arg2[%dma_start3A, %dma_start3A_5] : memref<16384x1024xf32, #tpu.memory_space<hbm>> -> memref<16384x1024xf32, #tpu.memory_space<hbm>>
    tpu.enqueue_indirect_dma source(%dma_start3A_6 : memref<16384x1024xf32, #tpu.memory_space<hbm>>) target(%arg6 : memref<64x1024xf32, #tpu.memory_space<vmem>>) offsets(%arg5 : memref<64xi32, #tpu.memory_space<vmem>>) semaphore(%arg7 : memref<!tpu.dma_semaphore, #tpu.memory_space<semaphore_mem>>)
    %dma_wait3A = arith.constant 0 : i32
    %dma_wait3A_7 = arith.constant 0 : i32
    %dma_wait3A_8 = tpu.memref_slice %arg2[%dma_wait3A, %dma_wait3A_7] : memref<16384x1024xf32, #tpu.memory_space<hbm>> -> memref<16384x1024xf32, #tpu.memory_space<hbm>>
    tpu.wait_indirect_dma semaphore(%arg7 : memref<!tpu.dma_semaphore, #tpu.memory_space<semaphore_mem>>) src(%dma_wait3A_8 : memref<16384x1024xf32, #tpu.memory_space<hbm>>) dst(%arg6 : memref<64x1024xf32, #tpu.memory_space<vmem>>)
    "tpu.region"() ({
      %run_scoped3A = tpu.sem_alloc : memref<!tpu.dma_semaphore, #tpu.memory_space<semaphore_mem>>
      %dma_start3A_9 = arith.constant 0 : i32
      %dma_start3A_10 = tpu.memref_slice %arg4[%add3A_4, %dma_start3A_9] : memref<2048x1024xf32, #tpu.memory_space<hbm>> -> memref<64x1024xf32, #tpu.memory_space<hbm>>
      %dma_start3A_11 = arith.constant 0 : i32
      %dma_start3A_12 = tpu.memref_slice %arg4[%add3A_4, %dma_start3A_11] : memref<2048x1024xf32, #tpu.memory_space<hbm>> -> memref<64x1024xf32, #tpu.memory_space<hbm>>
      tpu.enqueue_dma source(%arg6 : memref<64x1024xf32, #tpu.memory_space<vmem>>) target(%dma_start3A_12 : memref<64x1024xf32, #tpu.memory_space<hbm>>) target_semaphore(%run_scoped3A : memref<!tpu.dma_semaphore, #tpu.memory_space<semaphore_mem>>)
      %dma_wait3A_13 = arith.constant 0 : i32
      %dma_wait3A_14 = tpu.memref_slice %arg4[%add3A_4, %dma_wait3A_13] : memref<2048x1024xf32, #tpu.memory_space<hbm>> -> memref<64x1024xf32, #tpu.memory_space<hbm>>
      %dma_wait3A_15 = arith.constant 0 : i32
      %dma_wait3A_16 = tpu.memref_slice %arg4[%add3A_4, %dma_wait3A_15] : memref<2048x1024xf32, #tpu.memory_space<hbm>> -> memref<64x1024xf32, #tpu.memory_space<hbm>>
      tpu.wait_dma2 semaphore(%run_scoped3A : memref<!tpu.dma_semaphore, #tpu.memory_space<semaphore_mem>>) src(%arg6 : memref<64x1024xf32, #tpu.memory_space<vmem>>) dst(%dma_wait3A_16 : memref<64x1024xf32, #tpu.memory_space<hbm>>)
      tpu.yield
    }) : () -> ()
    return
  }
}

#map = affine_map<(d0, d1) -> (0, 0)>
#map1 = affine_map<(d0, d1) -> (0)>
module attributes {stable_mosaic.version = 14 : i64} {
  func.func @gather_k(%arg0: i32, %arg1: i32, %arg2: memref<16384x1024xf32, #tpu.memory_space<hbm>>, %arg3: memref<2048xi32, #tpu.memory_space<hbm>>, %arg4: memref<2048x1024xf32, #tpu.memory_space<hbm>>, %arg5: memref<64xi32, #tpu.memory_space<vmem>>, %arg6: memref<64x1024xf32, #tpu.memory_space<vmem>>, %arg7: memref<!tpu.dma_semaphore, #tpu.memory_space<semaphore_mem>>) attributes {dimension_semantics = [#tpu.dimension_semantics<core_parallel>, #tpu.dimension_semantics<subcore_parallel>], iteration_bounds = array<i64: 2, 16>, scalar_prefetch = 0 : i64, scratch_operands = 3 : i64, tpu.core_type = #tpu.core_type<sc_vector_subcore>, window_params = [{transform_indices = #map}, {transform_indices = #map1}, {transform_indices = #map}]} {
    %mul3A = arith.constant 2 : i32
    %mul3A_0 = arith.muli %arg1, %mul3A : i32
    %add3A = arith.addi %mul3A_0, %arg0 : i32
    %mul3A_1 = arith.constant 64 : i32
    %mul3A_2 = arith.muli %add3A, %mul3A_1 : i32
    %add3A_3 = arith.constant 0 : i32
    %add3A_4 = arith.addi %mul3A_2, %add3A_3 : i32
    "tpu.region"() ({
      %run_scoped3A = tpu.sem_alloc : memref<!tpu.dma_semaphore, #tpu.memory_space<semaphore_mem>>
      %dma_start3A_9 = tpu.memref_slice %arg3[%add3A_4] : memref<2048xi32, #tpu.memory_space<hbm>> -> memref<64xi32, #tpu.memory_space<hbm>>
      %dma_start3A_10 = tpu.memref_slice %arg3[%add3A_4] : memref<2048xi32, #tpu.memory_space<hbm>> -> memref<64xi32, #tpu.memory_space<hbm>>
      tpu.enqueue_dma source(%dma_start3A_10 : memref<64xi32, #tpu.memory_space<hbm>>) target(%arg5 : memref<64xi32, #tpu.memory_space<vmem>>) target_semaphore(%run_scoped3A : memref<!tpu.dma_semaphore, #tpu.memory_space<semaphore_mem>>)
      %dma_wait3A_11 = tpu.memref_slice %arg3[%add3A_4] : memref<2048xi32, #tpu.memory_space<hbm>> -> memref<64xi32, #tpu.memory_space<hbm>>
      %dma_wait3A_12 = tpu.memref_slice %arg3[%add3A_4] : memref<2048xi32, #tpu.memory_space<hbm>> -> memref<64xi32, #tpu.memory_space<hbm>>
      tpu.wait_dma2 semaphore(%run_scoped3A : memref<!tpu.dma_semaphore, #tpu.memory_space<semaphore_mem>>) src(%dma_wait3A_12 : memref<64xi32, #tpu.memory_space<hbm>>) dst(%arg5 : memref<64xi32, #tpu.memory_space<vmem>>)
      tpu.yield
    }) : () -> ()
    %dma_start3A = arith.constant 0 : i32
    %dma_start3A_5 = arith.constant 0 : i32
    %dma_start3A_6 = tpu.memref_slice %arg2[%dma_start3A, %dma_start3A_5] : memref<16384x1024xf32, #tpu.memory_space<hbm>> -> memref<16384x1024xf32, #tpu.memory_space<hbm>>
    tpu.enqueue_indirect_dma source(%dma_start3A_6 : memref<16384x1024xf32, #tpu.memory_space<hbm>>) target(%arg6 : memref<64x1024xf32, #tpu.memory_space<vmem>>) offsets(%arg5 : memref<64xi32, #tpu.memory_space<vmem>>) semaphore(%arg7 : memref<!tpu.dma_semaphore, #tpu.memory_space<semaphore_mem>>)
    %dma_wait3A = arith.constant 0 : i32
    %dma_wait3A_7 = arith.constant 0 : i32
    %dma_wait3A_8 = tpu.memref_slice %arg2[%dma_wait3A, %dma_wait3A_7] : memref<16384x1024xf32, #tpu.memory_space<hbm>> -> memref<16384x1024xf32, #tpu.memory_space<hbm>>
    tpu.wait_indirect_dma semaphore(%arg7 : memref<!tpu.dma_semaphore, #tpu.memory_space<semaphore_mem>>) src(%dma_wait3A_8 : memref<16384x1024xf32, #tpu.memory_space<hbm>>) dst(%arg6 : memref<64x1024xf32, #tpu.memory_space<vmem>>)
    "tpu.region"() ({
      %run_scoped3A = tpu.sem_alloc : memref<!tpu.dma_semaphore, #tpu.memory_space<semaphore_mem>>
      %dma_start3A_9 = arith.constant 0 : i32
      %dma_start3A_10 = tpu.memref_slice %arg4[%add3A_4, %dma_start3A_9] : memref<2048x1024xf32, #tpu.memory_space<hbm>> -> memref<64x1024xf32, #tpu.memory_space<hbm>>
      %dma_start3A_11 = arith.constant 0 : i32
      %dma_start3A_12 = tpu.memref_slice %arg4[%add3A_4, %dma_start3A_11] : memref<2048x1024xf32, #tpu.memory_space<hbm>> -> memref<64x1024xf32, #tpu.memory_space<hbm>>
      tpu.enqueue_dma source(%arg6 : memref<64x1024xf32, #tpu.memory_space<vmem>>) target(%dma_start3A_12 : memref<64x1024xf32, #tpu.memory_space<hbm>>) target_semaphore(%run_scoped3A : memref<!tpu.dma_semaphore, #tpu.memory_space<semaphore_mem>>)
      %dma_wait3A_13 = arith.constant 0 : i32
      %dma_wait3A_14 = tpu.memref_slice %arg4[%add3A_4, %dma_wait3A_13] : memref<2048x1024xf32, #tpu.memory_space<hbm>> -> memref<64x1024xf32, #tpu.memory_space<hbm>>
      %dma_wait3A_15 = arith.constant 0 : i32
      %dma_wait3A_16 = tpu.memref_slice %arg4[%add3A_4, %dma_wait3A_15] : memref<2048x1024xf32, #tpu.memory_space<hbm>> -> memref<64x1024xf32, #tpu.memory_space<hbm>>
      tpu.wait_dma2 semaphore(%run_scoped3A : memref<!tpu.dma_semaphore, #tpu.memory_space<semaphore_mem>>) src(%arg6 : memref<64x1024xf32, #tpu.memory_space<vmem>>) dst(%dma_wait3A_16 : memref<64x1024xf32, #tpu.memory_space<hbm>>)
      tpu.yield
    }) : () -> ()
    return
  }
}

#map = affine_map<(d0, d1) -> (0, 0)>
#map1 = affine_map<(d0, d1) -> (0)>
module attributes {stable_mosaic.version = 14 : i64} {
  func.func @new_body(%arg0: i32, %arg1: i32, %arg2: memref<16384x1024xf32, #tpu.memory_space<hbm>>, %arg3: memref<2048x1024xf32, #tpu.memory_space<hbm>>, %arg4: memref<2048xi32, #tpu.memory_space<hbm>>, %arg5: memref<16384x1024xf32, #tpu.memory_space<hbm>>, %arg6: memref<64xi32, #tpu.memory_space<vmem>>, %arg7: memref<64x1024xf32, #tpu.memory_space<vmem>>, %arg8: memref<!tpu.dma_semaphore, #tpu.memory_space<semaphore_mem>>) attributes {dimension_semantics = [#tpu.dimension_semantics<core_parallel>, #tpu.dimension_semantics<subcore_parallel>], iteration_bounds = array<i64: 2, 16>, scalar_prefetch = 0 : i64, scratch_operands = 3 : i64, tpu.core_type = #tpu.core_type<sc_vector_subcore>, window_params = [{transform_indices = #map}, {transform_indices = #map}, {transform_indices = #map1}, {transform_indices = #map}]} {
    %mul3A = arith.constant 2 : i32
    %mul3A_0 = arith.muli %arg1, %mul3A : i32
    %add3A = arith.addi %mul3A_0, %arg0 : i32
    %mul3A_1 = arith.constant 64 : i32
    %mul3A_2 = arith.muli %add3A, %mul3A_1 : i32
    %add3A_3 = arith.constant 0 : i32
    %add3A_4 = arith.addi %mul3A_2, %add3A_3 : i32
    "tpu.region"() ({
      %run_scoped3A = tpu.sem_alloc : memref<!tpu.dma_semaphore, #tpu.memory_space<semaphore_mem>>
      %dma_start3A_9 = tpu.memref_slice %arg4[%add3A_4] : memref<2048xi32, #tpu.memory_space<hbm>> -> memref<64xi32, #tpu.memory_space<hbm>>
      %dma_start3A_10 = tpu.memref_slice %arg4[%add3A_4] : memref<2048xi32, #tpu.memory_space<hbm>> -> memref<64xi32, #tpu.memory_space<hbm>>
      tpu.enqueue_dma source(%dma_start3A_10 : memref<64xi32, #tpu.memory_space<hbm>>) target(%arg6 : memref<64xi32, #tpu.memory_space<vmem>>) target_semaphore(%run_scoped3A : memref<!tpu.dma_semaphore, #tpu.memory_space<semaphore_mem>>)
      %dma_wait3A_11 = tpu.memref_slice %arg4[%add3A_4] : memref<2048xi32, #tpu.memory_space<hbm>> -> memref<64xi32, #tpu.memory_space<hbm>>
      %dma_wait3A_12 = tpu.memref_slice %arg4[%add3A_4] : memref<2048xi32, #tpu.memory_space<hbm>> -> memref<64xi32, #tpu.memory_space<hbm>>
      tpu.wait_dma2 semaphore(%run_scoped3A : memref<!tpu.dma_semaphore, #tpu.memory_space<semaphore_mem>>) src(%dma_wait3A_12 : memref<64xi32, #tpu.memory_space<hbm>>) dst(%arg6 : memref<64xi32, #tpu.memory_space<vmem>>)
      tpu.yield
    }) : () -> ()
    "tpu.region"() ({
      %run_scoped3A = tpu.sem_alloc : memref<!tpu.dma_semaphore, #tpu.memory_space<semaphore_mem>>
      %dma_start3A_9 = arith.constant 0 : i32
      %dma_start3A_10 = tpu.memref_slice %arg3[%add3A_4, %dma_start3A_9] : memref<2048x1024xf32, #tpu.memory_space<hbm>> -> memref<64x1024xf32, #tpu.memory_space<hbm>>
      %dma_start3A_11 = arith.constant 0 : i32
      %dma_start3A_12 = tpu.memref_slice %arg3[%add3A_4, %dma_start3A_11] : memref<2048x1024xf32, #tpu.memory_space<hbm>> -> memref<64x1024xf32, #tpu.memory_space<hbm>>
      tpu.enqueue_dma source(%dma_start3A_12 : memref<64x1024xf32, #tpu.memory_space<hbm>>) target(%arg7 : memref<64x1024xf32, #tpu.memory_space<vmem>>) target_semaphore(%run_scoped3A : memref<!tpu.dma_semaphore, #tpu.memory_space<semaphore_mem>>)
      %dma_wait3A_13 = arith.constant 0 : i32
      %dma_wait3A_14 = tpu.memref_slice %arg3[%add3A_4, %dma_wait3A_13] : memref<2048x1024xf32, #tpu.memory_space<hbm>> -> memref<64x1024xf32, #tpu.memory_space<hbm>>
      %dma_wait3A_15 = arith.constant 0 : i32
      %dma_wait3A_16 = tpu.memref_slice %arg3[%add3A_4, %dma_wait3A_15] : memref<2048x1024xf32, #tpu.memory_space<hbm>> -> memref<64x1024xf32, #tpu.memory_space<hbm>>
      tpu.wait_dma2 semaphore(%run_scoped3A : memref<!tpu.dma_semaphore, #tpu.memory_space<semaphore_mem>>) src(%dma_wait3A_16 : memref<64x1024xf32, #tpu.memory_space<hbm>>) dst(%arg7 : memref<64x1024xf32, #tpu.memory_space<vmem>>)
      tpu.yield
    }) : () -> ()
    %dma_start3A = arith.constant 0 : i32
    %dma_start3A_5 = arith.constant 0 : i32
    %dma_start3A_6 = tpu.memref_slice %arg2[%dma_start3A, %dma_start3A_5] : memref<16384x1024xf32, #tpu.memory_space<hbm>> -> memref<16384x1024xf32, #tpu.memory_space<hbm>>
    tpu.enqueue_indirect_dma source(%arg7 : memref<64x1024xf32, #tpu.memory_space<vmem>>) target(%dma_start3A_6 : memref<16384x1024xf32, #tpu.memory_space<hbm>>) offsets(%arg6 : memref<64xi32, #tpu.memory_space<vmem>>) semaphore(%arg8 : memref<!tpu.dma_semaphore, #tpu.memory_space<semaphore_mem>>)
    %dma_wait3A = arith.constant 0 : i32
    %dma_wait3A_7 = arith.constant 0 : i32
    %dma_wait3A_8 = tpu.memref_slice %arg2[%dma_wait3A, %dma_wait3A_7] : memref<16384x1024xf32, #tpu.memory_space<hbm>> -> memref<16384x1024xf32, #tpu.memory_space<hbm>>
    tpu.wait_indirect_dma semaphore(%arg8 : memref<!tpu.dma_semaphore, #tpu.memory_space<semaphore_mem>>) src(%arg7 : memref<64x1024xf32, #tpu.memory_space<vmem>>) dst(%dma_wait3A_8 : memref<16384x1024xf32, #tpu.memory_space<hbm>>)
    return
  }
}

#map = affine_map<(d0, d1) -> (0, 0)>
#map1 = affine_map<(d0, d1) -> (0)>
module attributes {stable_mosaic.version = 14 : i64} {
  func.func @gather_k(%arg0: i32, %arg1: i32, %arg2: memref<16384x1024xf32, #tpu.memory_space<hbm>>, %arg3: memref<2048xi32, #tpu.memory_space<hbm>>, %arg4: memref<2048x1024xf32, #tpu.memory_space<hbm>>, %arg5: memref<64xi32, #tpu.memory_space<vmem>>, %arg6: memref<64x1024xf32, #tpu.memory_space<vmem>>, %arg7: memref<!tpu.dma_semaphore, #tpu.memory_space<semaphore_mem>>) attributes {dimension_semantics = [#tpu.dimension_semantics<core_parallel>, #tpu.dimension_semantics<subcore_parallel>], iteration_bounds = array<i64: 2, 16>, scalar_prefetch = 0 : i64, scratch_operands = 3 : i64, tpu.core_type = #tpu.core_type<sc_vector_subcore>, window_params = [{transform_indices = #map}, {transform_indices = #map1}, {transform_indices = #map}]} {
    %mul3A = arith.constant 2 : i32
    %mul3A_0 = arith.muli %arg1, %mul3A : i32
    %add3A = arith.addi %mul3A_0, %arg0 : i32
    %mul3A_1 = arith.constant 64 : i32
    %mul3A_2 = arith.muli %add3A, %mul3A_1 : i32
    %add3A_3 = arith.constant 0 : i32
    %add3A_4 = arith.addi %mul3A_2, %add3A_3 : i32
    "tpu.region"() ({
      %run_scoped3A = tpu.sem_alloc : memref<!tpu.dma_semaphore, #tpu.memory_space<semaphore_mem>>
      %dma_start3A_9 = tpu.memref_slice %arg3[%add3A_4] : memref<2048xi32, #tpu.memory_space<hbm>> -> memref<64xi32, #tpu.memory_space<hbm>>
      %dma_start3A_10 = tpu.memref_slice %arg3[%add3A_4] : memref<2048xi32, #tpu.memory_space<hbm>> -> memref<64xi32, #tpu.memory_space<hbm>>
      tpu.enqueue_dma source(%dma_start3A_10 : memref<64xi32, #tpu.memory_space<hbm>>) target(%arg5 : memref<64xi32, #tpu.memory_space<vmem>>) target_semaphore(%run_scoped3A : memref<!tpu.dma_semaphore, #tpu.memory_space<semaphore_mem>>)
      %dma_wait3A_11 = tpu.memref_slice %arg3[%add3A_4] : memref<2048xi32, #tpu.memory_space<hbm>> -> memref<64xi32, #tpu.memory_space<hbm>>
      %dma_wait3A_12 = tpu.memref_slice %arg3[%add3A_4] : memref<2048xi32, #tpu.memory_space<hbm>> -> memref<64xi32, #tpu.memory_space<hbm>>
      tpu.wait_dma2 semaphore(%run_scoped3A : memref<!tpu.dma_semaphore, #tpu.memory_space<semaphore_mem>>) src(%dma_wait3A_12 : memref<64xi32, #tpu.memory_space<hbm>>) dst(%arg5 : memref<64xi32, #tpu.memory_space<vmem>>)
      tpu.yield
    }) : () -> ()
    %dma_start3A = arith.constant 0 : i32
    %dma_start3A_5 = arith.constant 0 : i32
    %dma_start3A_6 = tpu.memref_slice %arg2[%dma_start3A, %dma_start3A_5] : memref<16384x1024xf32, #tpu.memory_space<hbm>> -> memref<16384x1024xf32, #tpu.memory_space<hbm>>
    tpu.enqueue_indirect_dma source(%dma_start3A_6 : memref<16384x1024xf32, #tpu.memory_space<hbm>>) target(%arg6 : memref<64x1024xf32, #tpu.memory_space<vmem>>) offsets(%arg5 : memref<64xi32, #tpu.memory_space<vmem>>) semaphore(%arg7 : memref<!tpu.dma_semaphore, #tpu.memory_space<semaphore_mem>>)
    %dma_wait3A = arith.constant 0 : i32
    %dma_wait3A_7 = arith.constant 0 : i32
    %dma_wait3A_8 = tpu.memref_slice %arg2[%dma_wait3A, %dma_wait3A_7] : memref<16384x1024xf32, #tpu.memory_space<hbm>> -> memref<16384x1024xf32, #tpu.memory_space<hbm>>
    tpu.wait_indirect_dma semaphore(%arg7 : memref<!tpu.dma_semaphore, #tpu.memory_space<semaphore_mem>>) src(%dma_wait3A_8 : memref<16384x1024xf32, #tpu.memory_space<hbm>>) dst(%arg6 : memref<64x1024xf32, #tpu.memory_space<vmem>>)
    "tpu.region"() ({
      %run_scoped3A = tpu.sem_alloc : memref<!tpu.dma_semaphore, #tpu.memory_space<semaphore_mem>>
      %dma_start3A_9 = arith.constant 0 : i32
      %dma_start3A_10 = tpu.memref_slice %arg4[%add3A_4, %dma_start3A_9] : memref<2048x1024xf32, #tpu.memory_space<hbm>> -> memref<64x1024xf32, #tpu.memory_space<hbm>>
      %dma_start3A_11 = arith.constant 0 : i32
      %dma_start3A_12 = tpu.memref_slice %arg4[%add3A_4, %dma_start3A_11] : memref<2048x1024xf32, #tpu.memory_space<hbm>> -> memref<64x1024xf32, #tpu.memory_space<hbm>>
      tpu.enqueue_dma source(%arg6 : memref<64x1024xf32, #tpu.memory_space<vmem>>) target(%dma_start3A_12 : memref<64x1024xf32, #tpu.memory_space<hbm>>) target_semaphore(%run_scoped3A : memref<!tpu.dma_semaphore, #tpu.memory_space<semaphore_mem>>)
      %dma_wait3A_13 = arith.constant 0 : i32
      %dma_wait3A_14 = tpu.memref_slice %arg4[%add3A_4, %dma_wait3A_13] : memref<2048x1024xf32, #tpu.memory_space<hbm>> -> memref<64x1024xf32, #tpu.memory_space<hbm>>
      %dma_wait3A_15 = arith.constant 0 : i32
      %dma_wait3A_16 = tpu.memref_slice %arg4[%add3A_4, %dma_wait3A_15] : memref<2048x1024xf32, #tpu.memory_space<hbm>> -> memref<64x1024xf32, #tpu.memory_space<hbm>>
      tpu.wait_dma2 semaphore(%run_scoped3A : memref<!tpu.dma_semaphore, #tpu.memory_space<semaphore_mem>>) src(%arg6 : memref<64x1024xf32, #tpu.memory_space<vmem>>) dst(%dma_wait3A_16 : memref<64x1024xf32, #tpu.memory_space<hbm>>)
      tpu.yield
    }) : () -> ()
    return
  }
}

#map = affine_map<(d0, d1) -> (0, 0)>
#map1 = affine_map<(d0, d1) -> (0)>
module attributes {stable_mosaic.version = 14 : i64} {
  func.func @new_body(%arg0: i32, %arg1: i32, %arg2: memref<16384x1024xf32, #tpu.memory_space<hbm>>, %arg3: memref<2048x1024xf32, #tpu.memory_space<hbm>>, %arg4: memref<2048xi32, #tpu.memory_space<hbm>>, %arg5: memref<16384x1024xf32, #tpu.memory_space<hbm>>, %arg6: memref<64xi32, #tpu.memory_space<vmem>>, %arg7: memref<64x1024xf32, #tpu.memory_space<vmem>>, %arg8: memref<!tpu.dma_semaphore, #tpu.memory_space<semaphore_mem>>) attributes {dimension_semantics = [#tpu.dimension_semantics<core_parallel>, #tpu.dimension_semantics<subcore_parallel>], iteration_bounds = array<i64: 2, 16>, scalar_prefetch = 0 : i64, scratch_operands = 3 : i64, tpu.core_type = #tpu.core_type<sc_vector_subcore>, window_params = [{transform_indices = #map}, {transform_indices = #map}, {transform_indices = #map1}, {transform_indices = #map}]} {
    %mul3A = arith.constant 2 : i32
    %mul3A_0 = arith.muli %arg1, %mul3A : i32
    %add3A = arith.addi %mul3A_0, %arg0 : i32
    %mul3A_1 = arith.constant 64 : i32
    %mul3A_2 = arith.muli %add3A, %mul3A_1 : i32
    %add3A_3 = arith.constant 0 : i32
    %add3A_4 = arith.addi %mul3A_2, %add3A_3 : i32
    "tpu.region"() ({
      %run_scoped3A = tpu.sem_alloc : memref<!tpu.dma_semaphore, #tpu.memory_space<semaphore_mem>>
      %dma_start3A_9 = tpu.memref_slice %arg4[%add3A_4] : memref<2048xi32, #tpu.memory_space<hbm>> -> memref<64xi32, #tpu.memory_space<hbm>>
      %dma_start3A_10 = tpu.memref_slice %arg4[%add3A_4] : memref<2048xi32, #tpu.memory_space<hbm>> -> memref<64xi32, #tpu.memory_space<hbm>>
      tpu.enqueue_dma source(%dma_start3A_10 : memref<64xi32, #tpu.memory_space<hbm>>) target(%arg6 : memref<64xi32, #tpu.memory_space<vmem>>) target_semaphore(%run_scoped3A : memref<!tpu.dma_semaphore, #tpu.memory_space<semaphore_mem>>)
      %dma_wait3A_11 = tpu.memref_slice %arg4[%add3A_4] : memref<2048xi32, #tpu.memory_space<hbm>> -> memref<64xi32, #tpu.memory_space<hbm>>
      %dma_wait3A_12 = tpu.memref_slice %arg4[%add3A_4] : memref<2048xi32, #tpu.memory_space<hbm>> -> memref<64xi32, #tpu.memory_space<hbm>>
      tpu.wait_dma2 semaphore(%run_scoped3A : memref<!tpu.dma_semaphore, #tpu.memory_space<semaphore_mem>>) src(%dma_wait3A_12 : memref<64xi32, #tpu.memory_space<hbm>>) dst(%arg6 : memref<64xi32, #tpu.memory_space<vmem>>)
      tpu.yield
    }) : () -> ()
    "tpu.region"() ({
      %run_scoped3A = tpu.sem_alloc : memref<!tpu.dma_semaphore, #tpu.memory_space<semaphore_mem>>
      %dma_start3A_9 = arith.constant 0 : i32
      %dma_start3A_10 = tpu.memref_slice %arg3[%add3A_4, %dma_start3A_9] : memref<2048x1024xf32, #tpu.memory_space<hbm>> -> memref<64x1024xf32, #tpu.memory_space<hbm>>
      %dma_start3A_11 = arith.constant 0 : i32
      %dma_start3A_12 = tpu.memref_slice %arg3[%add3A_4, %dma_start3A_11] : memref<2048x1024xf32, #tpu.memory_space<hbm>> -> memref<64x1024xf32, #tpu.memory_space<hbm>>
      tpu.enqueue_dma source(%dma_start3A_12 : memref<64x1024xf32, #tpu.memory_space<hbm>>) target(%arg7 : memref<64x1024xf32, #tpu.memory_space<vmem>>) target_semaphore(%run_scoped3A : memref<!tpu.dma_semaphore, #tpu.memory_space<semaphore_mem>>)
      %dma_wait3A_13 = arith.constant 0 : i32
      %dma_wait3A_14 = tpu.memref_slice %arg3[%add3A_4, %dma_wait3A_13] : memref<2048x1024xf32, #tpu.memory_space<hbm>> -> memref<64x1024xf32, #tpu.memory_space<hbm>>
      %dma_wait3A_15 = arith.constant 0 : i32
      %dma_wait3A_16 = tpu.memref_slice %arg3[%add3A_4, %dma_wait3A_15] : memref<2048x1024xf32, #tpu.memory_space<hbm>> -> memref<64x1024xf32, #tpu.memory_space<hbm>>
      tpu.wait_dma2 semaphore(%run_scoped3A : memref<!tpu.dma_semaphore, #tpu.memory_space<semaphore_mem>>) src(%dma_wait3A_16 : memref<64x1024xf32, #tpu.memory_space<hbm>>) dst(%arg7 : memref<64x1024xf32, #tpu.memory_space<vmem>>)
      tpu.yield
    }) : () -> ()
    %dma_start3A = arith.constant 0 : i32
    %dma_start3A_5 = arith.constant 0 : i32
    %dma_start3A_6 = tpu.memref_slice %arg2[%dma_start3A, %dma_start3A_5] : memref<16384x1024xf32, #tpu.memory_space<hbm>> -> memref<16384x1024xf32, #tpu.memory_space<hbm>>
    tpu.enqueue_indirect_dma source(%arg7 : memref<64x1024xf32, #tpu.memory_space<vmem>>) target(%dma_start3A_6 : memref<16384x1024xf32, #tpu.memory_space<hbm>>) offsets(%arg6 : memref<64xi32, #tpu.memory_space<vmem>>) semaphore(%arg8 : memref<!tpu.dma_semaphore, #tpu.memory_space<semaphore_mem>>)
    %dma_wait3A = arith.constant 0 : i32
    %dma_wait3A_7 = arith.constant 0 : i32
    %dma_wait3A_8 = tpu.memref_slice %arg2[%dma_wait3A, %dma_wait3A_7] : memref<16384x1024xf32, #tpu.memory_space<hbm>> -> memref<16384x1024xf32, #tpu.memory_space<hbm>>
    tpu.wait_indirect_dma semaphore(%arg8 : memref<!tpu.dma_semaphore, #tpu.memory_space<semaphore_mem>>) src(%arg7 : memref<64x1024xf32, #tpu.memory_space<vmem>>) dst(%dma_wait3A_8 : memref<16384x1024xf32, #tpu.memory_space<hbm>>)
    return
  }
}

#map = affine_map<(d0, d1) -> (0, 0)>
#map1 = affine_map<(d0, d1) -> (0)>
module attributes {stable_mosaic.version = 14 : i64} {
  func.func @new_body(%arg0: i32, %arg1: i32, %arg2: memref<16384x1024xf32, #tpu.memory_space<hbm>>, %arg3: memref<2048x1024xf32, #tpu.memory_space<hbm>>, %arg4: memref<2048xi32, #tpu.memory_space<hbm>>, %arg5: memref<16384x1024xf32, #tpu.memory_space<hbm>>, %arg6: memref<64xi32, #tpu.memory_space<vmem>>, %arg7: memref<64x1024xf32, #tpu.memory_space<vmem>>, %arg8: memref<!tpu.dma_semaphore, #tpu.memory_space<semaphore_mem>>) attributes {dimension_semantics = [#tpu.dimension_semantics<core_parallel>, #tpu.dimension_semantics<subcore_parallel>], iteration_bounds = array<i64: 2, 16>, scalar_prefetch = 0 : i64, scratch_operands = 3 : i64, tpu.core_type = #tpu.core_type<sc_vector_subcore>, window_params = [{transform_indices = #map}, {transform_indices = #map}, {transform_indices = #map1}, {transform_indices = #map}]} {
    %mul3A = arith.constant 2 : i32
    %mul3A_0 = arith.muli %arg1, %mul3A : i32
    %add3A = arith.addi %mul3A_0, %arg0 : i32
    %mul3A_1 = arith.constant 64 : i32
    %mul3A_2 = arith.muli %add3A, %mul3A_1 : i32
    %add3A_3 = arith.constant 0 : i32
    %add3A_4 = arith.addi %mul3A_2, %add3A_3 : i32
    "tpu.region"() ({
      %run_scoped3A = tpu.sem_alloc : memref<!tpu.dma_semaphore, #tpu.memory_space<semaphore_mem>>
      %dma_start3A_9 = tpu.memref_slice %arg4[%add3A_4] : memref<2048xi32, #tpu.memory_space<hbm>> -> memref<64xi32, #tpu.memory_space<hbm>>
      %dma_start3A_10 = tpu.memref_slice %arg4[%add3A_4] : memref<2048xi32, #tpu.memory_space<hbm>> -> memref<64xi32, #tpu.memory_space<hbm>>
      tpu.enqueue_dma source(%dma_start3A_10 : memref<64xi32, #tpu.memory_space<hbm>>) target(%arg6 : memref<64xi32, #tpu.memory_space<vmem>>) target_semaphore(%run_scoped3A : memref<!tpu.dma_semaphore, #tpu.memory_space<semaphore_mem>>)
      %dma_wait3A_11 = tpu.memref_slice %arg4[%add3A_4] : memref<2048xi32, #tpu.memory_space<hbm>> -> memref<64xi32, #tpu.memory_space<hbm>>
      %dma_wait3A_12 = tpu.memref_slice %arg4[%add3A_4] : memref<2048xi32, #tpu.memory_space<hbm>> -> memref<64xi32, #tpu.memory_space<hbm>>
      tpu.wait_dma2 semaphore(%run_scoped3A : memref<!tpu.dma_semaphore, #tpu.memory_space<semaphore_mem>>) src(%dma_wait3A_12 : memref<64xi32, #tpu.memory_space<hbm>>) dst(%arg6 : memref<64xi32, #tpu.memory_space<vmem>>)
      tpu.yield
    }) : () -> ()
    "tpu.region"() ({
      %run_scoped3A = tpu.sem_alloc : memref<!tpu.dma_semaphore, #tpu.memory_space<semaphore_mem>>
      %dma_start3A_9 = arith.constant 0 : i32
      %dma_start3A_10 = tpu.memref_slice %arg3[%add3A_4, %dma_start3A_9] : memref<2048x1024xf32, #tpu.memory_space<hbm>> -> memref<64x1024xf32, #tpu.memory_space<hbm>>
      %dma_start3A_11 = arith.constant 0 : i32
      %dma_start3A_12 = tpu.memref_slice %arg3[%add3A_4, %dma_start3A_11] : memref<2048x1024xf32, #tpu.memory_space<hbm>> -> memref<64x1024xf32, #tpu.memory_space<hbm>>
      tpu.enqueue_dma source(%dma_start3A_12 : memref<64x1024xf32, #tpu.memory_space<hbm>>) target(%arg7 : memref<64x1024xf32, #tpu.memory_space<vmem>>) target_semaphore(%run_scoped3A : memref<!tpu.dma_semaphore, #tpu.memory_space<semaphore_mem>>)
      %dma_wait3A_13 = arith.constant 0 : i32
      %dma_wait3A_14 = tpu.memref_slice %arg3[%add3A_4, %dma_wait3A_13] : memref<2048x1024xf32, #tpu.memory_space<hbm>> -> memref<64x1024xf32, #tpu.memory_space<hbm>>
      %dma_wait3A_15 = arith.constant 0 : i32
      %dma_wait3A_16 = tpu.memref_slice %arg3[%add3A_4, %dma_wait3A_15] : memref<2048x1024xf32, #tpu.memory_space<hbm>> -> memref<64x1024xf32, #tpu.memory_space<hbm>>
      tpu.wait_dma2 semaphore(%run_scoped3A : memref<!tpu.dma_semaphore, #tpu.memory_space<semaphore_mem>>) src(%dma_wait3A_16 : memref<64x1024xf32, #tpu.memory_space<hbm>>) dst(%arg7 : memref<64x1024xf32, #tpu.memory_space<vmem>>)
      tpu.yield
    }) : () -> ()
    %dma_start3A = arith.constant 0 : i32
    %dma_start3A_5 = arith.constant 0 : i32
    %dma_start3A_6 = tpu.memref_slice %arg2[%dma_start3A, %dma_start3A_5] : memref<16384x1024xf32, #tpu.memory_space<hbm>> -> memref<16384x1024xf32, #tpu.memory_space<hbm>>
    tpu.enqueue_indirect_dma source(%arg7 : memref<64x1024xf32, #tpu.memory_space<vmem>>) target(%dma_start3A_6 : memref<16384x1024xf32, #tpu.memory_space<hbm>>) offsets(%arg6 : memref<64xi32, #tpu.memory_space<vmem>>) semaphore(%arg8 : memref<!tpu.dma_semaphore, #tpu.memory_space<semaphore_mem>>)
    %dma_wait3A = arith.constant 0 : i32
    %dma_wait3A_7 = arith.constant 0 : i32
    %dma_wait3A_8 = tpu.memref_slice %arg2[%dma_wait3A, %dma_wait3A_7] : memref<16384x1024xf32, #tpu.memory_space<hbm>> -> memref<16384x1024xf32, #tpu.memory_space<hbm>>
    tpu.wait_indirect_dma semaphore(%arg8 : memref<!tpu.dma_semaphore, #tpu.memory_space<semaphore_mem>>) src(%arg7 : memref<64x1024xf32, #tpu.memory_space<vmem>>) dst(%dma_wait3A_8 : memref<16384x1024xf32, #tpu.memory_space<hbm>>)
    return
  }
}

module attributes {stable_mosaic.version = 14 : i64} {
  func.func @_logits_body(%arg0: i32, %arg1: memref<1024x1024xf32, #tpu.memory_space<vmem>>, %arg2: memref<1024xf32, #tpu.memory_space<vmem>>, %arg3: memref<1024x256xf32, #tpu.memory_space<vmem>>, %arg4: memref<256x1024xf32, #tpu.memory_space<vmem>>, %arg5: memref<1024x1xf32, #tpu.memory_space<vmem>>, %arg6: memref<1024x256xbf16, #tpu.memory_space<vmem>>, %arg7: memref<256x1024xbf16, #tpu.memory_space<vmem>>) attributes {dimension_semantics = [#tpu.dimension_semantics<arbitrary>], iteration_bounds = array<i64: 16>, scalar_prefetch = 0 : i64, scratch_operands = 0 : i64, tpu.core_type = #tpu.core_type<tc>, window_params = [{transform_indices = @transform_0, window_bounds = array<i64: 1024, 1024>}, {pipeline_mode = #tpu.pipeline_mode<synchronous>, transform_indices = @transform_1, window_bounds = array<i64: 1024>}, {transform_indices = @transform_2, window_bounds = array<i64: 1024, 256>}, {transform_indices = @transform_3, window_bounds = array<i64: 256, 1024>}, {transform_indices = @transform_4, window_bounds = array<i64: 1024, 1>}, {transform_indices = @transform_5, window_bounds = array<i64: 1024, 256>}, {transform_indices = @transform_6, window_bounds = array<i64: 256, 1024>}]} {
    %get3A = arith.constant 0 : index
    %get3A_0 = arith.constant 0 : index
    %get3A_1 = vector.load %arg1[%get3A, %get3A_0] : memref<1024x1024xf32, #tpu.memory_space<vmem>>, vector<1024x1024xf32>
    %convert_element_type3A = arith.truncf %get3A_1 : vector<1024x1024xf32> to vector<1024x1024xbf16>
    %get3A_2 = arith.constant 0 : index
    %get3A_3 = vector.load %arg2[%get3A_2] : memref<1024xf32, #tpu.memory_space<vmem>>, vector<1024xf32>
    %convert_element_type3A_4 = arith.truncf %get3A_3 : vector<1024xf32> to vector<1024xbf16>
    %broadcast_in_dim3A = vector.shape_cast %convert_element_type3A_4 : vector<1024xbf16> to vector<1024x1xbf16>
    %dot_general3A = arith.constant dense<0.000000e+00> : vector<1024x1xf32>
    %dot_general3A_5 = tpu.matmul %convert_element_type3A, %broadcast_in_dim3A, %dot_general3A {dimension_numbers = #tpu.dot_dimension_numbers<[1], [0], [0], [1], [0, 0, 1, 1], [], []>, transpose_lhs_hint = false} : vector<1024x1024xbf16>, vector<1024x1xbf16>, vector<1024x1xf32> -> vector<1024x1xf32>
    %swap3A = arith.constant 0 : index
    %swap3A_6 = arith.constant 0 : index
    %swap3A_7 = vector.load %arg5[%swap3A, %swap3A_6] : memref<1024x1xf32, #tpu.memory_space<vmem>>, vector<1024x1xf32>
    tpu.vector_store %arg5[%swap3A, %swap3A_6], %dot_general3A_5 {strides = array<i32>} : memref<1024x1xf32, #tpu.memory_space<vmem>>, vector<1024x1xf32>,
    %get3A_8 = arith.constant 0 : index
    %get3A_9 = arith.constant 0 : index
    %get3A_10 = vector.load %arg3[%get3A_8, %get3A_9] : memref<1024x256xf32, #tpu.memory_space<vmem>>, vector<1024x256xf32>
    %convert_element_type3A_11 = arith.truncf %get3A_10 : vector<1024x256xf32> to vector<1024x256xbf16>
    %swap3A_12 = arith.constant 0 : index
    %swap3A_13 = arith.constant 0 : index
    %swap3A_14 = vector.load %arg6[%swap3A_12, %swap3A_13] : memref<1024x256xbf16, #tpu.memory_space<vmem>>, vector<1024x256xbf16>
    tpu.vector_store %arg6[%swap3A_12, %swap3A_13], %convert_element_type3A_11 {strides = array<i32>} : memref<1024x256xbf16, #tpu.memory_space<vmem>>, vector<1024x256xbf16>,
    %get3A_15 = arith.constant 0 : index
    %get3A_16 = arith.constant 0 : index
    %get3A_17 = vector.load %arg4[%get3A_15, %get3A_16] : memref<256x1024xf32, #tpu.memory_space<vmem>>, vector<256x1024xf32>
    %convert_element_type3A_18 = arith.truncf %get3A_17 : vector<256x1024xf32> to vector<256x1024xbf16>
    %swap3A_19 = arith.constant 0 : index
    %swap3A_20 = arith.constant 0 : index
    %swap3A_21 = vector.load %arg7[%swap3A_19, %swap3A_20] : memref<256x1024xbf16, #tpu.memory_space<vmem>>, vector<256x1024xbf16>
    tpu.vector_store %arg7[%swap3A_19, %swap3A_20], %convert_element_type3A_18 {strides = array<i32>} : memref<256x1024xbf16, #tpu.memory_space<vmem>>, vector<256x1024xbf16>,
    return
  }
  func.func @transform_0(%arg0: i32) -> (i32, i32) {
    %c0_i32 = arith.constant 0 : i32
    %c0_i32_0 = arith.constant 0 : i32
    return %arg0, %c0_i32 : i32, i32
  }
  func.func @transform_1(%arg0: i32) -> i32 {
    %c0_i32 = arith.constant 0 : i32
    %c0_i32_0 = arith.constant 0 : i32
    return %c0_i32 : i32
  }
  func.func @transform_2(%arg0: i32) -> (i32, i32) {
    %c0_i32 = arith.constant 0 : i32
    %c0_i32_0 = arith.constant 0 : i32
    return %c0_i32, %arg0 : i32, i32
  }
  func.func @transform_3(%arg0: i32) -> (i32, i32) {
    %c0_i32 = arith.constant 0 : i32
    %c0_i32_0 = arith.constant 0 : i32
    return %arg0, %c0_i32 : i32, i32
  }
  func.func @transform_4(%arg0: i32) -> (i32, i32) {
    %c0_i32 = arith.constant 0 : i32
    %c0_i32_0 = arith.constant 0 : i32
    return %arg0, %c0_i32 : i32, i32
  }
  func.func @transform_5(%arg0: i32) -> (i32, i32) {
    %c0_i32 = arith.constant 0 : i32
    %c0_i32_0 = arith.constant 0 : i32
    return %c0_i32, %arg0 : i32, i32
  }
  func.func @transform_6(%arg0: i32) -> (i32, i32) {
    %c0_i32 = arith.constant 0 : i32
    %c0_i32_0 = arith.constant 0 : i32
    return %arg0, %c0_i32 : i32, i32
  }
}

module attributes {stable_mosaic.version = 14 : i64} {
  func.func @_ffn_body(%arg0: i32, %arg1: memref<512x1024xf32, #tpu.memory_space<vmem>>, %arg2: memref<1024x4096xbf16, #tpu.memory_space<vmem>>, %arg3: memref<4096xf32, #tpu.memory_space<vmem>>, %arg4: memref<4096x1024xbf16, #tpu.memory_space<vmem>>, %arg5: memref<1024xf32, #tpu.memory_space<vmem>>, %arg6: memref<512x1xf32, #tpu.memory_space<vmem>>, %arg7: memref<512x1024xf32, #tpu.memory_space<vmem>>) attributes {dimension_semantics = [#tpu.dimension_semantics<arbitrary>], iteration_bounds = array<i64: 4>, scalar_prefetch = 0 : i64, scratch_operands = 0 : i64, tpu.core_type = #tpu.core_type<tc>, window_params = [{transform_indices = @transform_0, window_bounds = array<i64: 512, 1024>}, {pipeline_mode = #tpu.pipeline_mode<synchronous>, transform_indices = @transform_1, window_bounds = array<i64: 1024, 4096>}, {pipeline_mode = #tpu.pipeline_mode<synchronous>, transform_indices = @transform_2, window_bounds = array<i64: 4096>}, {pipeline_mode = #tpu.pipeline_mode<synchronous>, transform_indices = @transform_3, window_bounds = array<i64: 4096, 1024>}, {pipeline_mode = #tpu.pipeline_mode<synchronous>, transform_indices = @transform_4, window_bounds = array<i64: 1024>}, {transform_indices = @transform_5, window_bounds = array<i64: 512, 1>}, {transform_indices = @transform_6, window_bounds = array<i64: 512, 1024>}]} {
    %get3A = arith.constant 0 : index
    %get3A_0 = arith.constant 0 : index
    %get3A_1 = vector.load %arg1[%get3A, %get3A_0] : memref<512x1024xf32, #tpu.memory_space<vmem>>, vector<512x1024xf32>
    %convert_element_type3A = arith.truncf %get3A_1 : vector<512x1024xf32> to vector<512x1024xbf16>
    %get3A_2 = arith.constant 0 : index
    %get3A_3 = arith.constant 0 : index
    %get3A_4 = vector.load %arg2[%get3A_2, %get3A_3] : memref<1024x4096xbf16, #tpu.memory_space<vmem>>, vector<1024x4096xbf16>
    %dot_general3A = arith.constant dense<0.000000e+00> : vector<512x4096xf32>
    %dot_general3A_5 = tpu.matmul %convert_element_type3A, %get3A_4, %dot_general3A {dimension_numbers = #tpu.dot_dimension_numbers<[1], [0], [0], [1], [0, 0, 1, 1], [], []>, transpose_lhs_hint = false} : vector<512x1024xbf16>, vector<1024x4096xbf16>, vector<512x4096xf32> -> vector<512x4096xf32>
    %get3A_6 = arith.constant 0 : index
    %get3A_7 = vector.load %arg3[%get3A_6] : memref<4096xf32, #tpu.memory_space<vmem>>, vector<4096xf32>
    %broadcast_in_dim3A = vector.shape_cast %get3A_7 : vector<4096xf32> to vector<1x4096xf32>
    %add3A = vector.broadcast %broadcast_in_dim3A : vector<1x4096xf32> to vector<512x4096xf32>
    %add3A_8 = arith.addf %dot_general3A_5, %add3A : vector<512x4096xf32>
    %convert_element_type3A_9 = arith.truncf %add3A_8 : vector<512x4096xf32> to vector<512x4096xbf16>
    %integer_pow3A = arith.mulf %convert_element_type3A_9, %convert_element_type3A_9 : vector<512x4096xbf16>
    %integer_pow3A_10 = arith.mulf %convert_element_type3A_9, %integer_pow3A : vector<512x4096xbf16>
    %mul3A = arith.constant 4.467770e-02 : bf16
    %mul3A_11 = vector.broadcast %mul3A : bf16 to vector<512x4096xbf16>
    %mul3A_12 = arith.mulf %mul3A_11, %integer_pow3A_10 : vector<512x4096xbf16>
    %add3A_13 = arith.addf %convert_element_type3A_9, %mul3A_12 : vector<512x4096xbf16>
    %mul3A_14 = arith.constant 7.968750e-01 : bf16
    %mul3A_15 = vector.broadcast %mul3A_14 : bf16 to vector<512x4096xbf16>
    %mul3A_16 = arith.mulf %mul3A_15, %add3A_13 : vector<512x4096xbf16>
    %tanh3A = math.tanh %mul3A_16 : vector<512x4096xbf16>
    %add3A_17 = arith.constant 1.000000e+00 : bf16
    %add3A_18 = vector.broadcast %add3A_17 : bf16 to vector<512x4096xbf16>
    %add3A_19 = arith.addf %add3A_18, %tanh3A : vector<512x4096xbf16>
    %mul3A_20 = arith.constant 5.000000e-01 : bf16
    %mul3A_21 = vector.broadcast %mul3A_20 : bf16 to vector<512x4096xbf16>
    %mul3A_22 = arith.mulf %mul3A_21, %add3A_19 : vector<512x4096xbf16>
    %mul3A_23 = arith.mulf %convert_element_type3A_9, %mul3A_22 : vector<512x4096xbf16>
    %get3A_24 = arith.constant 0 : index
    %get3A_25 = arith.constant 0 : index
    %get3A_26 = vector.load %arg4[%get3A_24, %get3A_25] : memref<4096x1024xbf16, #tpu.memory_space<vmem>>, vector<4096x1024xbf16>
    %dot_general3A_27 = arith.constant dense<0.000000e+00> : vector<512x1024xf32>
    %dot_general3A_28 = tpu.matmul %mul3A_23, %get3A_26, %dot_general3A_27 {dimension_numbers = #tpu.dot_dimension_numbers<[1], [0], [0], [1], [0, 0, 1, 1], [], []>, transpose_lhs_hint = false} : vector<512x4096xbf16>, vector<4096x1024xbf16>, vector<512x1024xf32> -> vector<512x1024xf32>
    %get3A_29 = arith.constant 0 : index
    %get3A_30 = vector.load %arg5[%get3A_29] : memref<1024xf32, #tpu.memory_space<vmem>>, vector<1024xf32>
    %broadcast_in_dim3A_31 = vector.shape_cast %get3A_30 : vector<1024xf32> to vector<1x1024xf32>
    %add3A_32 = vector.broadcast %broadcast_in_dim3A_31 : vector<1x1024xf32> to vector<512x1024xf32>
    %add3A_33 = arith.addf %dot_general3A_28, %add3A_32 : vector<512x1024xf32>
    %get3A_34 = arith.constant 0 : index
    %get3A_35 = arith.constant 0 : index
    %get3A_36 = vector.load %arg6[%get3A_34, %get3A_35] : memref<512x1xf32, #tpu.memory_space<vmem>>, vector<512x1xf32>
    %mul3A_37 = vector.broadcast %get3A_36 : vector<512x1xf32> to vector<512x1024xf32>
    %mul3A_38 = arith.mulf %mul3A_37, %add3A_33 : vector<512x1024xf32>
    %add3A_39 = arith.addf %get3A_1, %mul3A_38 : vector<512x1024xf32>
    %swap3A = arith.constant 0 : index
    %swap3A_40 = arith.constant 0 : index
    %swap3A_41 = vector.load %arg7[%swap3A, %swap3A_40] : memref<512x1024xf32, #tpu.memory_space<vmem>>, vector<512x1024xf32>
    tpu.vector_store %arg7[%swap3A, %swap3A_40], %add3A_39 {strides = array<i32>} : memref<512x1024xf32, #tpu.memory_space<vmem>>, vector<512x1024xf32>,
    return
  }
  func.func @transform_0(%arg0: i32) -> (i32, i32) {
    %c0_i32 = arith.constant 0 : i32
    %c0_i32_0 = arith.constant 0 : i32
    return %arg0, %c0_i32 : i32, i32
  }
  func.func @transform_1(%arg0: i32) -> (i32, i32) {
    %c0_i32 = arith.constant 0 : i32
    %c0_i32_0 = arith.constant 0 : i32
    %c0_i32_1 = arith.constant 0 : i32
    return %c0_i32, %c0_i32_0 : i32, i32
  }
  func.func @transform_2(%arg0: i32) -> i32 {
    %c0_i32 = arith.constant 0 : i32
    %c0_i32_0 = arith.constant 0 : i32
    return %c0_i32 : i32
  }
  func.func @transform_3(%arg0: i32) -> (i32, i32) {
    %c0_i32 = arith.constant 0 : i32
    %c0_i32_0 = arith.constant 0 : i32
    %c0_i32_1 = arith.constant 0 : i32
    return %c0_i32, %c0_i32_0 : i32, i32
  }
  func.func @transform_4(%arg0: i32) -> i32 {
    %c0_i32 = arith.constant 0 : i32
    %c0_i32_0 = arith.constant 0 : i32
    return %c0_i32 : i32
  }
  func.func @transform_5(%arg0: i32) -> (i32, i32) {
    %c0_i32 = arith.constant 0 : i32
    %c0_i32_0 = arith.constant 0 : i32
    return %arg0, %c0_i32 : i32, i32
  }
  func.func @transform_6(%arg0: i32) -> (i32, i32) {
    %c0_i32 = arith.constant 0 : i32
    %c0_i32_0 = arith.constant 0 : i32
    return %arg0, %c0_i32 : i32, i32
  }
}

</mosaic_0001>

<sc_bundles>
// kernel: kernel.16.cloned.1.call-start
scs
__scs_entry_jumppad:
0x0: {  	(pc) =	sbr.rel $0x88, $3  }
0x1: {  	(tag) =	ssettag $0x0;
	lr =	simm.s32 $0x1  }
0x2: {  	[smem:$0x3F9A] =	sst lr;
	_ =	strace $0xD0000000  }
0x3: {  	_ = 	snop  }
0x4: {  	_ = 	snop  }
0x5: {  	_ = 	snop  }
0x6: {  	_ = 	snop  }
0x7: {  	_ = 	snop  }
__scs_overlays_trampoline_lowered:
0x8: {  	[smem:$0x3FA9] =	sst s0  }
0x9: {  	[smem:$0x3FAA] =	sst s1  }
0xa: {  	[smem:$0x3FAB] =	sst s2  }
0xb: {  	[smem:$0x3FAC] =	sst s3  }
0xc: {  	[smem:$0x3FAD] =	sst s4  }
0xd: {  	[smem:$0x3FAE] =	sst s5  }
0xe: {  	[smem:$0x3FAF] =	sst s6  }
0xf: {  	[smem:$0x3FB0] =	sst s7  }
0x10: {  	[smem:$0x3FB1] =	sst s8  }
0x11: {  	[smem:$0x3FB2] =	sst s9;
	s0 =	simm.s32 @!p0 $0x0  }
0x12: {  	s1 =	sld [smem:$0x3F98];
	s0 =	simm.s32 @p0 $0x1  }
0x13: {  	[smem:$0x3FB3] =	sst s0;
	s0 =	simm.s32 @!p1 $0x0  }
0x14: {  	s2 =	sld [smem:$0x3F97];
	s0 =	simm.s32 @p1 $0x1  }
0x15: {  	[smem:$0x3FB4] =	sst s0;
	s0 =	simm.s32 @!p2 $0x0  }
0x16: {  	s3 =	sld [smem:$0x3FDB];
	s0 =	simm.s32 @p2 $0x1  }
0x17: {  	s4 =	simm.s32 $0x1BF5;
	[smem:$0x3FB6] =	sst s0  }
0x18: {  	s0 =	sld [smem:$0x3F99];
	_ =	swait.ge [sflag:s4], $0x0  }
0x19: {  	s7 =	sld [smem:$0x3F9A]  }
0x1a: {  	s8 =	sadd.s32 $0xFFFFE003, lr  }
0x1b: {  	s9 =	sadd.s32 $0xFFFFFEF7, lr;
	s5 =	simm.s32 $0xFFFFFFFF;
	p2 =	slt.u32 s8, $0xFFFFF086  }
0x1c: {  	p1 =	slt.u32 s9, $0xF7A;
	s5 =	simm.s32 @!p2 $0x0  }
0x1d: {  	s5 =	simm.s32 @p1 $0x1;
	p0 =	seq.s32 s7, s2  }
0x1e: {  	s7 =	smul.u32 @!p0 $0xF7A, s2;
	p2 =	seq.s32 @!p0 s5, $0x0  }
0x1f: {  	s9 =	smul.u32 $0xF7A, s1;
	s8 =	simm.s32 @!p0 $0x1BF5;
	p2 =	por !p2, p0  }
0x20: {  	[sflag:s8] =	ssyncset.s32 @!p0 $0xFFFFF086;
	s6 =	sadd.s32 @!p0 s3, s7;
	s7 =	simm.s32 @!p0 $0x108  }
0x21: {  	s3 =	sadd.s32 s3, s9;
	s6 =	sadd.s32 @!p0 $0x88, s6;
	s7 =	simm.s32 @p2 $0x1082  }
0x22: {  	[simem:s7], [sflag:s8] =	dma.local @!p0 [hbm:s6], $0xF7A  }
0x23: {  	s9 =	sor.u32 $0xD0000000, s2;
	s6 =	simm.s32 $0x108;
	_ =	swait.ge @!p0 [sflag:s8], $0x0  }
0x24: {  	s3 =	sadd.s32 $0x88, s3;
	s6 =	simm.s32 @!p1 $0x1082;
	[sflag:s4] =	ssyncset.s32 $0xFFFFF086  }
0x25: {  	[simem:s6], [sflag:s4] =	dma.local [hbm:s3], $0xF7A  }
0x26: {  	[smem:$0x3F9A] =	sst s1;
	(tag) =	ssettag s2;
	_ =	strace s9  }
0x27: {  	s1 =	sld [smem:$0x3FAA]  }
0x28: {  	s2 =	sld [smem:$0x3FAB]  }
0x29: {  	s4 =	sld [smem:$0x3FAD]  }
0x2a: {  	p0 =	seq.s32 s5, $0x0;
	s5 =	sld [smem:$0x3FAE]  }
0x2b: {  	s6 =	sld [smem:$0x3FAF]  }
0x2c: {  	s7 =	sld [smem:$0x3FB0]  }
0x2d: {  	s3 =	simm.s32 $0x108;
	s8 =	sld [smem:$0x3FB1]  }
0x2e: {  	s3 =	simm.s32 @!p0 $0x1082;
	s9 =	sld [smem:$0x3FB2]  }
0x2f: {  	lr =	sadd.s32 s0, s3;
	s0 =	sld [smem:$0x3FA9]  }
0x30: {  	s3 =	sld [smem:$0x3FAC]  }
0x31: {  	[smem:$0x3FB5] =	sst s10  }
0x32: {  	s10 =	sld [smem:$0x3FB3];
	_ =	sdelay $0x3  }
0x33: {  	p0 =	seq.s32 s10, $0x1;
	s10 =	sld [smem:$0x3FB5];
	_ =	sdelay $0x3  }
0x34: {  	[smem:$0x3FB5] =	sst s10  }
0x35: {  	s10 =	sld [smem:$0x3FB4];
	_ =	sdelay $0x3  }
0x36: {  	p1 =	seq.s32 s10, $0x1;
	s10 =	sld [smem:$0x3FB5];
	_ =	sdelay $0x3  }
0x37: {  	[smem:$0x3FB5] =	sst s10  }
0x38: {  	s10 =	sld [smem:$0x3FB6]  }
0x39: {  	_ = 	snop;
	(pc) =	sbr.ind lr, $3  }
0x3a: {  	_ = 	snop  }
0x3b: {  	_ = 	snop  }
0x3c: {  	p2 =	seq.s32 s10, $0x1;
	s10 =	sld [smem:$0x3FB5]  }
0x3d: {  	_ =	shalt  }
0x3e: {  	_ =	shalt  }
0x3f: {  	_ =	shalt  }
0x40: {  	_ =	shalt  }
0x41: {  	_ =	shalt  }
0x42: {  	_ =	shalt  }
0x43: {  	_ =	shalt  }
0x44: {  	_ =	shalt  }
0x45: {  	_ =	shalt  }
0x46: {  	_ =	shalt  }
0x47: {  	_ =	shalt  }
0x48: {  	_ =	shalt  }
0x49: {  	_ =	shalt  }
0x4a: {  	_ =	shalt  }
0x4b: {  	_ =	shalt  }
0x4c: {  	_ =	shalt  }
0x4d: {  	_ =	shalt  }
0x4e: {  	_ =	shalt  }
0x4f: {  	_ =	shalt  }
0x50: {  	_ =	shalt  }
0x51: {  	_ =	shalt  }
0x52: {  	_ =	shalt  }
0x53: {  	_ =	shalt  }
0x54: {  	_ =	shalt  }
0x55: {  	_ =	shalt  }
0x56: {  	_ =	shalt  }
0x57: {  	_ =	shalt  }
0x58: {  	_ =	shalt  }
0x59: {  	_ =	shalt  }
0x5a: {  	_ =	shalt  }
0x5b: {  	_ =	shalt  }
0x5c: {  	_ =	shalt  }
0x5d: {  	_ =	shalt  }
0x5e: {  	_ =	shalt  }
0x5f: {  	_ =	shalt  }
0x60: {  	_ =	shalt  }
0x61: {  	_ =	shalt  }
0x62: {  	_ =	shalt  }
0x63: {  	_ =	shalt  }
0x64: {  	_ =	shalt  }
0x65: {  	_ =	shalt  }
0x66: {  	_ =	shalt  }
0x67: {  	_ =	shalt  }
0x68: {  	_ =	shalt  }
0x69: {  	_ =	shalt  }
0x6a: {  	_ =	shalt  }
0x6b: {  	_ =	shalt  }
0x6c: {  	_ =	shalt  }
0x6d: {  	_ =	shalt  }
0x6e: {  	_ =	shalt  }
0x6f: {  	_ =	shalt  }
0x70: {  	_ =	shalt  }
0x71: {  	_ =	shalt  }
0x72: {  	_ =	shalt  }
0x73: {  	_ =	shalt  }
0x74: {  	_ =	shalt  }
0x75: {  	_ =	shalt  }
0x76: {  	_ =	shalt  }
0x77: {  	_ =	shalt  }
0x78: {  	_ =	shalt  }
0x79: {  	_ =	shalt  }
0x7a: {  	_ =	shalt  }
0x7b: {  	_ =	shalt  }
0x7c: {  	_ =	shalt  }
0x7d: {  	_ =	shalt  }
0x7e: {  	_ =	shalt  }
0x7f: {  	_ =	shalt  }
0x80: {  	_ =	shalt  }
0x81: {  	_ =	shalt  }
0x82: {  	_ =	shalt  }
0x83: {  	_ =	shalt  }
0x84: {  	_ =	shalt  }
0x85: {  	_ =	shalt  }
0x86: {  	_ =	shalt  }
0x87: {  	_ =	shalt  }
.Lfunc_end0:
.L_simem_size_0:
called_computation_lowered:
.L_overlay_start_0:
0x88: {  	s2 =	sld [smem:$0x3FD9]  }
0x89: {  	s3 =	sld [smem:$0x3FFE];
	_ =	sdelay $0x1  }
0x8a: {  	s1 =	srdreg.scid  }
0x8b: {  	s0 =	sand.u32 $0x1, s1  }
0x8c: {  	s17 =	sshll.u32 s0, $0xA;
	s2 =	sadd.s32 s3, s2  }
0x8d: {  	s2 =	sadd.s32 s2, s17  }
0x8e: {  	[smem:$0x3FC1] =	sst s2  }
0x8f: {  	_ = 	snop  }
0x90: {  	s2 =	sld [smem:$0x3FC9];
	(tm) =	ssettm $0x1  }
0x91: {  	s18 =	sld [smem:$0x3FFB];
	_ =	sdelay $0x3  }
0x92: {  	_ =	strace s18  }
0x93: {  	s3 =	sld [smem:$0x3FFC];
	_ =	sdelay $0x3  }
0x94: {  	_ =	strace s3  }
0x95: {  	s3 =	sld [smem:$0x3FFD];
	_ =	sdelay $0x3  }
0x96: {  	_ =	strace s3  }
0x97: {  	_ =	strace $0x8FFFFFFF  }
0x98: {  	s19 =	sld [smem:$0x3FDB];
	_ =	sdelay $0x1  }
0x99: {  	s4 =	simm.s32 $_scs_section_size  }
0x9a: {  	s5 =	simm.s32 $_size__tile_overlayer_lowered;
	s6 =	simm.s32 $_tile_overlayer_lowered  }
0x9b: {  	s22 =	simm.s32 $0x1BFF;
	s21 =	sshll.u32 s6, $0x1;
	s3 =	sadd.s32 s4, s19  }
0x9c: {  	s7 =	simm.s32 $0x0;
	s20 =	sshll.u32 s5, $0x1;
	s5 =	sadd.s32 s21, s3  }
0x9d: {  	[timem:s7], [sflag:s22] =	dma.local [hbm:s5], s20  }
0x9e: {  	_ =	swait.ge [sflag:s22], s20  }
0x9f: {  	s4 =	ssub.s32 $0x0, s20;
	[sflag:s22] =	ssyncset.done $0x0  }
0xa0: {  	[sflag:s22] =	ssyncadd.s32 s4;
	_ =	sdelay $0x1  }
0xa1: {  	s23 =	simm.s32 $0x1B8B  }
0xa2: {  	_ =	swait.ge [sflag:s23], $0x1  }
0xa3: {  	[sflag:s23] =	ssyncset.done $0x0  }
0xa4: {  	s25 =	simm.s32 $0x1B8E;
	s24 =	sld [smem:$0x3FFE];
	[sflag:s23] =	ssyncadd.s32 $0xFFFFFFFF  }
0xa5: {  	s26 =	simm.s32 $execute0_lowered;
	[smem:$0x3FD2] =	sst s25  }
0xa6: {  	s5 =	sshll.u32 s26, $0x1;
	_ =	strace $0x80000046;
	[dreg:$0x1] =	wrdreg $0xFFFFFFFF  }
0xa7: {  	s28 =	simm.s32 $_size_execute0_lowered;
	s3 =	sadd.s32 s3, s5;
	[dreg:$0x0] =	wrdreg $0x0  }
0xa8: {  	s5 =	sshll.u32 s28, $0x1;
	[dreg:$0x2] =	wrdreg s3  }
0xa9: {  	[dreg:$0x3] =	wrdreg s5  }
0xaa: {  	[dreg:$0x4] =	wrdreg $0xC0  }
0xab: {  	_ =	task [dreg:s7], $0x5FFFF  }
0xac: {  	[dreg:$0x1] =	wrdreg $0xFFFFFFFF  }
0xad: {  	[dreg:$0x0] =	wrdreg $0x60  }
0xae: {  	[dreg:$0x2] =	wrdreg s2  }
0xaf: {  	[dreg:$0x3] =	wrdreg s24  }
0xb0: {  	[dreg:$0x4] =	wrdreg $0x9  }
0xb1: {  	_ =	task.clear_ibuf [dreg:s7], $0x5FFFF;
	_ =	strace $0x90000046  }
0xb2: {  	s29 =	simm.s32 $0x9;
	_ =	strace $0x80000048  }
0xb3: {  	_ =	swait.ge [sflag:s29], $0x1  }
0xb4: {  	[sflag:s29] =	ssyncadd.s32 $0xFFFFFFFF  }
0xb5: {  	_ =	strace $0x90000048  }
0xb6: {  	_ =	sfence  }
0xb7: {  	s30 =	sld [smem:$0x0];
	_ =	sdelay $0x2  }
0xb8: {  	s31 =	sshll.u32 s1, $0xD;
	s1 =	sshrl.u32 s1, $0x2  }
0xb9: {  	s3 =	sand.u32 $0x4000, s31;
	s1 =	sadd.s32 s1, s30  }
0xba: {  	s0 =	sor.u32 s3, s0;
	s1 =	sshll.u32 s1, $0x11  }
0xbb: {  	s0 =	sor.u32 s1, s0  }
0xbc: {  	s0 =	sadd.s32 $0x8F2B, s0  }
0xbd: {  	[sflag:s0] =	ssyncadd.remote.s32 $0x1  }
0xbe: {  	_ =	sfence.sel $0xFFFF  }
0xbf: {  	[dreg:$0x0] =	wrdreg $0xFFFFFFFF;
	(pc) =	sbr.abs _section_cstart, $3  }
0xc0: {  	[dreg:$0x1] =	wrdreg $0xFFFFFFFF  }
0xc1: {  	_ =	task.clear_ibuf [dreg:s7], $0x2FFFF;
	_ =	strace $0x9FFFFFFF  }
0xc2: {  	(tm) =	ssettm $0x7FFFFFFF  }
0xc3: {  	_ =	shalt  }
tec
execute0_lowered:
.L_overlay_start_1:
0x0: {  	(tag) =	ssettag $0x1  }
0x1: {  	s1 =	srdreg.scid  }
0x2: {  	s0 =	stileid.u32;
	s2 =	rddreg [dreg:$0x0]  }
0x3: {  	s5 =	rddreg [dreg:$0x1];
	s18 =	simm.s32 $0x880;
	s19 =	simm.s32 $0x1080  }
0x4: {  	s20 =	simm.s32 $0x1880;
	s22 =	simm.s32 $0x2080;
	s23 =	simm.s32 $0x2880  }
0x5: {  	s24 =	simm.s32 $0x3080;
	s7 =	simm.s32 $0x3880;
	s8 =	simm.s32 $0x4080  }
0x6: {  	s25 =	simm.s32 $0x4880;
	s26 =	simm.s32 $0x5080;
	s1 =	sand.u32 $0x1, s1  }
0x7: {  	s9 =	simm.s32 $0x80;
	s3 =	sshll.u32 s0, $0x7;
	s4 =	sshll.u32 s1, $0x6  }
0x8: {  	s11 =	simm.s32 $0x6080;
	s4 =	sor.u32 s4, s3;
	s3 =	simm.s32 $0x0  }
0x9: {  	s12 =	simm.s32 $0x6880;
	s13 =	simm.s32 $0x7080;
	[smem:$0x7FF] =	sst s3  }
0xa: {  	s14 =	simm.s32 $0x7880;
	_ =	strace $0x80000047;
	[dreg:$0x5] =	wrdreg s18  }
0xb: {  	s15 =	simm.s32 $0x8080;
	s16 =	simm.s32 $0x8880;
	[dreg:$0x6] =	wrdreg s19  }
0xc: {  	s28 =	simm.s32 $0xE080;
	s29 =	simm.s32 $0xE880;
	[dreg:$0x7] =	wrdreg s20  }
0xd: {  	s30 =	simm.s32 $0xF080;
	s1 =	ssub.s32 $0x2, s1;
	[dreg:$0x8] =	wrdreg s22  }
0xe: {  	s31 =	simm.s32 $0xF880;
	s21 =	sshrl.u32 s1, $0x1;
	[dreg:$0x9] =	wrdreg s23  }
0xf: {  	s6 =	sshrl.u32 s4, $0x3;
	s4 =	sshll.u32 s4, $0x7;
	[dreg:$0xa] =	wrdreg s24  }
0x10: {  	s1 =	ssub.s32 s1, s21;
	s21 =	simm.s32 $0xB080;
	[dreg:$0xb] =	wrdreg s7  }
0x11: {  	s6 =	sadd.s32 s6, s5;
	s4 =	sadd.s32 s4, s5;
	[dreg:$0xc] =	wrdreg s8  }
0x12: {  	s5 =	sadd.s32 $0x200, s2;
	s7 =	smax.u32 s1, $0x1;
	[dreg:$0xd] =	wrdreg s25  }
0x13: {  	s8 =	simm.s32 $0x2;
	[dreg:$0xe] =	wrdreg s26;
	s18 =	simm.s32 $0x9880  }
0x14: {  	s19 =	simm.s32 $0xA080;
	s20 =	simm.s32 $0xA880;
	s22 =	simm.s32 $0xB880  }
0x15: {  	s23 =	simm.s32 $0xC080;
	s24 =	simm.s32 $0xC880;
	s25 =	simm.s32 $0xD080  }
0x16: {  	v2 =	vlaneseq.u32;
	s26 =	simm.s32 $0xD880;
	s1 =	simm.s32 $0x1;
	s17 =	sadd.s32 $0x84200, s6  }
0x17: {  	vm0 =	vmmov $0xffff;
	v1 =	vshrl.u32 v2, $0x3;
	s4 =	sadd.s32 $0x84400, s4;
	s6 =	sadd.s32 $0x300, s2;
	[dreg:$0x3] =	wrdreg s17  }
0x18: {  	v0 =	vand.u32 $0x7, v2;
	v2 =	vor.u32 $0x8, v2;
	v1 =	vmul.u32 $0x8, v1;
	[dreg:$0x4] =	wrdreg s4;
	s4 =	sadd.s32 $0x100, s2;
	s17 =	simm.s32 $0x9080  }
.LBB2_1:
0x19: {  	s0 =	rddreg [dreg:$0x3]  }
0x1a: {  	[tilespmem:s3], [sflag:$0x2] =	stream.linear.gather [hbm4b:s0+s3], $0x40, $0x38;
	[tilespmem:$0x10080] =	vst v63  }
0x1b: {  	_ =	swait.ge [sflag:s8], $0x40  }
0x1c: {  	[sflag:s8] =	ssyncset.done $0x0  }
0x1d: {  	[sflag:s8] =	ssyncadd.s32 $0xFFFFFFC0  }
0x1e: {  	v3 =	vld [tilespmem:$0x0];
	_ =	sdelay $0x4  }
0x1f: {  	v4 =	vshll.u32 v3, $0x3  }
0x20: {  	v3 =	vand.u32 $0x7, v3;
	v4 =	vand.u32 $0xFFFFFFC0, v4  }
0x21: {  	v3 =	vor.u32 v3, v4  }
0x22: {  	v4 =	vperm.xlane v3, v0;
	_ =	sdelay $0x1  }
0x23: {  	v4 =	vadd.s32 v1, v4;
	_ =	sdelay $0x4  }
0x24: {  	[tilespmem:s9], [sflag:$0x1] =	stream.indirect_vreg.gather [hbm4b:s2+s3], $0x80, v4, vm0, $0xb8;
	[tilespmem:$0x10080] =	vst v63  }
0x25: {  	s0 =	rddreg [dreg:$0x5];
	v3 =	vperm.xlane v3, v2  }
0x26: {  	[tilespmem:s0], [sflag:$0x1] =	stream.indirect_vreg.gather [hbm4b:s4+s3], $0x80, v4, vm0, $0xb8;
	[tilespmem:$0x10080] =	vst v63  }
0x27: {  	s10 =	rddreg [dreg:$0x6];
	v3 =	vadd.s32 v1, v3  }
0x28: {  	[tilespmem:s10], [sflag:$0x1] =	stream.indirect_vreg.gather [hbm4b:s5+s3], $0x80, v4, vm0, $0xb8;
	[tilespmem:$0x10080] =	vst v63  }
0x29: {  	s0 =	rddreg [dreg:$0x7]  }
0x2a: {  	[tilespmem:s0], [sflag:$0x1] =	stream.indirect_vreg.gather [hbm4b:s6+s3], $0x80, v4, vm0, $0xb8;
	[tilespmem:$0x10080] =	vst v63  }
0x2b: {  	s10 =	rddreg [dreg:$0x8]  }
0x2c: {  	[tilespmem:s10], [sflag:$0x1] =	stream.indirect_vreg.gather [hbm4b:s2+s3], $0x80, v3, vm0, $0xb8;
	[tilespmem:$0x10080] =	vst v63  }
0x2d: {  	s0 =	rddreg [dreg:$0x9]  }
0x2e: {  	[tilespmem:s0], [sflag:$0x1] =	stream.indirect_vreg.gather [hbm4b:s4+s3], $0x80, v3, vm0, $0xb8;
	[tilespmem:$0x10080] =	vst v63  }
0x2f: {  	s10 =	rddreg [dreg:$0xa]  }
0x30: {  	[tilespmem:s10], [sflag:$0x1] =	stream.indirect_vreg.gather [hbm4b:s5+s3], $0x80, v3, vm0, $0xb8;
	[tilespmem:$0x10080] =	vst v63  }
0x31: {  	s0 =	rddreg [dreg:$0xb]  }
0x32: {  	[tilespmem:s0], [sflag:$0x1] =	stream.indirect_vreg.gather [hbm4b:s6+s3], $0x80, v3, vm0, $0xb8;
	[tilespmem:$0x10080] =	vst v63  }
0x33: {  	v3 =	vld [tilespmem:$0x10];
	_ =	sdelay $0x4  }
0x34: {  	v61 =	vshll.u32 v3, $0x3  }
0x35: {  	v3 =	vand.u32 $0x7, v3;
	v4 =	vand.u32 $0xFFFFFFC0, v61  }
0x36: {  	v3 =	vor.u32 v3, v4  }
0x37: {  	v4 =	vperm.xlane v3, v0;
	_ =	sdelay $0x1  }
0x38: {  	v4 =	vadd.s32 v1, v4;
	_ =	sdelay $0x3  }
0x39: {  	s0 =	rddreg [dreg:$0xc]  }
0x3a: {  	[tilespmem:s0], [sflag:$0x1] =	stream.indirect_vreg.gather [hbm4b:s2+s3], $0x80, v4, vm0, $0xb8;
	[tilespmem:$0x10080] =	vst v63  }
0x3b: {  	s10 =	rddreg [dreg:$0xd];
	v3 =	vperm.xlane v3, v2  }
0x3c: {  	[tilespmem:s10], [sflag:$0x1] =	stream.indirect_vreg.gather [hbm4b:s4+s3], $0x80, v4, vm0, $0xb8;
	[tilespmem:$0x10080] =	vst v63  }
0x3d: {  	v3 =	vadd.s32 v1, v3;
	s0 =	rddreg [dreg:$0xe]  }
0x3e: {  	[tilespmem:s0], [sflag:$0x1] =	stream.indirect_vreg.gather [hbm4b:s5+s3], $0x80, v4, vm0, $0xb8;
	[tilespmem:$0x10080] =	vst v63  }
0x3f: {  	s10 =	simm.s32 $0x5880  }
0x40: {  	[tilespmem:s10], [sflag:$0x1] =	stream.indirect_vreg.gather [hbm4b:s6+s3], $0x80, v4, vm0, $0xb8;
	[tilespmem:$0x10080] =	vst v63  }
0x41: {  	_ = 	snop  }
0x42: {  	[tilespmem:s11], [sflag:$0x1] =	stream.indirect_vreg.gather [hbm4b:s2+s3], $0x80, v3, vm0, $0xb8;
	[tilespmem:$0x10080] =	vst v63  }
0x43: {  	_ = 	snop  }
0x44: {  	[tilespmem:s12], [sflag:$0x1] =	stream.indirect_vreg.gather [hbm4b:s4+s3], $0x80, v3, vm0, $0xb8;
	[tilespmem:$0x10080] =	vst v63  }
0x45: {  	_ = 	snop  }
0x46: {  	[tilespmem:s13], [sflag:$0x1] =	stream.indirect_vreg.gather [hbm4b:s5+s3], $0x80, v3, vm0, $0xb8;
	[tilespmem:$0x10080] =	vst v63  }
0x47: {  	_ = 	snop  }
0x48: {  	[tilespmem:s14], [sflag:$0x1] =	stream.indirect_vreg.gather [hbm4b:s6+s3], $0x80, v3, vm0, $0xb8;
	[tilespmem:$0x10080] =	vst v63  }
0x49: {  	v3 =	vld [tilespmem:$0x20];
	_ =	sdelay $0x4  }
0x4a: {  	v62 =	vshll.u32 v3, $0x3  }
0x4b: {  	v3 =	vand.u32 $0x7, v3;
	v4 =	vand.u32 $0xFFFFFFC0, v62  }
0x4c: {  	v3 =	vor.u32 v3, v4  }
0x4d: {  	v4 =	vperm.xlane v3, v0;
	_ =	sdelay $0x1  }
0x4e: {  	v4 =	vadd.s32 v1, v4;
	_ =	sdelay $0x4  }
0x4f: {  	[tilespmem:s15], [sflag:$0x1] =	stream.indirect_vreg.gather [hbm4b:s2+s3], $0x80, v4, vm0, $0xb8;
	[tilespmem:$0x10080] =	vst v63  }
0x50: {  	v3 =	vperm.xlane v3, v2  }
0x51: {  	[tilespmem:s16], [sflag:$0x1] =	stream.indirect_vreg.gather [hbm4b:s4+s3], $0x80, v4, vm0, $0xb8;
	[tilespmem:$0x10080] =	vst v63  }
0x52: {  	v3 =	vadd.s32 v1, v3  }
0x53: {  	[tilespmem:s17], [sflag:$0x1] =	stream.indirect_vreg.gather [hbm4b:s5+s3], $0x80, v4, vm0, $0xb8;
	[tilespmem:$0x10080] =	vst v63  }
0x54: {  	_ = 	snop  }
0x55: {  	[tilespmem:s18], [sflag:$0x1] =	stream.indirect_vreg.gather [hbm4b:s6+s3], $0x80, v4, vm0, $0xb8;
	[tilespmem:$0x10080] =	vst v63  }
0x56: {  	_ = 	snop  }
0x57: {  	[tilespmem:s19], [sflag:$0x1] =	stream.indirect_vreg.gather [hbm4b:s2+s3], $0x80, v3, vm0, $0xb8;
	[tilespmem:$0x10080] =	vst v63  }
0x58: {  	_ = 	snop  }
0x59: {  	[tilespmem:s20], [sflag:$0x1] =	stream.indirect_vreg.gather [hbm4b:s4+s3], $0x80, v3, vm0, $0xb8;
	[tilespmem:$0x10080] =	vst v63  }
0x5a: {  	_ = 	snop  }
0x5b: {  	[tilespmem:s21], [sflag:$0x1] =	stream.indirect_vreg.gather [hbm4b:s5+s3], $0x80, v3, vm0, $0xb8;
	[tilespmem:$0x10080] =	vst v63  }
0x5c: {  	_ = 	snop  }
0x5d: {  	[tilespmem:s22], [sflag:$0x1] =	stream.indirect_vreg.gather [hbm4b:s6+s3], $0x80, v3, vm0, $0xb8;
	[tilespmem:$0x10080] =	vst v63  }
0x5e: {  	v3 =	vld [tilespmem:$0x30];
	_ =	sdelay $0x4  }
0x5f: {  	v63 =	vshll.u32 v3, $0x3  }
0x60: {  	v3 =	vand.u32 $0x7, v3;
	v4 =	vand.u32 $0xFFFFFFC0, v63  }
0x61: {  	v3 =	vor.u32 v3, v4  }
0x62: {  	v4 =	vperm.xlane v3, v0;
	_ =	sdelay $0x1  }
0x63: {  	v4 =	vadd.s32 v1, v4;
	_ =	sdelay $0x4  }
0x64: {  	[tilespmem:s23], [sflag:$0x1] =	stream.indirect_vreg.gather [hbm4b:s2+s3], $0x80, v4, vm0, $0xb8;
	[tilespmem:$0x10080] =	vst v63  }
0x65: {  	v3 =	vperm.xlane v3, v2  }
0x66: {  	[tilespmem:s24], [sflag:$0x1] =	stream.indirect_vreg.gather [hbm4b:s4+s3], $0x80, v4, vm0, $0xb8;
	[tilespmem:$0x10080] =	vst v63  }
0x67: {  	v3 =	vadd.s32 v1, v3  }
0x68: {  	[tilespmem:s25], [sflag:$0x1] =	stream.indirect_vreg.gather [hbm4b:s5+s3], $0x80, v4, vm0, $0xb8;
	[tilespmem:$0x10080] =	vst v63  }
0x69: {  	_ = 	snop  }
0x6a: {  	[tilespmem:s26], [sflag:$0x1] =	stream.indirect_vreg.gather [hbm4b:s6+s3], $0x80, v4, vm0, $0xb8;
	[tilespmem:$0x10080] =	vst v63  }
0x6b: {  	_ = 	snop  }
0x6c: {  	[tilespmem:s28], [sflag:$0x1] =	stream.indirect_vreg.gather [hbm4b:s2+s3], $0x80, v3, vm0, $0xb8;
	[tilespmem:$0x10080] =	vst v63  }
0x6d: {  	_ = 	snop  }
0x6e: {  	[tilespmem:s29], [sflag:$0x1] =	stream.indirect_vreg.gather [hbm4b:s4+s3], $0x80, v3, vm0, $0xb8;
	[tilespmem:$0x10080] =	vst v63  }
0x6f: {  	_ = 	snop  }
0x70: {  	[tilespmem:s30], [sflag:$0x1] =	stream.indirect_vreg.gather [hbm4b:s5+s3], $0x80, v3, vm0, $0xb8;
	[tilespmem:$0x10080] =	vst v63  }
0x71: {  	_ = 	snop  }
0x72: {  	[tilespmem:s31], [sflag:$0x1] =	stream.indirect_vreg.gather [hbm4b:s6+s3], $0x80, v3, vm0, $0xb8;
	[tilespmem:$0x10080] =	vst v63  }
0x73: {  	_ =	swait.ge [sflag:s1], $0x10000  }
0x74: {  	p0 =	sne.s32 s7, $0x1;
	[sflag:s1] =	ssyncset.done $0x0  }
.Ltmp0:
0x75: {  	s10 =	rddreg [dreg:$0x4];
	[sflag:s1] =	ssyncadd.s32 $0xFFFF0000;
	(pc) =	sbr.rel @p0 .LBB2_1-.Ltmp0, $4  }
0x76: {  	[hbm4b:s10+s3] =	stream.linear.scatter [tilespmem:s9], [sflag:$0x2], $0x10000, $0x38;
	[tilespmem:$0x10080] =	vst v63  }
0x77: {  	_ =	swait.ge [sflag:s8], $0x10000  }
0x78: {  	[sflag:s8] =	ssyncset.done $0x0  }
0x79: {  	s7 =	sadd.s32 $0xFFFFFFFF, s7;
	[sflag:s8] =	ssyncadd.s32 $0xFFFF0000  }
0x7a: {  	_ =	sfence.sel $0x180000  }
0x7b: {  	[bflag:$0x0] =	sbarrier.arrive $0xFFFF  }
0x7c: {  	_ =	strace $0x90000047  }
0x7d: {  	s0 =	stileid.u32;
	[bflag:$0x2] =	sbarrier.arrive $0xFFFF  }
0x7e: {  	p0 =	sne.s32 s0, $0x0;
	s0 =	rddreg [dreg:$0x2]  }
0x7f: {  	s0 =	sadd.s32 @!p0 $0x100000, s0  }
0x80: {  	[sflag:s0] =	ssyncadd.tile.s32 @!p0 $0x1;
	_ =	shalt  }
.Lfunc_end2:
_tile_overlayer_lowered:
.L_overlay_start_2:
0x81: {  	(tag) =	ssettag $0x2  }
0x82: {  	s0 =	rddreg [dreg:$0x0];
	s2 =	stileid.u32  }
0x83: {  	s1 =	rddreg [dreg:$0x1];
	p0 =	sne.s32 s2, $0x0  }
0x84: {  	s3 =	rddreg [dreg:$0x2];
	[bflag:$0x3] =	sbarrier.arrive $0xFFFF;
	s2 =	simm.s32 @!p0 $0x1C02  }
0x85: {  	[timem:s3], [sflag:s2] =	dma.local @!p0 [hbm:s0], s1  }
0x86: {  	s0 =	simm.s32 @!p0 $0x2  }
0x87: {  	_ =	swait.ge @!p0 [sflag:s0], s1  }
0x88: {  	s1 =	ssub.s32 @!p0 $0x0, s1;
	[sflag:s0] =	ssyncset.done @!p0 $0x0  }
0x89: {  	[sflag:s0] =	ssyncadd.s32 @!p0 s1  }
0x8a: {  	[bflag:$0x3] =	sbarrier.arrive $0xFFFF  }
0x8b: {  	_ =	shalt  }

// kernel: kernel.19.cloned.1.call-start
scs
__scs_entry_jumppad:
0x0: {  	(pc) =	sbr.rel $0x88, $3  }
0x1: {  	(tag) =	ssettag $0x0;
	lr =	simm.s32 $0x1  }
0x2: {  	[smem:$0x3F9A] =	sst lr;
	_ =	strace $0xD0000000  }
0x3: {  	_ = 	snop  }
0x4: {  	_ = 	snop  }
0x5: {  	_ = 	snop  }
0x6: {  	_ = 	snop  }
0x7: {  	_ = 	snop  }
__scs_overlays_trampoline_lowered:
0x8: {  	[smem:$0x3FA9] =	sst s0  }
0x9: {  	[smem:$0x3FAA] =	sst s1  }
0xa: {  	[smem:$0x3FAB] =	sst s2  }
0xb: {  	[smem:$0x3FAC] =	sst s3  }
0xc: {  	[smem:$0x3FAD] =	sst s4  }
0xd: {  	[smem:$0x3FAE] =	sst s5  }
0xe: {  	[smem:$0x3FAF] =	sst s6  }
0xf: {  	[smem:$0x3FB0] =	sst s7  }
0x10: {  	[smem:$0x3FB1] =	sst s8  }
0x11: {  	[smem:$0x3FB2] =	sst s9;
	s0 =	simm.s32 @!p0 $0x0  }
0x12: {  	s1 =	sld [smem:$0x3F98];
	s0 =	simm.s32 @p0 $0x1  }
0x13: {  	[smem:$0x3FB3] =	sst s0;
	s0 =	simm.s32 @!p1 $0x0  }
0x14: {  	s2 =	sld [smem:$0x3F97];
	s0 =	simm.s32 @p1 $0x1  }
0x15: {  	[smem:$0x3FB4] =	sst s0;
	s0 =	simm.s32 @!p2 $0x0  }
0x16: {  	s3 =	sld [smem:$0x3FDB];
	s0 =	simm.s32 @p2 $0x1  }
0x17: {  	s4 =	simm.s32 $0x1BF5;
	[smem:$0x3FB6] =	sst s0  }
0x18: {  	s0 =	sld [smem:$0x3F99];
	_ =	swait.ge [sflag:s4], $0x0  }
0x19: {  	s7 =	sld [smem:$0x3F9A]  }
0x1a: {  	s8 =	sadd.s32 $0xFFFFE003, lr  }
0x1b: {  	s9 =	sadd.s32 $0xFFFFFEF7, lr;
	s5 =	simm.s32 $0xFFFFFFFF;
	p2 =	slt.u32 s8, $0xFFFFF086  }
0x1c: {  	p1 =	slt.u32 s9, $0xF7A;
	s5 =	simm.s32 @!p2 $0x0  }
0x1d: {  	s5 =	simm.s32 @p1 $0x1;
	p0 =	seq.s32 s7, s2  }
0x1e: {  	s7 =	smul.u32 @!p0 $0xF7A, s2;
	p2 =	seq.s32 @!p0 s5, $0x0  }
0x1f: {  	s9 =	smul.u32 $0xF7A, s1;
	s8 =	simm.s32 @!p0 $0x1BF5;
	p2 =	por !p2, p0  }
0x20: {  	[sflag:s8] =	ssyncset.s32 @!p0 $0xFFFFF086;
	s6 =	sadd.s32 @!p0 s3, s7;
	s7 =	simm.s32 @!p0 $0x108  }
0x21: {  	s3 =	sadd.s32 s3, s9;
	s6 =	sadd.s32 @!p0 $0x88, s6;
	s7 =	simm.s32 @p2 $0x1082  }
0x22: {  	[simem:s7], [sflag:s8] =	dma.local @!p0 [hbm:s6], $0xF7A  }
0x23: {  	s9 =	sor.u32 $0xD0000000, s2;
	s6 =	simm.s32 $0x108;
	_ =	swait.ge @!p0 [sflag:s8], $0x0  }
0x24: {  	s3 =	sadd.s32 $0x88, s3;
	s6 =	simm.s32 @!p1 $0x1082;
	[sflag:s4] =	ssyncset.s32 $0xFFFFF086  }
0x25: {  	[simem:s6], [sflag:s4] =	dma.local [hbm:s3], $0xF7A  }
0x26: {  	[smem:$0x3F9A] =	sst s1;
	(tag) =	ssettag s2;
	_ =	strace s9  }
0x27: {  	s1 =	sld [smem:$0x3FAA]  }
0x28: {  	s2 =	sld [smem:$0x3FAB]  }
0x29: {  	s4 =	sld [smem:$0x3FAD]  }
0x2a: {  	p0 =	seq.s32 s5, $0x0;
	s5 =	sld [smem:$0x3FAE]  }
0x2b: {  	s6 =	sld [smem:$0x3FAF]  }
0x2c: {  	s7 =	sld [smem:$0x3FB0]  }
0x2d: {  	s3 =	simm.s32 $0x108;
	s8 =	sld [smem:$0x3FB1]  }
0x2e: {  	s3 =	simm.s32 @!p0 $0x1082;
	s9 =	sld [smem:$0x3FB2]  }
0x2f: {  	lr =	sadd.s32 s0, s3;
	s0 =	sld [smem:$0x3FA9]  }
0x30: {  	s3 =	sld [smem:$0x3FAC]  }
0x31: {  	[smem:$0x3FB5] =	sst s10  }
0x32: {  	s10 =	sld [smem:$0x3FB3];
	_ =	sdelay $0x3  }
0x33: {  	p0 =	seq.s32 s10, $0x1;
	s10 =	sld [smem:$0x3FB5];
	_ =	sdelay $0x3  }
0x34: {  	[smem:$0x3FB5] =	sst s10  }
0x35: {  	s10 =	sld [smem:$0x3FB4];
	_ =	sdelay $0x3  }
0x36: {  	p1 =	seq.s32 s10, $0x1;
	s10 =	sld [smem:$0x3FB5];
	_ =	sdelay $0x3  }
0x37: {  	[smem:$0x3FB5] =	sst s10  }
0x38: {  	s10 =	sld [smem:$0x3FB6]  }
0x39: {  	_ = 	snop;
	(pc) =	sbr.ind lr, $3  }
0x3a: {  	_ = 	snop  }
0x3b: {  	_ = 	snop  }
0x3c: {  	p2 =	seq.s32 s10, $0x1;
	s10 =	sld [smem:$0x3FB5]  }
0x3d: {  	_ =	shalt  }
0x3e: {  	_ =	shalt  }
0x3f: {  	_ =	shalt  }
0x40: {  	_ =	shalt  }
0x41: {  	_ =	shalt  }
0x42: {  	_ =	shalt  }
0x43: {  	_ =	shalt  }
0x44: {  	_ =	shalt  }
0x45: {  	_ =	shalt  }
0x46: {  	_ =	shalt  }
0x47: {  	_ =	shalt  }
0x48: {  	_ =	shalt  }
0x49: {  	_ =	shalt  }
0x4a: {  	_ =	shalt  }
0x4b: {  	_ =	shalt  }
0x4c: {  	_ =	shalt  }
0x4d: {  	_ =	shalt  }
0x4e: {  	_ =	shalt  }
0x4f: {  	_ =	shalt  }
0x50: {  	_ =	shalt  }
0x51: {  	_ =	shalt  }
0x52: {  	_ =	shalt  }
0x53: {  	_ =	shalt  }
0x54: {  	_ =	shalt  }
0x55: {  	_ =	shalt  }
0x56: {  	_ =	shalt  }
0x57: {  	_ =	shalt  }
0x58: {  	_ =	shalt  }
0x59: {  	_ =	shalt  }
0x5a: {  	_ =	shalt  }
0x5b: {  	_ =	shalt  }
0x5c: {  	_ =	shalt  }
0x5d: {  	_ =	shalt  }
0x5e: {  	_ =	shalt  }
0x5f: {  	_ =	shalt  }
0x60: {  	_ =	shalt  }
0x61: {  	_ =	shalt  }
0x62: {  	_ =	shalt  }
0x63: {  	_ =	shalt  }
0x64: {  	_ =	shalt  }
0x65: {  	_ =	shalt  }
0x66: {  	_ =	shalt  }
0x67: {  	_ =	shalt  }
0x68: {  	_ =	shalt  }
0x69: {  	_ =	shalt  }
0x6a: {  	_ =	shalt  }
0x6b: {  	_ =	shalt  }
0x6c: {  	_ =	shalt  }
0x6d: {  	_ =	shalt  }
0x6e: {  	_ =	shalt  }
0x6f: {  	_ =	shalt  }
0x70: {  	_ =	shalt  }
0x71: {  	_ =	shalt  }
0x72: {  	_ =	shalt  }
0x73: {  	_ =	shalt  }
0x74: {  	_ =	shalt  }
0x75: {  	_ =	shalt  }
0x76: {  	_ =	shalt  }
0x77: {  	_ =	shalt  }
0x78: {  	_ =	shalt  }
0x79: {  	_ =	shalt  }
0x7a: {  	_ =	shalt  }
0x7b: {  	_ =	shalt  }
0x7c: {  	_ =	shalt  }
0x7d: {  	_ =	shalt  }
0x7e: {  	_ =	shalt  }
0x7f: {  	_ =	shalt  }
0x80: {  	_ =	shalt  }
0x81: {  	_ =	shalt  }
0x82: {  	_ =	shalt  }
0x83: {  	_ =	shalt  }
0x84: {  	_ =	shalt  }
0x85: {  	_ =	shalt  }
0x86: {  	_ =	shalt  }
0x87: {  	_ =	shalt  }
.Lfunc_end0:
.L_simem_size_0:
called_computation.1_lowered:
.L_overlay_start_0:
0x88: {  	s2 =	sld [smem:$0x3FD9]  }
0x89: {  	s3 =	sld [smem:$0x3FFE];
	_ =	sdelay $0x1  }
0x8a: {  	s1 =	srdreg.scid  }
0x8b: {  	s0 =	sand.u32 $0x1, s1  }
0x8c: {  	s17 =	sshll.u32 s0, $0xA;
	s2 =	sadd.s32 s3, s2  }
0x8d: {  	s2 =	sadd.s32 s2, s17  }
0x8e: {  	[smem:$0x3FC1] =	sst s2  }
0x8f: {  	_ = 	snop  }
0x90: {  	s18 =	sld [smem:$0x3FC9];
	(tm) =	ssettm $0x1  }
0x91: {  	s19 =	sld [smem:$0x3FFB];
	_ =	sdelay $0x3  }
0x92: {  	_ =	strace s19  }
0x93: {  	s2 =	sld [smem:$0x3FFC];
	_ =	sdelay $0x3  }
0x94: {  	_ =	strace s2  }
0x95: {  	s2 =	sld [smem:$0x3FFD];
	_ =	sdelay $0x3  }
0x96: {  	_ =	strace s2  }
0x97: {  	_ =	strace $0x8FFFFFFF  }
0x98: {  	s20 =	sld [smem:$0x3FDB];
	_ =	sdelay $0x1  }
0x99: {  	s4 =	simm.s32 $_scs_section_size  }
0x9a: {  	s5 =	simm.s32 $_size__tile_overlayer_lowered;
	s6 =	simm.s32 $_tile_overlayer_lowered  }
0x9b: {  	s7 =	simm.s32 $0x1BFF;
	s21 =	sshll.u32 s6, $0x1;
	s4 =	sadd.s32 s4, s20  }
0x9c: {  	s22 =	simm.s32 $0x0;
	s5 =	sshll.u32 s5, $0x1;
	s6 =	sadd.s32 s21, s4  }
0x9d: {  	[timem:s22], [sflag:s7] =	dma.local [hbm:s6], s5  }
0x9e: {  	_ =	swait.ge [sflag:s7], s5  }
0x9f: {  	s5 =	ssub.s32 $0x0, s5;
	[sflag:s7] =	ssyncset.done $0x0  }
0xa0: {  	[sflag:s7] =	ssyncadd.s32 s5;
	_ =	sdelay $0x1  }
0xa1: {  	s23 =	simm.s32 $0x1B8B  }
0xa2: {  	_ =	swait.ge [sflag:s23], $0x1  }
0xa3: {  	[sflag:s23] =	ssyncset.done $0x0  }
0xa4: {  	[sflag:s23] =	ssyncadd.s32 $0xFFFFFFFF  }
0xa5: {  	s5 =	sld [smem:$0x0]  }
0xa6: {  	s6 =	sand.u32 $0xFFFFFFFE, s1  }
0xa7: {  	p0 =	sne.s32 s1, s6  }
0xa8: {  	s6 =	sshll.u32 @p0 s6, $0xE  }
0xa9: {  	s6 =	sadd.s32 @p0 $0x11B8D, s6;
	s7 =	sshll.u32 @p0 s5, $0x11  }
0xaa: {  	s6 =	sor.u32 @p0 s7, s6  }
0xab: {  	[sflag:s6] =	ssyncadd.remote.s32 @p0 $0x1;
	_ =	sdelay $0x1  }
0xac: {  	s6 =	simm.s32 @p0 $0x1B8D  }
0xad: {  	_ =	swait.eq @p0 [sflag:s6], $0x1  }
0xae: {  	[sflag:s6] =	ssyncadd.s32 @p0 $0xFFFFFFFF  }
0xaf: {  	s7 =	sshll.u32 @!p0 s1, $0xE  }
0xb0: {  	s7 =	sor.u32 @!p0 $0x4000, s7;
	s6 =	simm.s32 @!p0 $0x1B8D  }
0xb1: {  	s5 =	sshll.u32 @!p0 s5, $0x11;
	s7 =	sadd.s32 @!p0 $0x11B8D, s7;
	_ =	swait.eq @!p0 [sflag:s6], $0x1  }
0xb2: {  	s5 =	sor.u32 @!p0 s5, s7;
	[sflag:s6] =	ssyncadd.s32 @!p0 $0xFFFFFFFF  }
0xb3: {  	s25 =	simm.s32 $0x1B8E;
	s24 =	sld [smem:$0x3FFE];
	[sflag:s5] =	ssyncadd.remote.s32 @!p0 $0x1  }
0xb4: {  	s26 =	simm.s32 $execute0_lowered;
	[smem:$0x3FD2] =	sst s25  }
0xb5: {  	s6 =	sshll.u32 s26, $0x1;
	_ =	strace $0x8000004C;
	[dreg:$0x1] =	wrdreg $0xFFFFFFFF  }
0xb6: {  	s28 =	simm.s32 $_size_execute0_lowered;
	s4 =	sadd.s32 s4, s6;
	[dreg:$0x0] =	wrdreg $0x0  }
0xb7: {  	s6 =	sshll.u32 s28, $0x1;
	[dreg:$0x2] =	wrdreg s4  }
0xb8: {  	[dreg:$0x3] =	wrdreg s6  }
0xb9: {  	[dreg:$0x4] =	wrdreg $0xC0  }
0xba: {  	_ =	task [dreg:s22], $0x5FFFF  }
0xbb: {  	[dreg:$0x1] =	wrdreg $0xFFFFFFFF  }
0xbc: {  	[dreg:$0x0] =	wrdreg $0x60  }
0xbd: {  	[dreg:$0x2] =	wrdreg s18  }
0xbe: {  	[dreg:$0x3] =	wrdreg s24  }
0xbf: {  	[dreg:$0x4] =	wrdreg $0xA  }
0xc0: {  	_ =	task.clear_ibuf [dreg:s22], $0x5FFFF;
	_ =	strace $0x9000004C  }
0xc1: {  	s29 =	simm.s32 $0xA;
	_ =	strace $0x8000004E  }
0xc2: {  	_ =	swait.ge [sflag:s29], $0x1  }
0xc3: {  	[sflag:s29] =	ssyncadd.s32 $0xFFFFFFFF  }
0xc4: {  	_ =	strace $0x9000004E  }
0xc5: {  	_ =	sfence  }
0xc6: {  	s30 =	sld [smem:$0x0];
	_ =	sdelay $0x2  }
0xc7: {  	s31 =	sshll.u32 s1, $0xD;
	s1 =	sshrl.u32 s1, $0x2  }
0xc8: {  	s4 =	sand.u32 $0x4000, s31;
	s1 =	sadd.s32 s1, s30  }
0xc9: {  	s0 =	sor.u32 s4, s0;
	s1 =	sshll.u32 s1, $0x11  }
0xca: {  	s0 =	sor.u32 s1, s0  }
0xcb: {  	s0 =	sadd.s32 $0x8F2B, s0  }
0xcc: {  	[sflag:s0] =	ssyncadd.remote.s32 $0x1  }
0xcd: {  	_ =	sfence.sel $0xFFFF  }
0xce: {  	[dreg:$0x0] =	wrdreg $0xFFFFFFFF;
	(pc) =	sbr.abs _section_cstart, $3  }
0xcf: {  	[dreg:$0x1] =	wrdreg $0xFFFFFFFF  }
0xd0: {  	_ =	task.clear_ibuf [dreg:s22], $0x2FFFF;
	_ =	strace $0x9FFFFFFF  }
0xd1: {  	(tm) =	ssettm $0x7FFFFFFF  }
tec
execute0_lowered:
.L_overlay_start_1:
0x0: {  	(tag) =	ssettag $0x1  }
0x1: {  	s1 =	srdreg.scid  }
0x2: {  	s0 =	stileid.u32;
	s2 =	rddreg [dreg:$0x0]  }
0x3: {  	s5 =	rddreg [dreg:$0x1];
	s18 =	simm.s32 $0x880;
	s19 =	simm.s32 $0x1080  }
0x4: {  	s20 =	simm.s32 $0x1880;
	s22 =	simm.s32 $0x2080;
	s23 =	simm.s32 $0x2880  }
0x5: {  	s24 =	simm.s32 $0x3080;
	s7 =	simm.s32 $0x3880;
	s8 =	simm.s32 $0x4080  }
0x6: {  	s25 =	simm.s32 $0x4880;
	s26 =	simm.s32 $0x5080;
	s1 =	sand.u32 $0x1, s1  }
0x7: {  	s9 =	simm.s32 $0x80;
	s3 =	sshll.u32 s0, $0x7;
	s4 =	sshll.u32 s1, $0x6  }
0x8: {  	s11 =	simm.s32 $0x6080;
	s4 =	sor.u32 s4, s3;
	s3 =	simm.s32 $0x0  }
0x9: {  	s12 =	simm.s32 $0x6880;
	s13 =	simm.s32 $0x7080;
	[smem:$0x7FF] =	sst s3  }
0xa: {  	s14 =	simm.s32 $0x7880;
	_ =	strace $0x8000004D;
	[dreg:$0x5] =	wrdreg s18  }
0xb: {  	s15 =	simm.s32 $0x8080;
	s16 =	simm.s32 $0x8880;
	[dreg:$0x6] =	wrdreg s19  }
0xc: {  	s28 =	simm.s32 $0xE080;
	s29 =	simm.s32 $0xE880;
	[dreg:$0x7] =	wrdreg s20  }
0xd: {  	s30 =	simm.s32 $0xF080;
	s1 =	ssub.s32 $0x2, s1;
	[dreg:$0x8] =	wrdreg s22  }
0xe: {  	s31 =	simm.s32 $0xF880;
	s21 =	sshrl.u32 s1, $0x1;
	[dreg:$0x9] =	wrdreg s23  }
0xf: {  	s6 =	sshrl.u32 s4, $0x3;
	s4 =	sshll.u32 s4, $0x7;
	[dreg:$0xa] =	wrdreg s24  }
0x10: {  	s1 =	ssub.s32 s1, s21;
	s21 =	simm.s32 $0xB080;
	[dreg:$0xb] =	wrdreg s7  }
0x11: {  	s6 =	sadd.s32 s6, s5;
	s4 =	sadd.s32 s4, s5;
	[dreg:$0xc] =	wrdreg s8  }
0x12: {  	s5 =	sadd.s32 $0x200, s2;
	s7 =	smax.u32 s1, $0x1;
	[dreg:$0xd] =	wrdreg s25  }
0x13: {  	s8 =	simm.s32 $0x2;
	[dreg:$0xe] =	wrdreg s26;
	s18 =	simm.s32 $0x9880  }
0x14: {  	s19 =	simm.s32 $0xA080;
	s20 =	simm.s32 $0xA880;
	s22 =	simm.s32 $0xB880  }
0x15: {  	s23 =	simm.s32 $0xC080;
	s24 =	simm.s32 $0xC880;
	s25 =	simm.s32 $0xD080  }
0x16: {  	v2 =	vlaneseq.u32;
	s26 =	simm.s32 $0xD880;
	s1 =	simm.s32 $0x1;
	s17 =	sadd.s32 $0x83A00, s6  }
0x17: {  	vm0 =	vmmov $0xffff;
	v1 =	vshrl.u32 v2, $0x3;
	s4 =	sadd.s32 $0xC4400, s4;
	s6 =	sadd.s32 $0x300, s2;
	[dreg:$0x3] =	wrdreg s17  }
0x18: {  	v0 =	vand.u32 $0x7, v2;
	v2 =	vor.u32 $0x8, v2;
	v1 =	vmul.u32 $0x8, v1;
	[dreg:$0x4] =	wrdreg s4;
	s4 =	sadd.s32 $0x100, s2;
	s17 =	simm.s32 $0x9080  }
.LBB2_1:
0x19: {  	s0 =	rddreg [dreg:$0x3]  }
0x1a: {  	[tilespmem:s3], [sflag:$0x2] =	stream.linear.gather [hbm4b:s0+s3], $0x40, $0x38;
	[tilespmem:$0x10080] =	vst v63  }
0x1b: {  	_ =	swait.ge [sflag:s8], $0x40  }
0x1c: {  	[sflag:s8] =	ssyncset.done $0x0  }
0x1d: {  	[sflag:s8] =	ssyncadd.s32 $0xFFFFFFC0  }
0x1e: {  	v3 =	vld [tilespmem:$0x0];
	_ =	sdelay $0x4  }
0x1f: {  	v4 =	vshll.u32 v3, $0x3  }
0x20: {  	v3 =	vand.u32 $0x7, v3;
	v4 =	vand.u32 $0xFFFFFFC0, v4  }
0x21: {  	v3 =	vor.u32 v3, v4  }
0x22: {  	v4 =	vperm.xlane v3, v0;
	_ =	sdelay $0x1  }
0x23: {  	v4 =	vadd.s32 v1, v4;
	_ =	sdelay $0x4  }
0x24: {  	[tilespmem:s9], [sflag:$0x1] =	stream.indirect_vreg.gather [hbm4b:s2+s3], $0x80, v4, vm0, $0xb8;
	[tilespmem:$0x10080] =	vst v63  }
0x25: {  	s0 =	rddreg [dreg:$0x5];
	v3 =	vperm.xlane v3, v2  }
0x26: {  	[tilespmem:s0], [sflag:$0x1] =	stream.indirect_vreg.gather [hbm4b:s4+s3], $0x80, v4, vm0, $0xb8;
	[tilespmem:$0x10080] =	vst v63  }
0x27: {  	s10 =	rddreg [dreg:$0x6];
	v3 =	vadd.s32 v1, v3  }
0x28: {  	[tilespmem:s10], [sflag:$0x1] =	stream.indirect_vreg.gather [hbm4b:s5+s3], $0x80, v4, vm0, $0xb8;
	[tilespmem:$0x10080] =	vst v63  }
0x29: {  	s0 =	rddreg [dreg:$0x7]  }
0x2a: {  	[tilespmem:s0], [sflag:$0x1] =	stream.indirect_vreg.gather [hbm4b:s6+s3], $0x80, v4, vm0, $0xb8;
	[tilespmem:$0x10080] =	vst v63  }
0x2b: {  	s10 =	rddreg [dreg:$0x8]  }
0x2c: {  	[tilespmem:s10], [sflag:$0x1] =	stream.indirect_vreg.gather [hbm4b:s2+s3], $0x80, v3, vm0, $0xb8;
	[tilespmem:$0x10080] =	vst v63  }
0x2d: {  	s0 =	rddreg [dreg:$0x9]  }
0x2e: {  	[tilespmem:s0], [sflag:$0x1] =	stream.indirect_vreg.gather [hbm4b:s4+s3], $0x80, v3, vm0, $0xb8;
	[tilespmem:$0x10080] =	vst v63  }
0x2f: {  	s10 =	rddreg [dreg:$0xa]  }
0x30: {  	[tilespmem:s10], [sflag:$0x1] =	stream.indirect_vreg.gather [hbm4b:s5+s3], $0x80, v3, vm0, $0xb8;
	[tilespmem:$0x10080] =	vst v63  }
0x31: {  	s0 =	rddreg [dreg:$0xb]  }
0x32: {  	[tilespmem:s0], [sflag:$0x1] =	stream.indirect_vreg.gather [hbm4b:s6+s3], $0x80, v3, vm0, $0xb8;
	[tilespmem:$0x10080] =	vst v63  }
0x33: {  	v3 =	vld [tilespmem:$0x10];
	_ =	sdelay $0x4  }
0x34: {  	v61 =	vshll.u32 v3, $0x3  }
0x35: {  	v3 =	vand.u32 $0x7, v3;
	v4 =	vand.u32 $0xFFFFFFC0, v61  }
0x36: {  	v3 =	vor.u32 v3, v4  }
0x37: {  	v4 =	vperm.xlane v3, v0;
	_ =	sdelay $0x1  }
0x38: {  	v4 =	vadd.s32 v1, v4;
	_ =	sdelay $0x3  }
0x39: {  	s0 =	rddreg [dreg:$0xc]  }
0x3a: {  	[tilespmem:s0], [sflag:$0x1] =	stream.indirect_vreg.gather [hbm4b:s2+s3], $0x80, v4, vm0, $0xb8;
	[tilespmem:$0x10080] =	vst v63  }
0x3b: {  	s10 =	rddreg [dreg:$0xd];
	v3 =	vperm.xlane v3, v2  }
0x3c: {  	[tilespmem:s10], [sflag:$0x1] =	stream.indirect_vreg.gather [hbm4b:s4+s3], $0x80, v4, vm0, $0xb8;
	[tilespmem:$0x10080] =	vst v63  }
0x3d: {  	v3 =	vadd.s32 v1, v3;
	s0 =	rddreg [dreg:$0xe]  }
0x3e: {  	[tilespmem:s0], [sflag:$0x1] =	stream.indirect_vreg.gather [hbm4b:s5+s3], $0x80, v4, vm0, $0xb8;
	[tilespmem:$0x10080] =	vst v63  }
0x3f: {  	s10 =	simm.s32 $0x5880  }
0x40: {  	[tilespmem:s10], [sflag:$0x1] =	stream.indirect_vreg.gather [hbm4b:s6+s3], $0x80, v4, vm0, $0xb8;
	[tilespmem:$0x10080] =	vst v63  }
0x41: {  	_ = 	snop  }
0x42: {  	[tilespmem:s11], [sflag:$0x1] =	stream.indirect_vreg.gather [hbm4b:s2+s3], $0x80, v3, vm0, $0xb8;
	[tilespmem:$0x10080] =	vst v63  }
0x43: {  	_ = 	snop  }
0x44: {  	[tilespmem:s12], [sflag:$0x1] =	stream.indirect_vreg.gather [hbm4b:s4+s3], $0x80, v3, vm0, $0xb8;
	[tilespmem:$0x10080] =	vst v63  }
0x45: {  	_ = 	snop  }
0x46: {  	[tilespmem:s13], [sflag:$0x1] =	stream.indirect_vreg.gather [hbm4b:s5+s3], $0x80, v3, vm0, $0xb8;
	[tilespmem:$0x10080] =	vst v63  }
0x47: {  	_ = 	snop  }
0x48: {  	[tilespmem:s14], [sflag:$0x1] =	stream.indirect_vreg.gather [hbm4b:s6+s3], $0x80, v3, vm0, $0xb8;
	[tilespmem:$0x10080] =	vst v63  }
0x49: {  	v3 =	vld [tilespmem:$0x20];
	_ =	sdelay $0x4  }
0x4a: {  	v62 =	vshll.u32 v3, $0x3  }
0x4b: {  	v3 =	vand.u32 $0x7, v3;
	v4 =	vand.u32 $0xFFFFFFC0, v62  }
0x4c: {  	v3 =	vor.u32 v3, v4  }
0x4d: {  	v4 =	vperm.xlane v3, v0;
	_ =	sdelay $0x1  }
0x4e: {  	v4 =	vadd.s32 v1, v4;
	_ =	sdelay $0x4  }
0x4f: {  	[tilespmem:s15], [sflag:$0x1] =	stream.indirect_vreg.gather [hbm4b:s2+s3], $0x80, v4, vm0, $0xb8;
	[tilespmem:$0x10080] =	vst v63  }
0x50: {  	v3 =	vperm.xlane v3, v2  }
0x51: {  	[tilespmem:s16], [sflag:$0x1] =	stream.indirect_vreg.gather [hbm4b:s4+s3], $0x80, v4, vm0, $0xb8;
	[tilespmem:$0x10080] =	vst v63  }
0x52: {  	v3 =	vadd.s32 v1, v3  }
0x53: {  	[tilespmem:s17], [sflag:$0x1] =	stream.indirect_vreg.gather [hbm4b:s5+s3], $0x80, v4, vm0, $0xb8;
	[tilespmem:$0x10080] =	vst v63  }
0x54: {  	_ = 	snop  }
0x55: {  	[tilespmem:s18], [sflag:$0x1] =	stream.indirect_vreg.gather [hbm4b:s6+s3], $0x80, v4, vm0, $0xb8;
	[tilespmem:$0x10080] =	vst v63  }
0x56: {  	_ = 	snop  }
0x57: {  	[tilespmem:s19], [sflag:$0x1] =	stream.indirect_vreg.gather [hbm4b:s2+s3], $0x80, v3, vm0, $0xb8;
	[tilespmem:$0x10080] =	vst v63  }
0x58: {  	_ = 	snop  }
0x59: {  	[tilespmem:s20], [sflag:$0x1] =	stream.indirect_vreg.gather [hbm4b:s4+s3], $0x80, v3, vm0, $0xb8;
	[tilespmem:$0x10080] =	vst v63  }
0x5a: {  	_ = 	snop  }
0x5b: {  	[tilespmem:s21], [sflag:$0x1] =	stream.indirect_vreg.gather [hbm4b:s5+s3], $0x80, v3, vm0, $0xb8;
	[tilespmem:$0x10080] =	vst v63  }
0x5c: {  	_ = 	snop  }
0x5d: {  	[tilespmem:s22], [sflag:$0x1] =	stream.indirect_vreg.gather [hbm4b:s6+s3], $0x80, v3, vm0, $0xb8;
	[tilespmem:$0x10080] =	vst v63  }
0x5e: {  	v3 =	vld [tilespmem:$0x30];
	_ =	sdelay $0x4  }
0x5f: {  	v63 =	vshll.u32 v3, $0x3  }
0x60: {  	v3 =	vand.u32 $0x7, v3;
	v4 =	vand.u32 $0xFFFFFFC0, v63  }
0x61: {  	v3 =	vor.u32 v3, v4  }
0x62: {  	v4 =	vperm.xlane v3, v0;
	_ =	sdelay $0x1  }
0x63: {  	v4 =	vadd.s32 v1, v4;
	_ =	sdelay $0x4  }
0x64: {  	[tilespmem:s23], [sflag:$0x1] =	stream.indirect_vreg.gather [hbm4b:s2+s3], $0x80, v4, vm0, $0xb8;
	[tilespmem:$0x10080] =	vst v63  }
0x65: {  	v3 =	vperm.xlane v3, v2  }
0x66: {  	[tilespmem:s24], [sflag:$0x1] =	stream.indirect_vreg.gather [hbm4b:s4+s3], $0x80, v4, vm0, $0xb8;
	[tilespmem:$0x10080] =	vst v63  }
0x67: {  	v3 =	vadd.s32 v1, v3  }
0x68: {  	[tilespmem:s25], [sflag:$0x1] =	stream.indirect_vreg.gather [hbm4b:s5+s3], $0x80, v4, vm0, $0xb8;
	[tilespmem:$0x10080] =	vst v63  }
0x69: {  	_ = 	snop  }
0x6a: {  	[tilespmem:s26], [sflag:$0x1] =	stream.indirect_vreg.gather [hbm4b:s6+s3], $0x80, v4, vm0, $0xb8;
	[tilespmem:$0x10080] =	vst v63  }
0x6b: {  	_ = 	snop  }
0x6c: {  	[tilespmem:s28], [sflag:$0x1] =	stream.indirect_vreg.gather [hbm4b:s2+s3], $0x80, v3, vm0, $0xb8;
	[tilespmem:$0x10080] =	vst v63  }
0x6d: {  	_ = 	snop  }
0x6e: {  	[tilespmem:s29], [sflag:$0x1] =	stream.indirect_vreg.gather [hbm4b:s4+s3], $0x80, v3, vm0, $0xb8;
	[tilespmem:$0x10080] =	vst v63  }
0x6f: {  	_ = 	snop  }
0x70: {  	[tilespmem:s30], [sflag:$0x1] =	stream.indirect_vreg.gather [hbm4b:s5+s3], $0x80, v3, vm0, $0xb8;
	[tilespmem:$0x10080] =	vst v63  }
0x71: {  	_ = 	snop  }
0x72: {  	[tilespmem:s31], [sflag:$0x1] =	stream.indirect_vreg.gather [hbm4b:s6+s3], $0x80, v3, vm0, $0xb8;
	[tilespmem:$0x10080] =	vst v63  }
0x73: {  	_ =	swait.ge [sflag:s1], $0x10000  }
0x74: {  	p0 =	sne.s32 s7, $0x1;
	[sflag:s1] =	ssyncset.done $0x0  }
.Ltmp0:
0x75: {  	s10 =	rddreg [dreg:$0x4];
	[sflag:s1] =	ssyncadd.s32 $0xFFFF0000;
	(pc) =	sbr.rel @p0 .LBB2_1-.Ltmp0, $4  }
0x76: {  	[hbm4b:s10+s3] =	stream.linear.scatter [tilespmem:s9], [sflag:$0x2], $0x10000, $0x38;
	[tilespmem:$0x10080] =	vst v63  }
0x77: {  	_ =	swait.ge [sflag:s8], $0x10000  }
0x78: {  	[sflag:s8] =	ssyncset.done $0x0  }
0x79: {  	s7 =	sadd.s32 $0xFFFFFFFF, s7;
	[sflag:s8] =	ssyncadd.s32 $0xFFFF0000  }
0x7a: {  	_ =	sfence.sel $0x180000  }
0x7b: {  	[bflag:$0x0] =	sbarrier.arrive $0xFFFF  }
0x7c: {  	_ =	strace $0x9000004D  }
0x7d: {  	s0 =	stileid.u32;
	[bflag:$0x2] =	sbarrier.arrive $0xFFFF  }
0x7e: {  	p0 =	sne.s32 s0, $0x0;
	s0 =	rddreg [dreg:$0x2]  }
0x7f: {  	s0 =	sadd.s32 @!p0 $0x100000, s0  }
0x80: {  	[sflag:s0] =	ssyncadd.tile.s32 @!p0 $0x1;
	_ =	shalt  }
.Lfunc_end2:
_tile_overlayer_lowered:
.L_overlay_start_2:
0x81: {  	(tag) =	ssettag $0x2  }
0x82: {  	s0 =	rddreg [dreg:$0x0];
	s2 =	stileid.u32  }
0x83: {  	s1 =	rddreg [dreg:$0x1];
	p0 =	sne.s32 s2, $0x0  }
0x84: {  	s3 =	rddreg [dreg:$0x2];
	[bflag:$0x3] =	sbarrier.arrive $0xFFFF;
	s2 =	simm.s32 @!p0 $0x1C02  }
0x85: {  	[timem:s3], [sflag:s2] =	dma.local @!p0 [hbm:s0], s1  }
0x86: {  	s0 =	simm.s32 @!p0 $0x2  }
0x87: {  	_ =	swait.ge @!p0 [sflag:s0], s1  }
0x88: {  	s1 =	ssub.s32 @!p0 $0x0, s1;
	[sflag:s0] =	ssyncset.done @!p0 $0x0  }
0x89: {  	[sflag:s0] =	ssyncadd.s32 @!p0 s1  }
0x8a: {  	[bflag:$0x3] =	sbarrier.arrive $0xFFFF  }
0x8b: {  	_ =	shalt  }

// kernel: kernel.22.cloned.1.call-start
scs
__scs_entry_jumppad:
0x0: {  	(pc) =	sbr.rel $0x88, $3  }
0x1: {  	(tag) =	ssettag $0x0;
	lr =	simm.s32 $0x1  }
0x2: {  	[smem:$0x3F9A] =	sst lr;
	_ =	strace $0xD0000000  }
0x3: {  	_ = 	snop  }
0x4: {  	_ = 	snop  }
0x5: {  	_ = 	snop  }
0x6: {  	_ = 	snop  }
0x7: {  	_ = 	snop  }
__scs_overlays_trampoline_lowered:
0x8: {  	[smem:$0x3FA9] =	sst s0  }
0x9: {  	[smem:$0x3FAA] =	sst s1  }
0xa: {  	[smem:$0x3FAB] =	sst s2  }
0xb: {  	[smem:$0x3FAC] =	sst s3  }
0xc: {  	[smem:$0x3FAD] =	sst s4  }
0xd: {  	[smem:$0x3FAE] =	sst s5  }
0xe: {  	[smem:$0x3FAF] =	sst s6  }
0xf: {  	[smem:$0x3FB0] =	sst s7  }
0x10: {  	[smem:$0x3FB1] =	sst s8  }
0x11: {  	[smem:$0x3FB2] =	sst s9;
	s0 =	simm.s32 @!p0 $0x0  }
0x12: {  	s1 =	sld [smem:$0x3F98];
	s0 =	simm.s32 @p0 $0x1  }
0x13: {  	[smem:$0x3FB3] =	sst s0;
	s0 =	simm.s32 @!p1 $0x0  }
0x14: {  	s2 =	sld [smem:$0x3F97];
	s0 =	simm.s32 @p1 $0x1  }
0x15: {  	[smem:$0x3FB4] =	sst s0;
	s0 =	simm.s32 @!p2 $0x0  }
0x16: {  	s3 =	sld [smem:$0x3FDB];
	s0 =	simm.s32 @p2 $0x1  }
0x17: {  	s4 =	simm.s32 $0x1BF5;
	[smem:$0x3FB6] =	sst s0  }
0x18: {  	s0 =	sld [smem:$0x3F99];
	_ =	swait.ge [sflag:s4], $0x0  }
0x19: {  	s7 =	sld [smem:$0x3F9A]  }
0x1a: {  	s8 =	sadd.s32 $0xFFFFE003, lr  }
0x1b: {  	s9 =	sadd.s32 $0xFFFFFEF7, lr;
	s5 =	simm.s32 $0xFFFFFFFF;
	p2 =	slt.u32 s8, $0xFFFFF086  }
0x1c: {  	p1 =	slt.u32 s9, $0xF7A;
	s5 =	simm.s32 @!p2 $0x0  }
0x1d: {  	s5 =	simm.s32 @p1 $0x1;
	p0 =	seq.s32 s7, s2  }
0x1e: {  	s7 =	smul.u32 @!p0 $0xF7A, s2;
	p2 =	seq.s32 @!p0 s5, $0x0  }
0x1f: {  	s9 =	smul.u32 $0xF7A, s1;
	s8 =	simm.s32 @!p0 $0x1BF5;
	p2 =	por !p2, p0  }
0x20: {  	[sflag:s8] =	ssyncset.s32 @!p0 $0xFFFFF086;
	s6 =	sadd.s32 @!p0 s3, s7;
	s7 =	simm.s32 @!p0 $0x108  }
0x21: {  	s3 =	sadd.s32 s3, s9;
	s6 =	sadd.s32 @!p0 $0x88, s6;
	s7 =	simm.s32 @p2 $0x1082  }
0x22: {  	[simem:s7], [sflag:s8] =	dma.local @!p0 [hbm:s6], $0xF7A  }
0x23: {  	s9 =	sor.u32 $0xD0000000, s2;
	s6 =	simm.s32 $0x108;
	_ =	swait.ge @!p0 [sflag:s8], $0x0  }
0x24: {  	s3 =	sadd.s32 $0x88, s3;
	s6 =	simm.s32 @!p1 $0x1082;
	[sflag:s4] =	ssyncset.s32 $0xFFFFF086  }
0x25: {  	[simem:s6], [sflag:s4] =	dma.local [hbm:s3], $0xF7A  }
0x26: {  	[smem:$0x3F9A] =	sst s1;
	(tag) =	ssettag s2;
	_ =	strace s9  }
0x27: {  	s1 =	sld [smem:$0x3FAA]  }
0x28: {  	s2 =	sld [smem:$0x3FAB]  }
0x29: {  	s4 =	sld [smem:$0x3FAD]  }
0x2a: {  	p0 =	seq.s32 s5, $0x0;
	s5 =	sld [smem:$0x3FAE]  }
0x2b: {  	s6 =	sld [smem:$0x3FAF]  }
0x2c: {  	s7 =	sld [smem:$0x3FB0]  }
0x2d: {  	s3 =	simm.s32 $0x108;
	s8 =	sld [smem:$0x3FB1]  }
0x2e: {  	s3 =	simm.s32 @!p0 $0x1082;
	s9 =	sld [smem:$0x3FB2]  }
0x2f: {  	lr =	sadd.s32 s0, s3;
	s0 =	sld [smem:$0x3FA9]  }
0x30: {  	s3 =	sld [smem:$0x3FAC]  }
0x31: {  	[smem:$0x3FB5] =	sst s10  }
0x32: {  	s10 =	sld [smem:$0x3FB3];
	_ =	sdelay $0x3  }
0x33: {  	p0 =	seq.s32 s10, $0x1;
	s10 =	sld [smem:$0x3FB5];
	_ =	sdelay $0x3  }
0x34: {  	[smem:$0x3FB5] =	sst s10  }
0x35: {  	s10 =	sld [smem:$0x3FB4];
	_ =	sdelay $0x3  }
0x36: {  	p1 =	seq.s32 s10, $0x1;
	s10 =	sld [smem:$0x3FB5];
	_ =	sdelay $0x3  }
0x37: {  	[smem:$0x3FB5] =	sst s10  }
0x38: {  	s10 =	sld [smem:$0x3FB6]  }
0x39: {  	_ = 	snop;
	(pc) =	sbr.ind lr, $3  }
0x3a: {  	_ = 	snop  }
0x3b: {  	_ = 	snop  }
0x3c: {  	p2 =	seq.s32 s10, $0x1;
	s10 =	sld [smem:$0x3FB5]  }
0x3d: {  	_ =	shalt  }
0x3e: {  	_ =	shalt  }
0x3f: {  	_ =	shalt  }
0x40: {  	_ =	shalt  }
0x41: {  	_ =	shalt  }
0x42: {  	_ =	shalt  }
0x43: {  	_ =	shalt  }
0x44: {  	_ =	shalt  }
0x45: {  	_ =	shalt  }
0x46: {  	_ =	shalt  }
0x47: {  	_ =	shalt  }
0x48: {  	_ =	shalt  }
0x49: {  	_ =	shalt  }
0x4a: {  	_ =	shalt  }
0x4b: {  	_ =	shalt  }
0x4c: {  	_ =	shalt  }
0x4d: {  	_ =	shalt  }
0x4e: {  	_ =	shalt  }
0x4f: {  	_ =	shalt  }
0x50: {  	_ =	shalt  }
0x51: {  	_ =	shalt  }
0x52: {  	_ =	shalt  }
0x53: {  	_ =	shalt  }
0x54: {  	_ =	shalt  }
0x55: {  	_ =	shalt  }
0x56: {  	_ =	shalt  }
0x57: {  	_ =	shalt  }
0x58: {  	_ =	shalt  }
0x59: {  	_ =	shalt  }
0x5a: {  	_ =	shalt  }
0x5b: {  	_ =	shalt  }
0x5c: {  	_ =	shalt  }
0x5d: {  	_ =	shalt  }
0x5e: {  	_ =	shalt  }
0x5f: {  	_ =	shalt  }
0x60: {  	_ =	shalt  }
0x61: {  	_ =	shalt  }
0x62: {  	_ =	shalt  }
0x63: {  	_ =	shalt  }
0x64: {  	_ =	shalt  }
0x65: {  	_ =	shalt  }
0x66: {  	_ =	shalt  }
0x67: {  	_ =	shalt  }
0x68: {  	_ =	shalt  }
0x69: {  	_ =	shalt  }
0x6a: {  	_ =	shalt  }
0x6b: {  	_ =	shalt  }
0x6c: {  	_ =	shalt  }
0x6d: {  	_ =	shalt  }
0x6e: {  	_ =	shalt  }
0x6f: {  	_ =	shalt  }
0x70: {  	_ =	shalt  }
0x71: {  	_ =	shalt  }
0x72: {  	_ =	shalt  }
0x73: {  	_ =	shalt  }
0x74: {  	_ =	shalt  }
0x75: {  	_ =	shalt  }
0x76: {  	_ =	shalt  }
0x77: {  	_ =	shalt  }
0x78: {  	_ =	shalt  }
0x79: {  	_ =	shalt  }
0x7a: {  	_ =	shalt  }
0x7b: {  	_ =	shalt  }
0x7c: {  	_ =	shalt  }
0x7d: {  	_ =	shalt  }
0x7e: {  	_ =	shalt  }
0x7f: {  	_ =	shalt  }
0x80: {  	_ =	shalt  }
0x81: {  	_ =	shalt  }
0x82: {  	_ =	shalt  }
0x83: {  	_ =	shalt  }
0x84: {  	_ =	shalt  }
0x85: {  	_ =	shalt  }
0x86: {  	_ =	shalt  }
0x87: {  	_ =	shalt  }
.Lfunc_end0:
.L_simem_size_0:
called_computation.2_lowered:
.L_overlay_start_0:
0x88: {  	s2 =	sld [smem:$0x3FD9]  }
0x89: {  	s3 =	sld [smem:$0x3FFE];
	_ =	sdelay $0x1  }
0x8a: {  	s1 =	srdreg.scid  }
0x8b: {  	s0 =	sand.u32 $0x1, s1  }
0x8c: {  	s17 =	sshll.u32 s0, $0xA;
	s2 =	sadd.s32 s3, s2  }
0x8d: {  	s2 =	sadd.s32 s2, s17  }
0x8e: {  	[smem:$0x3FC1] =	sst s2  }
0x8f: {  	_ = 	snop  }
0x90: {  	s18 =	sld [smem:$0x3FC9];
	(tm) =	ssettm $0x1  }
0x91: {  	s19 =	sld [smem:$0x3FFB];
	_ =	sdelay $0x3  }
0x92: {  	_ =	strace s19  }
0x93: {  	s2 =	sld [smem:$0x3FFC];
	_ =	sdelay $0x3  }
0x94: {  	_ =	strace s2  }
0x95: {  	s2 =	sld [smem:$0x3FFD];
	_ =	sdelay $0x3  }
0x96: {  	_ =	strace s2  }
0x97: {  	_ =	strace $0x8FFFFFFF  }
0x98: {  	s20 =	sld [smem:$0x3FDB];
	_ =	sdelay $0x1  }
0x99: {  	s4 =	simm.s32 $_scs_section_size  }
0x9a: {  	s5 =	simm.s32 $_size__tile_overlayer_lowered;
	s6 =	simm.s32 $_tile_overlayer_lowered  }
0x9b: {  	s7 =	simm.s32 $0x1BFF;
	s21 =	sshll.u32 s6, $0x1;
	s4 =	sadd.s32 s4, s20  }
0x9c: {  	s22 =	simm.s32 $0x0;
	s5 =	sshll.u32 s5, $0x1;
	s6 =	sadd.s32 s21, s4  }
0x9d: {  	[timem:s22], [sflag:s7] =	dma.local [hbm:s6], s5  }
0x9e: {  	_ =	swait.ge [sflag:s7], s5  }
0x9f: {  	s5 =	ssub.s32 $0x0, s5;
	[sflag:s7] =	ssyncset.done $0x0  }
0xa0: {  	[sflag:s7] =	ssyncadd.s32 s5;
	_ =	sdelay $0x1  }
0xa1: {  	s23 =	simm.s32 $0x1B8B  }
0xa2: {  	_ =	swait.ge [sflag:s23], $0x1  }
0xa3: {  	[sflag:s23] =	ssyncset.done $0x0  }
0xa4: {  	[sflag:s23] =	ssyncadd.s32 $0xFFFFFFFF  }
0xa5: {  	s5 =	sld [smem:$0x0]  }
0xa6: {  	s6 =	sand.u32 $0xFFFFFFFE, s1  }
0xa7: {  	p0 =	sne.s32 s1, s6  }
0xa8: {  	s6 =	sshll.u32 @p0 s6, $0xE  }
0xa9: {  	s6 =	sadd.s32 @p0 $0x11B8D, s6;
	s7 =	sshll.u32 @p0 s5, $0x11  }
0xaa: {  	s6 =	sor.u32 @p0 s7, s6  }
0xab: {  	[sflag:s6] =	ssyncadd.remote.s32 @p0 $0x1;
	_ =	sdelay $0x1  }
0xac: {  	s6 =	simm.s32 @p0 $0x1B8D  }
0xad: {  	_ =	swait.eq @p0 [sflag:s6], $0x1  }
0xae: {  	[sflag:s6] =	ssyncadd.s32 @p0 $0xFFFFFFFF  }
0xaf: {  	s7 =	sshll.u32 @!p0 s1, $0xE  }
0xb0: {  	s7 =	sor.u32 @!p0 $0x4000, s7;
	s6 =	simm.s32 @!p0 $0x1B8D  }
0xb1: {  	s5 =	sshll.u32 @!p0 s5, $0x11;
	s7 =	sadd.s32 @!p0 $0x11B8D, s7;
	_ =	swait.eq @!p0 [sflag:s6], $0x1  }
0xb2: {  	s5 =	sor.u32 @!p0 s5, s7;
	[sflag:s6] =	ssyncadd.s32 @!p0 $0xFFFFFFFF  }
0xb3: {  	s25 =	simm.s32 $0x1B8E;
	s24 =	sld [smem:$0x3FFE];
	[sflag:s5] =	ssyncadd.remote.s32 @!p0 $0x1  }
0xb4: {  	s26 =	simm.s32 $execute0_lowered;
	[smem:$0x3FD2] =	sst s25  }
0xb5: {  	s6 =	sshll.u32 s26, $0x1;
	_ =	strace $0x80000052;
	[dreg:$0x1] =	wrdreg $0xFFFFFFFF  }
0xb6: {  	s28 =	simm.s32 $_size_execute0_lowered;
	s4 =	sadd.s32 s4, s6;
	[dreg:$0x0] =	wrdreg $0x0  }
0xb7: {  	s6 =	sshll.u32 s28, $0x1;
	[dreg:$0x2] =	wrdreg s4  }
0xb8: {  	[dreg:$0x3] =	wrdreg s6  }
0xb9: {  	[dreg:$0x4] =	wrdreg $0xC0  }
0xba: {  	_ =	task [dreg:s22], $0x5FFFF  }
0xbb: {  	[dreg:$0x1] =	wrdreg $0xFFFFFFFF  }
0xbc: {  	[dreg:$0x0] =	wrdreg $0x60  }
0xbd: {  	[dreg:$0x2] =	wrdreg s18  }
0xbe: {  	[dreg:$0x3] =	wrdreg s24  }
0xbf: {  	[dreg:$0x4] =	wrdreg $0x9  }
0xc0: {  	_ =	task.clear_ibuf [dreg:s22], $0x5FFFF;
	_ =	strace $0x90000052  }
0xc1: {  	s29 =	simm.s32 $0x9;
	_ =	strace $0x80000054  }
0xc2: {  	_ =	swait.ge [sflag:s29], $0x1  }
0xc3: {  	[sflag:s29] =	ssyncadd.s32 $0xFFFFFFFF  }
0xc4: {  	_ =	strace $0x90000054  }
0xc5: {  	_ =	sfence  }
0xc6: {  	s30 =	sld [smem:$0x0];
	_ =	sdelay $0x2  }
0xc7: {  	s31 =	sshll.u32 s1, $0xD;
	s1 =	sshrl.u32 s1, $0x2  }
0xc8: {  	s4 =	sand.u32 $0x4000, s31;
	s1 =	sadd.s32 s1, s30  }
0xc9: {  	s0 =	sor.u32 s4, s0;
	s1 =	sshll.u32 s1, $0x11  }
0xca: {  	s0 =	sor.u32 s1, s0  }
0xcb: {  	s0 =	sadd.s32 $0x8F2B, s0  }
0xcc: {  	[sflag:s0] =	ssyncadd.remote.s32 $0x1  }
0xcd: {  	_ =	sfence.sel $0xFFFF  }
0xce: {  	[dreg:$0x0] =	wrdreg $0xFFFFFFFF;
	(pc) =	sbr.abs _section_cstart, $3  }
0xcf: {  	[dreg:$0x1] =	wrdreg $0xFFFFFFFF  }
0xd0: {  	_ =	task.clear_ibuf [dreg:s22], $0x2FFFF;
	_ =	strace $0x9FFFFFFF  }
0xd1: {  	(tm) =	ssettm $0x7FFFFFFF  }
tec
execute0_lowered:
.L_overlay_start_1:
0x0: {  	(tag) =	ssettag $0x1  }
0x1: {  	s1 =	srdreg.scid  }
0x2: {  	s0 =	stileid.u32;
	s2 =	rddreg [dreg:$0x0]  }
0x3: {  	s5 =	rddreg [dreg:$0x1];
	s18 =	simm.s32 $0x880;
	s19 =	simm.s32 $0x1080  }
0x4: {  	s20 =	simm.s32 $0x1880;
	s22 =	simm.s32 $0x2080;
	s23 =	simm.s32 $0x2880  }
0x5: {  	s24 =	simm.s32 $0x3080;
	s7 =	simm.s32 $0x3880;
	s8 =	simm.s32 $0x4080  }
0x6: {  	s25 =	simm.s32 $0x4880;
	s26 =	simm.s32 $0x5080;
	s1 =	sand.u32 $0x1, s1  }
0x7: {  	s9 =	simm.s32 $0x80;
	s3 =	sshll.u32 s0, $0x7;
	s4 =	sshll.u32 s1, $0x6  }
0x8: {  	s11 =	simm.s32 $0x6080;
	s4 =	sor.u32 s4, s3;
	s3 =	simm.s32 $0x0  }
0x9: {  	s12 =	simm.s32 $0x6880;
	s13 =	simm.s32 $0x7080;
	[smem:$0x7FF] =	sst s3  }
0xa: {  	s14 =	simm.s32 $0x7880;
	_ =	strace $0x80000053;
	[dreg:$0x5] =	wrdreg s18  }
0xb: {  	s15 =	simm.s32 $0x8080;
	s16 =	simm.s32 $0x8880;
	[dreg:$0x6] =	wrdreg s19  }
0xc: {  	s28 =	simm.s32 $0xE080;
	s29 =	simm.s32 $0xE880;
	[dreg:$0x7] =	wrdreg s20  }
0xd: {  	s30 =	simm.s32 $0xF080;
	s1 =	ssub.s32 $0x2, s1;
	[dreg:$0x8] =	wrdreg s22  }
0xe: {  	s31 =	simm.s32 $0xF880;
	s21 =	sshrl.u32 s1, $0x1;
	[dreg:$0x9] =	wrdreg s23  }
0xf: {  	s6 =	sshrl.u32 s4, $0x3;
	s4 =	sshll.u32 s4, $0x7;
	[dreg:$0xa] =	wrdreg s24  }
0x10: {  	s1 =	ssub.s32 s1, s21;
	s21 =	simm.s32 $0xB080;
	[dreg:$0xb] =	wrdreg s7  }
0x11: {  	s6 =	sadd.s32 s6, s5;
	s4 =	sadd.s32 s4, s5;
	[dreg:$0xc] =	wrdreg s8  }
0x12: {  	s5 =	sadd.s32 $0x200, s2;
	s7 =	smax.u32 s1, $0x1;
	[dreg:$0xd] =	wrdreg s25  }
0x13: {  	s8 =	simm.s32 $0x2;
	[dreg:$0xe] =	wrdreg s26;
	s18 =	simm.s32 $0x9880  }
0x14: {  	s19 =	simm.s32 $0xA080;
	s20 =	simm.s32 $0xA880;
	s22 =	simm.s32 $0xB880  }
0x15: {  	s23 =	simm.s32 $0xC080;
	s24 =	simm.s32 $0xC880;
	s25 =	simm.s32 $0xD080  }
0x16: {  	v2 =	vlaneseq.u32;
	s26 =	simm.s32 $0xD880;
	s1 =	simm.s32 $0x1;
	s17 =	sadd.s32 $0x83C00, s6  }
0x17: {  	vm0 =	vmmov $0xffff;
	v1 =	vshrl.u32 v2, $0x3;
	s4 =	sadd.s32 $0x84400, s4;
	s6 =	sadd.s32 $0x300, s2;
	[dreg:$0x3] =	wrdreg s17  }
0x18: {  	v0 =	vand.u32 $0x7, v2;
	v2 =	vor.u32 $0x8, v2;
	v1 =	vmul.u32 $0x8, v1;
	[dreg:$0x4] =	wrdreg s4;
	s4 =	sadd.s32 $0x100, s2;
	s17 =	simm.s32 $0x9080  }
.LBB2_1:
0x19: {  	s0 =	rddreg [dreg:$0x3]  }
0x1a: {  	[tilespmem:s3], [sflag:$0x2] =	stream.linear.gather [hbm4b:s0+s3], $0x40, $0x38;
	[tilespmem:$0x10080] =	vst v63  }
0x1b: {  	_ =	swait.ge [sflag:s8], $0x40  }
0x1c: {  	[sflag:s8] =	ssyncset.done $0x0  }
0x1d: {  	[sflag:s8] =	ssyncadd.s32 $0xFFFFFFC0  }
0x1e: {  	v3 =	vld [tilespmem:$0x0];
	_ =	sdelay $0x4  }
0x1f: {  	v4 =	vshll.u32 v3, $0x3  }
0x20: {  	v3 =	vand.u32 $0x7, v3;
	v4 =	vand.u32 $0xFFFFFFC0, v4  }
0x21: {  	v3 =	vor.u32 v3, v4  }
0x22: {  	v4 =	vperm.xlane v3, v0;
	_ =	sdelay $0x1  }
0x23: {  	v4 =	vadd.s32 v1, v4;
	_ =	sdelay $0x4  }
0x24: {  	[tilespmem:s9], [sflag:$0x1] =	stream.indirect_vreg.gather [hbm4b:s2+s3], $0x80, v4, vm0, $0xb8;
	[tilespmem:$0x10080] =	vst v63  }
0x25: {  	s0 =	rddreg [dreg:$0x5];
	v3 =	vperm.xlane v3, v2  }
0x26: {  	[tilespmem:s0], [sflag:$0x1] =	stream.indirect_vreg.gather [hbm4b:s4+s3], $0x80, v4, vm0, $0xb8;
	[tilespmem:$0x10080] =	vst v63  }
0x27: {  	s10 =	rddreg [dreg:$0x6];
	v3 =	vadd.s32 v1, v3  }
0x28: {  	[tilespmem:s10], [sflag:$0x1] =	stream.indirect_vreg.gather [hbm4b:s5+s3], $0x80, v4, vm0, $0xb8;
	[tilespmem:$0x10080] =	vst v63  }
0x29: {  	s0 =	rddreg [dreg:$0x7]  }
0x2a: {  	[tilespmem:s0], [sflag:$0x1] =	stream.indirect_vreg.gather [hbm4b:s6+s3], $0x80, v4, vm0, $0xb8;
	[tilespmem:$0x10080] =	vst v63  }
0x2b: {  	s10 =	rddreg [dreg:$0x8]  }
0x2c: {  	[tilespmem:s10], [sflag:$0x1] =	stream.indirect_vreg.gather [hbm4b:s2+s3], $0x80, v3, vm0, $0xb8;
	[tilespmem:$0x10080] =	vst v63  }
0x2d: {  	s0 =	rddreg [dreg:$0x9]  }
0x2e: {  	[tilespmem:s0], [sflag:$0x1] =	stream.indirect_vreg.gather [hbm4b:s4+s3], $0x80, v3, vm0, $0xb8;
	[tilespmem:$0x10080] =	vst v63  }
0x2f: {  	s10 =	rddreg [dreg:$0xa]  }
0x30: {  	[tilespmem:s10], [sflag:$0x1] =	stream.indirect_vreg.gather [hbm4b:s5+s3], $0x80, v3, vm0, $0xb8;
	[tilespmem:$0x10080] =	vst v63  }
0x31: {  	s0 =	rddreg [dreg:$0xb]  }
0x32: {  	[tilespmem:s0], [sflag:$0x1] =	stream.indirect_vreg.gather [hbm4b:s6+s3], $0x80, v3, vm0, $0xb8;
	[tilespmem:$0x10080] =	vst v63  }
0x33: {  	v3 =	vld [tilespmem:$0x10];
	_ =	sdelay $0x4  }
0x34: {  	v61 =	vshll.u32 v3, $0x3  }
0x35: {  	v3 =	vand.u32 $0x7, v3;
	v4 =	vand.u32 $0xFFFFFFC0, v61  }
0x36: {  	v3 =	vor.u32 v3, v4  }
0x37: {  	v4 =	vperm.xlane v3, v0;
	_ =	sdelay $0x1  }
0x38: {  	v4 =	vadd.s32 v1, v4;
	_ =	sdelay $0x3  }
0x39: {  	s0 =	rddreg [dreg:$0xc]  }
0x3a: {  	[tilespmem:s0], [sflag:$0x1] =	stream.indirect_vreg.gather [hbm4b:s2+s3], $0x80, v4, vm0, $0xb8;
	[tilespmem:$0x10080] =	vst v63  }
0x3b: {  	s10 =	rddreg [dreg:$0xd];
	v3 =	vperm.xlane v3, v2  }
0x3c: {  	[tilespmem:s10], [sflag:$0x1] =	stream.indirect_vreg.gather [hbm4b:s4+s3], $0x80, v4, vm0, $0xb8;
	[tilespmem:$0x10080] =	vst v63  }
0x3d: {  	v3 =	vadd.s32 v1, v3;
	s0 =	rddreg [dreg:$0xe]  }
0x3e: {  	[tilespmem:s0], [sflag:$0x1] =	stream.indirect_vreg.gather [hbm4b:s5+s3], $0x80, v4, vm0, $0xb8;
	[tilespmem:$0x10080] =	vst v63  }
0x3f: {  	s10 =	simm.s32 $0x5880  }
0x40: {  	[tilespmem:s10], [sflag:$0x1] =	stream.indirect_vreg.gather [hbm4b:s6+s3], $0x80, v4, vm0, $0xb8;
	[tilespmem:$0x10080] =	vst v63  }
0x41: {  	_ = 	snop  }
0x42: {  	[tilespmem:s11], [sflag:$0x1] =	stream.indirect_vreg.gather [hbm4b:s2+s3], $0x80, v3, vm0, $0xb8;
	[tilespmem:$0x10080] =	vst v63  }
0x43: {  	_ = 	snop  }
0x44: {  	[tilespmem:s12], [sflag:$0x1] =	stream.indirect_vreg.gather [hbm4b:s4+s3], $0x80, v3, vm0, $0xb8;
	[tilespmem:$0x10080] =	vst v63  }
0x45: {  	_ = 	snop  }
0x46: {  	[tilespmem:s13], [sflag:$0x1] =	stream.indirect_vreg.gather [hbm4b:s5+s3], $0x80, v3, vm0, $0xb8;
	[tilespmem:$0x10080] =	vst v63  }
0x47: {  	_ = 	snop  }
0x48: {  	[tilespmem:s14], [sflag:$0x1] =	stream.indirect_vreg.gather [hbm4b:s6+s3], $0x80, v3, vm0, $0xb8;
	[tilespmem:$0x10080] =	vst v63  }
0x49: {  	v3 =	vld [tilespmem:$0x20];
	_ =	sdelay $0x4  }
0x4a: {  	v62 =	vshll.u32 v3, $0x3  }
0x4b: {  	v3 =	vand.u32 $0x7, v3;
	v4 =	vand.u32 $0xFFFFFFC0, v62  }
0x4c: {  	v3 =	vor.u32 v3, v4  }
0x4d: {  	v4 =	vperm.xlane v3, v0;
	_ =	sdelay $0x1  }
0x4e: {  	v4 =	vadd.s32 v1, v4;
	_ =	sdelay $0x4  }
0x4f: {  	[tilespmem:s15], [sflag:$0x1] =	stream.indirect_vreg.gather [hbm4b:s2+s3], $0x80, v4, vm0, $0xb8;
	[tilespmem:$0x10080] =	vst v63  }
0x50: {  	v3 =	vperm.xlane v3, v2  }
0x51: {  	[tilespmem:s16], [sflag:$0x1] =	stream.indirect_vreg.gather [hbm4b:s4+s3], $0x80, v4, vm0, $0xb8;
	[tilespmem:$0x10080] =	vst v63  }
0x52: {  	v3 =	vadd.s32 v1, v3  }
0x53: {  	[tilespmem:s17], [sflag:$0x1] =	stream.indirect_vreg.gather [hbm4b:s5+s3], $0x80, v4, vm0, $0xb8;
	[tilespmem:$0x10080] =	vst v63  }
0x54: {  	_ = 	snop  }
0x55: {  	[tilespmem:s18], [sflag:$0x1] =	stream.indirect_vreg.gather [hbm4b:s6+s3], $0x80, v4, vm0, $0xb8;
	[tilespmem:$0x10080] =	vst v63  }
0x56: {  	_ = 	snop  }
0x57: {  	[tilespmem:s19], [sflag:$0x1] =	stream.indirect_vreg.gather [hbm4b:s2+s3], $0x80, v3, vm0, $0xb8;
	[tilespmem:$0x10080] =	vst v63  }
0x58: {  	_ = 	snop  }
0x59: {  	[tilespmem:s20], [sflag:$0x1] =	stream.indirect_vreg.gather [hbm4b:s4+s3], $0x80, v3, vm0, $0xb8;
	[tilespmem:$0x10080] =	vst v63  }
0x5a: {  	_ = 	snop  }
0x5b: {  	[tilespmem:s21], [sflag:$0x1] =	stream.indirect_vreg.gather [hbm4b:s5+s3], $0x80, v3, vm0, $0xb8;
	[tilespmem:$0x10080] =	vst v63  }
0x5c: {  	_ = 	snop  }
0x5d: {  	[tilespmem:s22], [sflag:$0x1] =	stream.indirect_vreg.gather [hbm4b:s6+s3], $0x80, v3, vm0, $0xb8;
	[tilespmem:$0x10080] =	vst v63  }
0x5e: {  	v3 =	vld [tilespmem:$0x30];
	_ =	sdelay $0x4  }
0x5f: {  	v63 =	vshll.u32 v3, $0x3  }
0x60: {  	v3 =	vand.u32 $0x7, v3;
	v4 =	vand.u32 $0xFFFFFFC0, v63  }
0x61: {  	v3 =	vor.u32 v3, v4  }
0x62: {  	v4 =	vperm.xlane v3, v0;
	_ =	sdelay $0x1  }
0x63: {  	v4 =	vadd.s32 v1, v4;
	_ =	sdelay $0x4  }
0x64: {  	[tilespmem:s23], [sflag:$0x1] =	stream.indirect_vreg.gather [hbm4b:s2+s3], $0x80, v4, vm0, $0xb8;
	[tilespmem:$0x10080] =	vst v63  }
0x65: {  	v3 =	vperm.xlane v3, v2  }
0x66: {  	[tilespmem:s24], [sflag:$0x1] =	stream.indirect_vreg.gather [hbm4b:s4+s3], $0x80, v4, vm0, $0xb8;
	[tilespmem:$0x10080] =	vst v63  }
0x67: {  	v3 =	vadd.s32 v1, v3  }
0x68: {  	[tilespmem:s25], [sflag:$0x1] =	stream.indirect_vreg.gather [hbm4b:s5+s3], $0x80, v4, vm0, $0xb8;
	[tilespmem:$0x10080] =	vst v63  }
0x69: {  	_ = 	snop  }
0x6a: {  	[tilespmem:s26], [sflag:$0x1] =	stream.indirect_vreg.gather [hbm4b:s6+s3], $0x80, v4, vm0, $0xb8;
	[tilespmem:$0x10080] =	vst v63  }
0x6b: {  	_ = 	snop  }
0x6c: {  	[tilespmem:s28], [sflag:$0x1] =	stream.indirect_vreg.gather [hbm4b:s2+s3], $0x80, v3, vm0, $0xb8;
	[tilespmem:$0x10080] =	vst v63  }
0x6d: {  	_ = 	snop  }
0x6e: {  	[tilespmem:s29], [sflag:$0x1] =	stream.indirect_vreg.gather [hbm4b:s4+s3], $0x80, v3, vm0, $0xb8;
	[tilespmem:$0x10080] =	vst v63  }
0x6f: {  	_ = 	snop  }
0x70: {  	[tilespmem:s30], [sflag:$0x1] =	stream.indirect_vreg.gather [hbm4b:s5+s3], $0x80, v3, vm0, $0xb8;
	[tilespmem:$0x10080] =	vst v63  }
0x71: {  	_ = 	snop  }
0x72: {  	[tilespmem:s31], [sflag:$0x1] =	stream.indirect_vreg.gather [hbm4b:s6+s3], $0x80, v3, vm0, $0xb8;
	[tilespmem:$0x10080] =	vst v63  }
0x73: {  	_ =	swait.ge [sflag:s1], $0x10000  }
0x74: {  	p0 =	sne.s32 s7, $0x1;
	[sflag:s1] =	ssyncset.done $0x0  }
.Ltmp0:
0x75: {  	s10 =	rddreg [dreg:$0x4];
	[sflag:s1] =	ssyncadd.s32 $0xFFFF0000;
	(pc) =	sbr.rel @p0 .LBB2_1-.Ltmp0, $4  }
0x76: {  	[hbm4b:s10+s3] =	stream.linear.scatter [tilespmem:s9], [sflag:$0x2], $0x10000, $0x38;
	[tilespmem:$0x10080] =	vst v63  }
0x77: {  	_ =	swait.ge [sflag:s8], $0x10000  }
0x78: {  	[sflag:s8] =	ssyncset.done $0x0  }
0x79: {  	s7 =	sadd.s32 $0xFFFFFFFF, s7;
	[sflag:s8] =	ssyncadd.s32 $0xFFFF0000  }
0x7a: {  	_ =	sfence.sel $0x180000  }
0x7b: {  	[bflag:$0x0] =	sbarrier.arrive $0xFFFF  }
0x7c: {  	_ =	strace $0x90000053  }
0x7d: {  	s0 =	stileid.u32;
	[bflag:$0x2] =	sbarrier.arrive $0xFFFF  }
0x7e: {  	p0 =	sne.s32 s0, $0x0;
	s0 =	rddreg [dreg:$0x2]  }
0x7f: {  	s0 =	sadd.s32 @!p0 $0x100000, s0  }
0x80: {  	[sflag:s0] =	ssyncadd.tile.s32 @!p0 $0x1;
	_ =	shalt  }
.Lfunc_end2:
_tile_overlayer_lowered:
.L_overlay_start_2:
0x81: {  	(tag) =	ssettag $0x2  }
0x82: {  	s0 =	rddreg [dreg:$0x0];
	s2 =	stileid.u32  }
0x83: {  	s1 =	rddreg [dreg:$0x1];
	p0 =	sne.s32 s2, $0x0  }
0x84: {  	s3 =	rddreg [dreg:$0x2];
	[bflag:$0x3] =	sbarrier.arrive $0xFFFF;
	s2 =	simm.s32 @!p0 $0x1C02  }
0x85: {  	[timem:s3], [sflag:s2] =	dma.local @!p0 [hbm:s0], s1  }
0x86: {  	s0 =	simm.s32 @!p0 $0x2  }
0x87: {  	_ =	swait.ge @!p0 [sflag:s0], s1  }
0x88: {  	s1 =	ssub.s32 @!p0 $0x0, s1;
	[sflag:s0] =	ssyncset.done @!p0 $0x0  }
0x89: {  	[sflag:s0] =	ssyncadd.s32 @!p0 s1  }
0x8a: {  	[bflag:$0x3] =	sbarrier.arrive $0xFFFF  }
0x8b: {  	_ =	shalt  }

// kernel: kernel.25.cloned.1.call-start
scs
__scs_entry_jumppad:
0x0: {  	(pc) =	sbr.rel $0x88, $3  }
0x1: {  	(tag) =	ssettag $0x0;
	lr =	simm.s32 $0x1  }
0x2: {  	[smem:$0x3F9A] =	sst lr;
	_ =	strace $0xD0000000  }
0x3: {  	_ = 	snop  }
0x4: {  	_ = 	snop  }
0x5: {  	_ = 	snop  }
0x6: {  	_ = 	snop  }
0x7: {  	_ = 	snop  }
__scs_overlays_trampoline_lowered:
0x8: {  	[smem:$0x3FA9] =	sst s0  }
0x9: {  	[smem:$0x3FAA] =	sst s1  }
0xa: {  	[smem:$0x3FAB] =	sst s2  }
0xb: {  	[smem:$0x3FAC] =	sst s3  }
0xc: {  	[smem:$0x3FAD] =	sst s4  }
0xd: {  	[smem:$0x3FAE] =	sst s5  }
0xe: {  	[smem:$0x3FAF] =	sst s6  }
0xf: {  	[smem:$0x3FB0] =	sst s7  }
0x10: {  	[smem:$0x3FB1] =	sst s8  }
0x11: {  	[smem:$0x3FB2] =	sst s9;
	s0 =	simm.s32 @!p0 $0x0  }
0x12: {  	s1 =	sld [smem:$0x3F98];
	s0 =	simm.s32 @p0 $0x1  }
0x13: {  	[smem:$0x3FB3] =	sst s0;
	s0 =	simm.s32 @!p1 $0x0  }
0x14: {  	s2 =	sld [smem:$0x3F97];
	s0 =	simm.s32 @p1 $0x1  }
0x15: {  	[smem:$0x3FB4] =	sst s0;
	s0 =	simm.s32 @!p2 $0x0  }
0x16: {  	s3 =	sld [smem:$0x3FDB];
	s0 =	simm.s32 @p2 $0x1  }
0x17: {  	s4 =	simm.s32 $0x1BF5;
	[smem:$0x3FB6] =	sst s0  }
0x18: {  	s0 =	sld [smem:$0x3F99];
	_ =	swait.ge [sflag:s4], $0x0  }
0x19: {  	s7 =	sld [smem:$0x3F9A]  }
0x1a: {  	s8 =	sadd.s32 $0xFFFFE003, lr  }
0x1b: {  	s9 =	sadd.s32 $0xFFFFFEF7, lr;
	s5 =	simm.s32 $0xFFFFFFFF;
	p2 =	slt.u32 s8, $0xFFFFF086  }
0x1c: {  	p1 =	slt.u32 s9, $0xF7A;
	s5 =	simm.s32 @!p2 $0x0  }
0x1d: {  	s5 =	simm.s32 @p1 $0x1;
	p0 =	seq.s32 s7, s2  }
0x1e: {  	s7 =	smul.u32 @!p0 $0xF7A, s2;
	p2 =	seq.s32 @!p0 s5, $0x0  }
0x1f: {  	s9 =	smul.u32 $0xF7A, s1;
	s8 =	simm.s32 @!p0 $0x1BF5;
	p2 =	por !p2, p0  }
0x20: {  	[sflag:s8] =	ssyncset.s32 @!p0 $0xFFFFF086;
	s6 =	sadd.s32 @!p0 s3, s7;
	s7 =	simm.s32 @!p0 $0x108  }
0x21: {  	s3 =	sadd.s32 s3, s9;
	s6 =	sadd.s32 @!p0 $0x88, s6;
	s7 =	simm.s32 @p2 $0x1082  }
0x22: {  	[simem:s7], [sflag:s8] =	dma.local @!p0 [hbm:s6], $0xF7A  }
0x23: {  	s9 =	sor.u32 $0xD0000000, s2;
	s6 =	simm.s32 $0x108;
	_ =	swait.ge @!p0 [sflag:s8], $0x0  }
0x24: {  	s3 =	sadd.s32 $0x88, s3;
	s6 =	simm.s32 @!p1 $0x1082;
	[sflag:s4] =	ssyncset.s32 $0xFFFFF086  }
0x25: {  	[simem:s6], [sflag:s4] =	dma.local [hbm:s3], $0xF7A  }
0x26: {  	[smem:$0x3F9A] =	sst s1;
	(tag) =	ssettag s2;
	_ =	strace s9  }
0x27: {  	s1 =	sld [smem:$0x3FAA]  }
0x28: {  	s2 =	sld [smem:$0x3FAB]  }
0x29: {  	s4 =	sld [smem:$0x3FAD]  }
0x2a: {  	p0 =	seq.s32 s5, $0x0;
	s5 =	sld [smem:$0x3FAE]  }
0x2b: {  	s6 =	sld [smem:$0x3FAF]  }
0x2c: {  	s7 =	sld [smem:$0x3FB0]  }
0x2d: {  	s3 =	simm.s32 $0x108;
	s8 =	sld [smem:$0x3FB1]  }
0x2e: {  	s3 =	simm.s32 @!p0 $0x1082;
	s9 =	sld [smem:$0x3FB2]  }
0x2f: {  	lr =	sadd.s32 s0, s3;
	s0 =	sld [smem:$0x3FA9]  }
0x30: {  	s3 =	sld [smem:$0x3FAC]  }
0x31: {  	[smem:$0x3FB5] =	sst s10  }
0x32: {  	s10 =	sld [smem:$0x3FB3];
	_ =	sdelay $0x3  }
0x33: {  	p0 =	seq.s32 s10, $0x1;
	s10 =	sld [smem:$0x3FB5];
	_ =	sdelay $0x3  }
0x34: {  	[smem:$0x3FB5] =	sst s10  }
0x35: {  	s10 =	sld [smem:$0x3FB4];
	_ =	sdelay $0x3  }
0x36: {  	p1 =	seq.s32 s10, $0x1;
	s10 =	sld [smem:$0x3FB5];
	_ =	sdelay $0x3  }
0x37: {  	[smem:$0x3FB5] =	sst s10  }
0x38: {  	s10 =	sld [smem:$0x3FB6]  }
0x39: {  	_ = 	snop;
	(pc) =	sbr.ind lr, $3  }
0x3a: {  	_ = 	snop  }
0x3b: {  	_ = 	snop  }
0x3c: {  	p2 =	seq.s32 s10, $0x1;
	s10 =	sld [smem:$0x3FB5]  }
0x3d: {  	_ =	shalt  }
0x3e: {  	_ =	shalt  }
0x3f: {  	_ =	shalt  }
0x40: {  	_ =	shalt  }
0x41: {  	_ =	shalt  }
0x42: {  	_ =	shalt  }
0x43: {  	_ =	shalt  }
0x44: {  	_ =	shalt  }
0x45: {  	_ =	shalt  }
0x46: {  	_ =	shalt  }
0x47: {  	_ =	shalt  }
0x48: {  	_ =	shalt  }
0x49: {  	_ =	shalt  }
0x4a: {  	_ =	shalt  }
0x4b: {  	_ =	shalt  }
0x4c: {  	_ =	shalt  }
0x4d: {  	_ =	shalt  }
0x4e: {  	_ =	shalt  }
0x4f: {  	_ =	shalt  }
0x50: {  	_ =	shalt  }
0x51: {  	_ =	shalt  }
0x52: {  	_ =	shalt  }
0x53: {  	_ =	shalt  }
0x54: {  	_ =	shalt  }
0x55: {  	_ =	shalt  }
0x56: {  	_ =	shalt  }
0x57: {  	_ =	shalt  }
0x58: {  	_ =	shalt  }
0x59: {  	_ =	shalt  }
0x5a: {  	_ =	shalt  }
0x5b: {  	_ =	shalt  }
0x5c: {  	_ =	shalt  }
0x5d: {  	_ =	shalt  }
0x5e: {  	_ =	shalt  }
0x5f: {  	_ =	shalt  }
0x60: {  	_ =	shalt  }
0x61: {  	_ =	shalt  }
0x62: {  	_ =	shalt  }
0x63: {  	_ =	shalt  }
0x64: {  	_ =	shalt  }
0x65: {  	_ =	shalt  }
0x66: {  	_ =	shalt  }
0x67: {  	_ =	shalt  }
0x68: {  	_ =	shalt  }
0x69: {  	_ =	shalt  }
0x6a: {  	_ =	shalt  }
0x6b: {  	_ =	shalt  }
0x6c: {  	_ =	shalt  }
0x6d: {  	_ =	shalt  }
0x6e: {  	_ =	shalt  }
0x6f: {  	_ =	shalt  }
0x70: {  	_ =	shalt  }
0x71: {  	_ =	shalt  }
0x72: {  	_ =	shalt  }
0x73: {  	_ =	shalt  }
0x74: {  	_ =	shalt  }
0x75: {  	_ =	shalt  }
0x76: {  	_ =	shalt  }
0x77: {  	_ =	shalt  }
0x78: {  	_ =	shalt  }
0x79: {  	_ =	shalt  }
0x7a: {  	_ =	shalt  }
0x7b: {  	_ =	shalt  }
0x7c: {  	_ =	shalt  }
0x7d: {  	_ =	shalt  }
0x7e: {  	_ =	shalt  }
0x7f: {  	_ =	shalt  }
0x80: {  	_ =	shalt  }
0x81: {  	_ =	shalt  }
0x82: {  	_ =	shalt  }
0x83: {  	_ =	shalt  }
0x84: {  	_ =	shalt  }
0x85: {  	_ =	shalt  }
0x86: {  	_ =	shalt  }
0x87: {  	_ =	shalt  }
.Lfunc_end0:
.L_simem_size_0:
called_computation.3_lowered:
.L_overlay_start_0:
0x88: {  	s2 =	sld [smem:$0x3FD9]  }
0x89: {  	s3 =	sld [smem:$0x3FFE];
	_ =	sdelay $0x1  }
0x8a: {  	s1 =	srdreg.scid  }
0x8b: {  	s0 =	sand.u32 $0x1, s1  }
0x8c: {  	s17 =	sshll.u32 s0, $0xA;
	s2 =	sadd.s32 s3, s2  }
0x8d: {  	s2 =	sadd.s32 s2, s17  }
0x8e: {  	[smem:$0x3FC1] =	sst s2  }
0x8f: {  	_ = 	snop  }
0x90: {  	s18 =	sld [smem:$0x3FC9];
	(tm) =	ssettm $0x1  }
0x91: {  	s19 =	sld [smem:$0x3FFB];
	_ =	sdelay $0x3  }
0x92: {  	_ =	strace s19  }
0x93: {  	s2 =	sld [smem:$0x3FFC];
	_ =	sdelay $0x3  }
0x94: {  	_ =	strace s2  }
0x95: {  	s2 =	sld [smem:$0x3FFD];
	_ =	sdelay $0x3  }
0x96: {  	_ =	strace s2  }
0x97: {  	_ =	strace $0x8FFFFFFF  }
0x98: {  	s20 =	sld [smem:$0x3FDB];
	_ =	sdelay $0x1  }
0x99: {  	s4 =	simm.s32 $_scs_section_size  }
0x9a: {  	s5 =	simm.s32 $_size__tile_overlayer_lowered;
	s6 =	simm.s32 $_tile_overlayer_lowered  }
0x9b: {  	s7 =	simm.s32 $0x1BFF;
	s21 =	sshll.u32 s6, $0x1;
	s4 =	sadd.s32 s4, s20  }
0x9c: {  	s22 =	simm.s32 $0x0;
	s5 =	sshll.u32 s5, $0x1;
	s6 =	sadd.s32 s21, s4  }
0x9d: {  	[timem:s22], [sflag:s7] =	dma.local [hbm:s6], s5  }
0x9e: {  	_ =	swait.ge [sflag:s7], s5  }
0x9f: {  	s5 =	ssub.s32 $0x0, s5;
	[sflag:s7] =	ssyncset.done $0x0  }
0xa0: {  	[sflag:s7] =	ssyncadd.s32 s5;
	_ =	sdelay $0x1  }
0xa1: {  	s23 =	simm.s32 $0x1B8B  }
0xa2: {  	_ =	swait.ge [sflag:s23], $0x1  }
0xa3: {  	[sflag:s23] =	ssyncset.done $0x0  }
0xa4: {  	[sflag:s23] =	ssyncadd.s32 $0xFFFFFFFF  }
0xa5: {  	s5 =	sld [smem:$0x0]  }
0xa6: {  	s6 =	sand.u32 $0xFFFFFFFE, s1  }
0xa7: {  	p0 =	sne.s32 s1, s6  }
0xa8: {  	s6 =	sshll.u32 @p0 s6, $0xE  }
0xa9: {  	s6 =	sadd.s32 @p0 $0x11B8D, s6;
	s7 =	sshll.u32 @p0 s5, $0x11  }
0xaa: {  	s6 =	sor.u32 @p0 s7, s6  }
0xab: {  	[sflag:s6] =	ssyncadd.remote.s32 @p0 $0x1;
	_ =	sdelay $0x1  }
0xac: {  	s6 =	simm.s32 @p0 $0x1B8D  }
0xad: {  	_ =	swait.eq @p0 [sflag:s6], $0x1  }
0xae: {  	[sflag:s6] =	ssyncadd.s32 @p0 $0xFFFFFFFF  }
0xaf: {  	s7 =	sshll.u32 @!p0 s1, $0xE  }
0xb0: {  	s7 =	sor.u32 @!p0 $0x4000, s7;
	s6 =	simm.s32 @!p0 $0x1B8D  }
0xb1: {  	s5 =	sshll.u32 @!p0 s5, $0x11;
	s7 =	sadd.s32 @!p0 $0x11B8D, s7;
	_ =	swait.eq @!p0 [sflag:s6], $0x1  }
0xb2: {  	s5 =	sor.u32 @!p0 s5, s7;
	[sflag:s6] =	ssyncadd.s32 @!p0 $0xFFFFFFFF  }
0xb3: {  	s25 =	simm.s32 $0x1B8E;
	s24 =	sld [smem:$0x3FFE];
	[sflag:s5] =	ssyncadd.remote.s32 @!p0 $0x1  }
0xb4: {  	s26 =	simm.s32 $execute0_lowered;
	[smem:$0x3FD2] =	sst s25  }
0xb5: {  	s6 =	sshll.u32 s26, $0x1;
	_ =	strace $0x80000058;
	[dreg:$0x1] =	wrdreg $0xFFFFFFFF  }
0xb6: {  	s28 =	simm.s32 $_size_execute0_lowered;
	s4 =	sadd.s32 s4, s6;
	[dreg:$0x0] =	wrdreg $0x0  }
0xb7: {  	s6 =	sshll.u32 s28, $0x1;
	[dreg:$0x2] =	wrdreg s4  }
0xb8: {  	[dreg:$0x3] =	wrdreg s6  }
0xb9: {  	[dreg:$0x4] =	wrdreg $0xC0  }
0xba: {  	_ =	task [dreg:s22], $0x5FFFF  }
0xbb: {  	[dreg:$0x1] =	wrdreg $0xFFFFFFFF  }
0xbc: {  	[dreg:$0x0] =	wrdreg $0x60  }
0xbd: {  	[dreg:$0x2] =	wrdreg s18  }
0xbe: {  	[dreg:$0x3] =	wrdreg s24  }
0xbf: {  	[dreg:$0x4] =	wrdreg $0xA  }
0xc0: {  	_ =	task.clear_ibuf [dreg:s22], $0x5FFFF;
	_ =	strace $0x90000058  }
0xc1: {  	s29 =	simm.s32 $0xA;
	_ =	strace $0x8000005A  }
0xc2: {  	_ =	swait.ge [sflag:s29], $0x1  }
0xc3: {  	[sflag:s29] =	ssyncadd.s32 $0xFFFFFFFF  }
0xc4: {  	_ =	strace $0x9000005A  }
0xc5: {  	_ =	sfence  }
0xc6: {  	s30 =	sld [smem:$0x0];
	_ =	sdelay $0x2  }
0xc7: {  	s31 =	sshll.u32 s1, $0xD;
	s1 =	sshrl.u32 s1, $0x2  }
0xc8: {  	s4 =	sand.u32 $0x4000, s31;
	s1 =	sadd.s32 s1, s30  }
0xc9: {  	s0 =	sor.u32 s4, s0;
	s1 =	sshll.u32 s1, $0x11  }
0xca: {  	s0 =	sor.u32 s1, s0  }
0xcb: {  	s0 =	sadd.s32 $0x8F2B, s0  }
0xcc: {  	[sflag:s0] =	ssyncadd.remote.s32 $0x1  }
0xcd: {  	_ =	sfence.sel $0xFFFF  }
0xce: {  	[dreg:$0x0] =	wrdreg $0xFFFFFFFF;
	(pc) =	sbr.abs _section_cstart, $3  }
0xcf: {  	[dreg:$0x1] =	wrdreg $0xFFFFFFFF  }
0xd0: {  	_ =	task.clear_ibuf [dreg:s22], $0x2FFFF;
	_ =	strace $0x9FFFFFFF  }
0xd1: {  	(tm) =	ssettm $0x7FFFFFFF  }
tec
execute0_lowered:
.L_overlay_start_1:
0x0: {  	(tag) =	ssettag $0x1  }
0x1: {  	s1 =	srdreg.scid  }
0x2: {  	s0 =	stileid.u32;
	s2 =	rddreg [dreg:$0x0]  }
0x3: {  	s5 =	rddreg [dreg:$0x1];
	s18 =	simm.s32 $0x880;
	s19 =	simm.s32 $0x1080  }
0x4: {  	s20 =	simm.s32 $0x1880;
	s22 =	simm.s32 $0x2080;
	s23 =	simm.s32 $0x2880  }
0x5: {  	s24 =	simm.s32 $0x3080;
	s7 =	simm.s32 $0x3880;
	s8 =	simm.s32 $0x4080  }
0x6: {  	s25 =	simm.s32 $0x4880;
	s26 =	simm.s32 $0x5080;
	s1 =	sand.u32 $0x1, s1  }
0x7: {  	s9 =	simm.s32 $0x80;
	s3 =	sshll.u32 s0, $0x7;
	s4 =	sshll.u32 s1, $0x6  }
0x8: {  	s11 =	simm.s32 $0x6080;
	s4 =	sor.u32 s4, s3;
	s3 =	simm.s32 $0x0  }
0x9: {  	s12 =	simm.s32 $0x6880;
	s13 =	simm.s32 $0x7080;
	[smem:$0x7FF] =	sst s3  }
0xa: {  	s14 =	simm.s32 $0x7880;
	_ =	strace $0x80000059;
	[dreg:$0x5] =	wrdreg s18  }
0xb: {  	s15 =	simm.s32 $0x8080;
	s16 =	simm.s32 $0x8880;
	[dreg:$0x6] =	wrdreg s19  }
0xc: {  	s28 =	simm.s32 $0xE080;
	s29 =	simm.s32 $0xE880;
	[dreg:$0x7] =	wrdreg s20  }
0xd: {  	s30 =	simm.s32 $0xF080;
	s1 =	ssub.s32 $0x2, s1;
	[dreg:$0x8] =	wrdreg s22  }
0xe: {  	s31 =	simm.s32 $0xF880;
	s21 =	sshrl.u32 s1, $0x1;
	[dreg:$0x9] =	wrdreg s23  }
0xf: {  	s6 =	sshrl.u32 s4, $0x3;
	s4 =	sshll.u32 s4, $0x7;
	[dreg:$0xa] =	wrdreg s24  }
0x10: {  	s1 =	ssub.s32 s1, s21;
	s21 =	simm.s32 $0xB080;
	[dreg:$0xb] =	wrdreg s7  }
0x11: {  	s6 =	sadd.s32 s6, s5;
	s4 =	sadd.s32 s4, s5;
	[dreg:$0xc] =	wrdreg s8  }
0x12: {  	s5 =	sadd.s32 $0x200, s2;
	s7 =	smax.u32 s1, $0x1;
	[dreg:$0xd] =	wrdreg s25  }
0x13: {  	s8 =	simm.s32 $0x2;
	[dreg:$0xe] =	wrdreg s26;
	s18 =	simm.s32 $0x9880  }
0x14: {  	s19 =	simm.s32 $0xA080;
	s20 =	simm.s32 $0xA880;
	s22 =	simm.s32 $0xB880  }
0x15: {  	s23 =	simm.s32 $0xC080;
	s24 =	simm.s32 $0xC880;
	s25 =	simm.s32 $0xD080  }
0x16: {  	v2 =	vlaneseq.u32;
	s26 =	simm.s32 $0xD880;
	s1 =	simm.s32 $0x1;
	s17 =	sadd.s32 $0x83E00, s6  }
0x17: {  	vm0 =	vmmov $0xffff;
	v1 =	vshrl.u32 v2, $0x3;
	s4 =	sadd.s32 $0x104400, s4;
	s6 =	sadd.s32 $0x300, s2;
	[dreg:$0x3] =	wrdreg s17  }
0x18: {  	v0 =	vand.u32 $0x7, v2;
	v2 =	vor.u32 $0x8, v2;
	v1 =	vmul.u32 $0x8, v1;
	[dreg:$0x4] =	wrdreg s4;
	s4 =	sadd.s32 $0x100, s2;
	s17 =	simm.s32 $0x9080  }
.LBB2_1:
0x19: {  	s0 =	rddreg [dreg:$0x3]  }
0x1a: {  	[tilespmem:s3], [sflag:$0x2] =	stream.linear.gather [hbm4b:s0+s3], $0x40, $0x38;
	[tilespmem:$0x10080] =	vst v63  }
0x1b: {  	_ =	swait.ge [sflag:s8], $0x40  }
0x1c: {  	[sflag:s8] =	ssyncset.done $0x0  }
0x1d: {  	[sflag:s8] =	ssyncadd.s32 $0xFFFFFFC0  }
0x1e: {  	v3 =	vld [tilespmem:$0x0];
	_ =	sdelay $0x4  }
0x1f: {  	v4 =	vshll.u32 v3, $0x3  }
0x20: {  	v3 =	vand.u32 $0x7, v3;
	v4 =	vand.u32 $0xFFFFFFC0, v4  }
0x21: {  	v3 =	vor.u32 v3, v4  }
0x22: {  	v4 =	vperm.xlane v3, v0;
	_ =	sdelay $0x1  }
0x23: {  	v4 =	vadd.s32 v1, v4;
	_ =	sdelay $0x4  }
0x24: {  	[tilespmem:s9], [sflag:$0x1] =	stream.indirect_vreg.gather [hbm4b:s2+s3], $0x80, v4, vm0, $0xb8;
	[tilespmem:$0x10080] =	vst v63  }
0x25: {  	s0 =	rddreg [dreg:$0x5];
	v3 =	vperm.xlane v3, v2  }
0x26: {  	[tilespmem:s0], [sflag:$0x1] =	stream.indirect_vreg.gather [hbm4b:s4+s3], $0x80, v4, vm0, $0xb8;
	[tilespmem:$0x10080] =	vst v63  }
0x27: {  	s10 =	rddreg [dreg:$0x6];
	v3 =	vadd.s32 v1, v3  }
0x28: {  	[tilespmem:s10], [sflag:$0x1] =	stream.indirect_vreg.gather [hbm4b:s5+s3], $0x80, v4, vm0, $0xb8;
	[tilespmem:$0x10080] =	vst v63  }
0x29: {  	s0 =	rddreg [dreg:$0x7]  }
0x2a: {  	[tilespmem:s0], [sflag:$0x1] =	stream.indirect_vreg.gather [hbm4b:s6+s3], $0x80, v4, vm0, $0xb8;
	[tilespmem:$0x10080] =	vst v63  }
0x2b: {  	s10 =	rddreg [dreg:$0x8]  }
0x2c: {  	[tilespmem:s10], [sflag:$0x1] =	stream.indirect_vreg.gather [hbm4b:s2+s3], $0x80, v3, vm0, $0xb8;
	[tilespmem:$0x10080] =	vst v63  }
0x2d: {  	s0 =	rddreg [dreg:$0x9]  }
0x2e: {  	[tilespmem:s0], [sflag:$0x1] =	stream.indirect_vreg.gather [hbm4b:s4+s3], $0x80, v3, vm0, $0xb8;
	[tilespmem:$0x10080] =	vst v63  }
0x2f: {  	s10 =	rddreg [dreg:$0xa]  }
0x30: {  	[tilespmem:s10], [sflag:$0x1] =	stream.indirect_vreg.gather [hbm4b:s5+s3], $0x80, v3, vm0, $0xb8;
	[tilespmem:$0x10080] =	vst v63  }
0x31: {  	s0 =	rddreg [dreg:$0xb]  }
0x32: {  	[tilespmem:s0], [sflag:$0x1] =	stream.indirect_vreg.gather [hbm4b:s6+s3], $0x80, v3, vm0, $0xb8;
	[tilespmem:$0x10080] =	vst v63  }
0x33: {  	v3 =	vld [tilespmem:$0x10];
	_ =	sdelay $0x4  }
0x34: {  	v61 =	vshll.u32 v3, $0x3  }
0x35: {  	v3 =	vand.u32 $0x7, v3;
	v4 =	vand.u32 $0xFFFFFFC0, v61  }
0x36: {  	v3 =	vor.u32 v3, v4  }
0x37: {  	v4 =	vperm.xlane v3, v0;
	_ =	sdelay $0x1  }
0x38: {  	v4 =	vadd.s32 v1, v4;
	_ =	sdelay $0x3  }
0x39: {  	s0 =	rddreg [dreg:$0xc]  }
0x3a: {  	[tilespmem:s0], [sflag:$0x1] =	stream.indirect_vreg.gather [hbm4b:s2+s3], $0x80, v4, vm0, $0xb8;
	[tilespmem:$0x10080] =	vst v63  }
0x3b: {  	s10 =	rddreg [dreg:$0xd];
	v3 =	vperm.xlane v3, v2  }
0x3c: {  	[tilespmem:s10], [sflag:$0x1] =	stream.indirect_vreg.gather [hbm4b:s4+s3], $0x80, v4, vm0, $0xb8;
	[tilespmem:$0x10080] =	vst v63  }
0x3d: {  	v3 =	vadd.s32 v1, v3;
	s0 =	rddreg [dreg:$0xe]  }
0x3e: {  	[tilespmem:s0], [sflag:$0x1] =	stream.indirect_vreg.gather [hbm4b:s5+s3], $0x80, v4, vm0, $0xb8;
	[tilespmem:$0x10080] =	vst v63  }
0x3f: {  	s10 =	simm.s32 $0x5880  }
0x40: {  	[tilespmem:s10], [sflag:$0x1] =	stream.indirect_vreg.gather [hbm4b:s6+s3], $0x80, v4, vm0, $0xb8;
	[tilespmem:$0x10080] =	vst v63  }
0x41: {  	_ = 	snop  }
0x42: {  	[tilespmem:s11], [sflag:$0x1] =	stream.indirect_vreg.gather [hbm4b:s2+s3], $0x80, v3, vm0, $0xb8;
	[tilespmem:$0x10080] =	vst v63  }
0x43: {  	_ = 	snop  }
0x44: {  	[tilespmem:s12], [sflag:$0x1] =	stream.indirect_vreg.gather [hbm4b:s4+s3], $0x80, v3, vm0, $0xb8;
	[tilespmem:$0x10080] =	vst v63  }
0x45: {  	_ = 	snop  }
0x46: {  	[tilespmem:s13], [sflag:$0x1] =	stream.indirect_vreg.gather [hbm4b:s5+s3], $0x80, v3, vm0, $0xb8;
	[tilespmem:$0x10080] =	vst v63  }
0x47: {  	_ = 	snop  }
0x48: {  	[tilespmem:s14], [sflag:$0x1] =	stream.indirect_vreg.gather [hbm4b:s6+s3], $0x80, v3, vm0, $0xb8;
	[tilespmem:$0x10080] =	vst v63  }
0x49: {  	v3 =	vld [tilespmem:$0x20];
	_ =	sdelay $0x4  }
0x4a: {  	v62 =	vshll.u32 v3, $0x3  }
0x4b: {  	v3 =	vand.u32 $0x7, v3;
	v4 =	vand.u32 $0xFFFFFFC0, v62  }
0x4c: {  	v3 =	vor.u32 v3, v4  }
0x4d: {  	v4 =	vperm.xlane v3, v0;
	_ =	sdelay $0x1  }
0x4e: {  	v4 =	vadd.s32 v1, v4;
	_ =	sdelay $0x4  }
0x4f: {  	[tilespmem:s15], [sflag:$0x1] =	stream.indirect_vreg.gather [hbm4b:s2+s3], $0x80, v4, vm0, $0xb8;
	[tilespmem:$0x10080] =	vst v63  }
0x50: {  	v3 =	vperm.xlane v3, v2  }
0x51: {  	[tilespmem:s16], [sflag:$0x1] =	stream.indirect_vreg.gather [hbm4b:s4+s3], $0x80, v4, vm0, $0xb8;
	[tilespmem:$0x10080] =	vst v63  }
0x52: {  	v3 =	vadd.s32 v1, v3  }
0x53: {  	[tilespmem:s17], [sflag:$0x1] =	stream.indirect_vreg.gather [hbm4b:s5+s3], $0x80, v4, vm0, $0xb8;
	[tilespmem:$0x10080] =	vst v63  }
0x54: {  	_ = 	snop  }
0x55: {  	[tilespmem:s18], [sflag:$0x1] =	stream.indirect_vreg.gather [hbm4b:s6+s3], $0x80, v4, vm0, $0xb8;
	[tilespmem:$0x10080] =	vst v63  }
0x56: {  	_ = 	snop  }
0x57: {  	[tilespmem:s19], [sflag:$0x1] =	stream.indirect_vreg.gather [hbm4b:s2+s3], $0x80, v3, vm0, $0xb8;
	[tilespmem:$0x10080] =	vst v63  }
0x58: {  	_ = 	snop  }
0x59: {  	[tilespmem:s20], [sflag:$0x1] =	stream.indirect_vreg.gather [hbm4b:s4+s3], $0x80, v3, vm0, $0xb8;
	[tilespmem:$0x10080] =	vst v63  }
0x5a: {  	_ = 	snop  }
0x5b: {  	[tilespmem:s21], [sflag:$0x1] =	stream.indirect_vreg.gather [hbm4b:s5+s3], $0x80, v3, vm0, $0xb8;
	[tilespmem:$0x10080] =	vst v63  }
0x5c: {  	_ = 	snop  }
0x5d: {  	[tilespmem:s22], [sflag:$0x1] =	stream.indirect_vreg.gather [hbm4b:s6+s3], $0x80, v3, vm0, $0xb8;
	[tilespmem:$0x10080] =	vst v63  }
0x5e: {  	v3 =	vld [tilespmem:$0x30];
	_ =	sdelay $0x4  }
0x5f: {  	v63 =	vshll.u32 v3, $0x3  }
0x60: {  	v3 =	vand.u32 $0x7, v3;
	v4 =	vand.u32 $0xFFFFFFC0, v63  }
0x61: {  	v3 =	vor.u32 v3, v4  }
0x62: {  	v4 =	vperm.xlane v3, v0;
	_ =	sdelay $0x1  }
0x63: {  	v4 =	vadd.s32 v1, v4;
	_ =	sdelay $0x4  }
0x64: {  	[tilespmem:s23], [sflag:$0x1] =	stream.indirect_vreg.gather [hbm4b:s2+s3], $0x80, v4, vm0, $0xb8;
	[tilespmem:$0x10080] =	vst v63  }
0x65: {  	v3 =	vperm.xlane v3, v2  }
0x66: {  	[tilespmem:s24], [sflag:$0x1] =	stream.indirect_vreg.gather [hbm4b:s4+s3], $0x80, v4, vm0, $0xb8;
	[tilespmem:$0x10080] =	vst v63  }
0x67: {  	v3 =	vadd.s32 v1, v3  }
0x68: {  	[tilespmem:s25], [sflag:$0x1] =	stream.indirect_vreg.gather [hbm4b:s5+s3], $0x80, v4, vm0, $0xb8;
	[tilespmem:$0x10080] =	vst v63  }
0x69: {  	_ = 	snop  }
0x6a: {  	[tilespmem:s26], [sflag:$0x1] =	stream.indirect_vreg.gather [hbm4b:s6+s3], $0x80, v4, vm0, $0xb8;
	[tilespmem:$0x10080] =	vst v63  }
0x6b: {  	_ = 	snop  }
0x6c: {  	[tilespmem:s28], [sflag:$0x1] =	stream.indirect_vreg.gather [hbm4b:s2+s3], $0x80, v3, vm0, $0xb8;
	[tilespmem:$0x10080] =	vst v63  }
0x6d: {  	_ = 	snop  }
0x6e: {  	[tilespmem:s29], [sflag:$0x1] =	stream.indirect_vreg.gather [hbm4b:s4+s3], $0x80, v3, vm0, $0xb8;
	[tilespmem:$0x10080] =	vst v63  }
0x6f: {  	_ = 	snop  }
0x70: {  	[tilespmem:s30], [sflag:$0x1] =	stream.indirect_vreg.gather [hbm4b:s5+s3], $0x80, v3, vm0, $0xb8;
	[tilespmem:$0x10080] =	vst v63  }
0x71: {  	_ = 	snop  }
0x72: {  	[tilespmem:s31], [sflag:$0x1] =	stream.indirect_vreg.gather [hbm4b:s6+s3], $0x80, v3, vm0, $0xb8;
	[tilespmem:$0x10080] =	vst v63  }
0x73: {  	_ =	swait.ge [sflag:s1], $0x10000  }
0x74: {  	p0 =	sne.s32 s7, $0x1;
	[sflag:s1] =	ssyncset.done $0x0  }
.Ltmp0:
0x75: {  	s10 =	rddreg [dreg:$0x4];
	[sflag:s1] =	ssyncadd.s32 $0xFFFF0000;
	(pc) =	sbr.rel @p0 .LBB2_1-.Ltmp0, $4  }
0x76: {  	[hbm4b:s10+s3] =	stream.linear.scatter [tilespmem:s9], [sflag:$0x2], $0x10000, $0x38;
	[tilespmem:$0x10080] =	vst v63  }
0x77: {  	_ =	swait.ge [sflag:s8], $0x10000  }
0x78: {  	[sflag:s8] =	ssyncset.done $0x0  }
0x79: {  	s7 =	sadd.s32 $0xFFFFFFFF, s7;
	[sflag:s8] =	ssyncadd.s32 $0xFFFF0000  }
0x7a: {  	_ =	sfence.sel $0x180000  }
0x7b: {  	[bflag:$0x0] =	sbarrier.arrive $0xFFFF  }
0x7c: {  	_ =	strace $0x90000059  }
0x7d: {  	s0 =	stileid.u32;
	[bflag:$0x2] =	sbarrier.arrive $0xFFFF  }
0x7e: {  	p0 =	sne.s32 s0, $0x0;
	s0 =	rddreg [dreg:$0x2]  }
0x7f: {  	s0 =	sadd.s32 @!p0 $0x100000, s0  }
0x80: {  	[sflag:s0] =	ssyncadd.tile.s32 @!p0 $0x1;
	_ =	shalt  }
.Lfunc_end2:
_tile_overlayer_lowered:
.L_overlay_start_2:
0x81: {  	(tag) =	ssettag $0x2  }
0x82: {  	s0 =	rddreg [dreg:$0x0];
	s2 =	stileid.u32  }
0x83: {  	s1 =	rddreg [dreg:$0x1];
	p0 =	sne.s32 s2, $0x0  }
0x84: {  	s3 =	rddreg [dreg:$0x2];
	[bflag:$0x3] =	sbarrier.arrive $0xFFFF;
	s2 =	simm.s32 @!p0 $0x1C02  }
0x85: {  	[timem:s3], [sflag:s2] =	dma.local @!p0 [hbm:s0], s1  }
0x86: {  	s0 =	simm.s32 @!p0 $0x2  }
0x87: {  	_ =	swait.ge @!p0 [sflag:s0], s1  }
0x88: {  	s1 =	ssub.s32 @!p0 $0x0, s1;
	[sflag:s0] =	ssyncset.done @!p0 $0x0  }
0x89: {  	[sflag:s0] =	ssyncadd.s32 @!p0 s1  }
0x8a: {  	[bflag:$0x3] =	sbarrier.arrive $0xFFFF  }
0x8b: {  	_ =	shalt  }

// kernel: kernel.28.cloned.1.call-start
scs
__scs_entry_jumppad:
0x0: {  	(pc) =	sbr.rel $0x88, $3  }
0x1: {  	(tag) =	ssettag $0x0;
	lr =	simm.s32 $0x1  }
0x2: {  	[smem:$0x3F9A] =	sst lr;
	_ =	strace $0xD0000000  }
0x3: {  	_ = 	snop  }
0x4: {  	_ = 	snop  }
0x5: {  	_ = 	snop  }
0x6: {  	_ = 	snop  }
0x7: {  	_ = 	snop  }
__scs_overlays_trampoline_lowered:
0x8: {  	[smem:$0x3FA9] =	sst s0  }
0x9: {  	[smem:$0x3FAA] =	sst s1  }
0xa: {  	[smem:$0x3FAB] =	sst s2  }
0xb: {  	[smem:$0x3FAC] =	sst s3  }
0xc: {  	[smem:$0x3FAD] =	sst s4  }
0xd: {  	[smem:$0x3FAE] =	sst s5  }
0xe: {  	[smem:$0x3FAF] =	sst s6  }
0xf: {  	[smem:$0x3FB0] =	sst s7  }
0x10: {  	[smem:$0x3FB1] =	sst s8  }
0x11: {  	[smem:$0x3FB2] =	sst s9;
	s0 =	simm.s32 @!p0 $0x0  }
0x12: {  	s1 =	sld [smem:$0x3F98];
	s0 =	simm.s32 @p0 $0x1  }
0x13: {  	[smem:$0x3FB3] =	sst s0;
	s0 =	simm.s32 @!p1 $0x0  }
0x14: {  	s2 =	sld [smem:$0x3F97];
	s0 =	simm.s32 @p1 $0x1  }
0x15: {  	[smem:$0x3FB4] =	sst s0;
	s0 =	simm.s32 @!p2 $0x0  }
0x16: {  	s3 =	sld [smem:$0x3FDB];
	s0 =	simm.s32 @p2 $0x1  }
0x17: {  	s4 =	simm.s32 $0x1BF5;
	[smem:$0x3FB6] =	sst s0  }
0x18: {  	s0 =	sld [smem:$0x3F99];
	_ =	swait.ge [sflag:s4], $0x0  }
0x19: {  	s7 =	sld [smem:$0x3F9A]  }
0x1a: {  	s8 =	sadd.s32 $0xFFFFE003, lr  }
0x1b: {  	s9 =	sadd.s32 $0xFFFFFEF7, lr;
	s5 =	simm.s32 $0xFFFFFFFF;
	p2 =	slt.u32 s8, $0xFFFFF086  }
0x1c: {  	p1 =	slt.u32 s9, $0xF7A;
	s5 =	simm.s32 @!p2 $0x0  }
0x1d: {  	s5 =	simm.s32 @p1 $0x1;
	p0 =	seq.s32 s7, s2  }
0x1e: {  	s7 =	smul.u32 @!p0 $0xF7A, s2;
	p2 =	seq.s32 @!p0 s5, $0x0  }
0x1f: {  	s9 =	smul.u32 $0xF7A, s1;
	s8 =	simm.s32 @!p0 $0x1BF5;
	p2 =	por !p2, p0  }
0x20: {  	[sflag:s8] =	ssyncset.s32 @!p0 $0xFFFFF086;
	s6 =	sadd.s32 @!p0 s3, s7;
	s7 =	simm.s32 @!p0 $0x108  }
0x21: {  	s3 =	sadd.s32 s3, s9;
	s6 =	sadd.s32 @!p0 $0x88, s6;
	s7 =	simm.s32 @p2 $0x1082  }
0x22: {  	[simem:s7], [sflag:s8] =	dma.local @!p0 [hbm:s6], $0xF7A  }
0x23: {  	s9 =	sor.u32 $0xD0000000, s2;
	s6 =	simm.s32 $0x108;
	_ =	swait.ge @!p0 [sflag:s8], $0x0  }
0x24: {  	s3 =	sadd.s32 $0x88, s3;
	s6 =	simm.s32 @!p1 $0x1082;
	[sflag:s4] =	ssyncset.s32 $0xFFFFF086  }
0x25: {  	[simem:s6], [sflag:s4] =	dma.local [hbm:s3], $0xF7A  }
0x26: {  	[smem:$0x3F9A] =	sst s1;
	(tag) =	ssettag s2;
	_ =	strace s9  }
0x27: {  	s1 =	sld [smem:$0x3FAA]  }
0x28: {  	s2 =	sld [smem:$0x3FAB]  }
0x29: {  	s4 =	sld [smem:$0x3FAD]  }
0x2a: {  	p0 =	seq.s32 s5, $0x0;
	s5 =	sld [smem:$0x3FAE]  }
0x2b: {  	s6 =	sld [smem:$0x3FAF]  }
0x2c: {  	s7 =	sld [smem:$0x3FB0]  }
0x2d: {  	s3 =	simm.s32 $0x108;
	s8 =	sld [smem:$0x3FB1]  }
0x2e: {  	s3 =	simm.s32 @!p0 $0x1082;
	s9 =	sld [smem:$0x3FB2]  }
0x2f: {  	lr =	sadd.s32 s0, s3;
	s0 =	sld [smem:$0x3FA9]  }
0x30: {  	s3 =	sld [smem:$0x3FAC]  }
0x31: {  	[smem:$0x3FB5] =	sst s10  }
0x32: {  	s10 =	sld [smem:$0x3FB3];
	_ =	sdelay $0x3  }
0x33: {  	p0 =	seq.s32 s10, $0x1;
	s10 =	sld [smem:$0x3FB5];
	_ =	sdelay $0x3  }
0x34: {  	[smem:$0x3FB5] =	sst s10  }
0x35: {  	s10 =	sld [smem:$0x3FB4];
	_ =	sdelay $0x3  }
0x36: {  	p1 =	seq.s32 s10, $0x1;
	s10 =	sld [smem:$0x3FB5];
	_ =	sdelay $0x3  }
0x37: {  	[smem:$0x3FB5] =	sst s10  }
0x38: {  	s10 =	sld [smem:$0x3FB6]  }
0x39: {  	_ = 	snop;
	(pc) =	sbr.ind lr, $3  }
0x3a: {  	_ = 	snop  }
0x3b: {  	_ = 	snop  }
0x3c: {  	p2 =	seq.s32 s10, $0x1;
	s10 =	sld [smem:$0x3FB5]  }
0x3d: {  	_ =	shalt  }
0x3e: {  	_ =	shalt  }
0x3f: {  	_ =	shalt  }
0x40: {  	_ =	shalt  }
0x41: {  	_ =	shalt  }
0x42: {  	_ =	shalt  }
0x43: {  	_ =	shalt  }
0x44: {  	_ =	shalt  }
0x45: {  	_ =	shalt  }
0x46: {  	_ =	shalt  }
0x47: {  	_ =	shalt  }
0x48: {  	_ =	shalt  }
0x49: {  	_ =	shalt  }
0x4a: {  	_ =	shalt  }
0x4b: {  	_ =	shalt  }
0x4c: {  	_ =	shalt  }
0x4d: {  	_ =	shalt  }
0x4e: {  	_ =	shalt  }
0x4f: {  	_ =	shalt  }
0x50: {  	_ =	shalt  }
0x51: {  	_ =	shalt  }
0x52: {  	_ =	shalt  }
0x53: {  	_ =	shalt  }
0x54: {  	_ =	shalt  }
0x55: {  	_ =	shalt  }
0x56: {  	_ =	shalt  }
0x57: {  	_ =	shalt  }
0x58: {  	_ =	shalt  }
0x59: {  	_ =	shalt  }
0x5a: {  	_ =	shalt  }
0x5b: {  	_ =	shalt  }
0x5c: {  	_ =	shalt  }
0x5d: {  	_ =	shalt  }
0x5e: {  	_ =	shalt  }
0x5f: {  	_ =	shalt  }
0x60: {  	_ =	shalt  }
0x61: {  	_ =	shalt  }
0x62: {  	_ =	shalt  }
0x63: {  	_ =	shalt  }
0x64: {  	_ =	shalt  }
0x65: {  	_ =	shalt  }
0x66: {  	_ =	shalt  }
0x67: {  	_ =	shalt  }
0x68: {  	_ =	shalt  }
0x69: {  	_ =	shalt  }
0x6a: {  	_ =	shalt  }
0x6b: {  	_ =	shalt  }
0x6c: {  	_ =	shalt  }
0x6d: {  	_ =	shalt  }
0x6e: {  	_ =	shalt  }
0x6f: {  	_ =	shalt  }
0x70: {  	_ =	shalt  }
0x71: {  	_ =	shalt  }
0x72: {  	_ =	shalt  }
0x73: {  	_ =	shalt  }
0x74: {  	_ =	shalt  }
0x75: {  	_ =	shalt  }
0x76: {  	_ =	shalt  }
0x77: {  	_ =	shalt  }
0x78: {  	_ =	shalt  }
0x79: {  	_ =	shalt  }
0x7a: {  	_ =	shalt  }
0x7b: {  	_ =	shalt  }
0x7c: {  	_ =	shalt  }
0x7d: {  	_ =	shalt  }
0x7e: {  	_ =	shalt  }
0x7f: {  	_ =	shalt  }
0x80: {  	_ =	shalt  }
0x81: {  	_ =	shalt  }
0x82: {  	_ =	shalt  }
0x83: {  	_ =	shalt  }
0x84: {  	_ =	shalt  }
0x85: {  	_ =	shalt  }
0x86: {  	_ =	shalt  }
0x87: {  	_ =	shalt  }
.Lfunc_end0:
.L_simem_size_0:
called_computation.4_lowered:
.L_overlay_start_0:
0x88: {  	s2 =	sld [smem:$0x3FD9]  }
0x89: {  	s3 =	sld [smem:$0x3FFE];
	_ =	sdelay $0x1  }
0x8a: {  	s1 =	srdreg.scid  }
0x8b: {  	s0 =	sand.u32 $0x1, s1  }
0x8c: {  	s18 =	sshll.u32 s0, $0xA;
	s2 =	sadd.s32 s3, s2  }
0x8d: {  	s2 =	sadd.s32 s2, s18  }
0x8e: {  	[smem:$0x3FC1] =	sst s2  }
0x8f: {  	_ = 	snop  }
0x90: {  	s2 =	sld [smem:$0x3FC9]  }
0x91: {  	s19 =	sld [smem:$0x3FD0];
	(tm) =	ssettm $0x1  }
0x92: {  	s4 =	sld [smem:$0x3FFB];
	_ =	sdelay $0x3  }
0x93: {  	_ =	strace s4  }
0x94: {  	s4 =	sld [smem:$0x3FFC];
	_ =	sdelay $0x3  }
0x95: {  	_ =	strace s4  }
0x96: {  	s4 =	sld [smem:$0x3FFD];
	_ =	sdelay $0x3  }
0x97: {  	_ =	strace s4  }
0x98: {  	_ =	strace $0x8FFFFFFF  }
0x99: {  	s20 =	sld [smem:$0x3FDB];
	_ =	sdelay $0x1  }
0x9a: {  	s5 =	simm.s32 $_scs_section_size  }
0x9b: {  	s6 =	simm.s32 $_size__tile_overlayer_lowered;
	s7 =	simm.s32 $_tile_overlayer_lowered  }
0x9c: {  	s23 =	simm.s32 $0x1BFF;
	s22 =	sshll.u32 s7, $0x1;
	s4 =	sadd.s32 s5, s20  }
0x9d: {  	s8 =	simm.s32 $0x0;
	s21 =	sshll.u32 s6, $0x1;
	s6 =	sadd.s32 s22, s4  }
0x9e: {  	[timem:s8], [sflag:s23] =	dma.local [hbm:s6], s21  }
0x9f: {  	_ =	swait.ge [sflag:s23], s21  }
0xa0: {  	s5 =	ssub.s32 $0x0, s21;
	[sflag:s23] =	ssyncset.done $0x0  }
0xa1: {  	[sflag:s23] =	ssyncadd.s32 s5;
	_ =	sdelay $0x1  }
0xa2: {  	s24 =	simm.s32 $0x1B8B  }
0xa3: {  	_ =	swait.ge [sflag:s24], $0x1  }
0xa4: {  	[sflag:s24] =	ssyncset.done $0x0  }
0xa5: {  	s25 =	simm.s32 $0x1B8E;
	[sflag:s24] =	ssyncadd.s32 $0xFFFFFFFF  }
0xa6: {  	s26 =	simm.s32 $execute0_lowered;
	[smem:$0x3FD2] =	sst s25  }
0xa7: {  	s5 =	sshll.u32 s26, $0x1;
	_ =	strace $0x80000049;
	[dreg:$0x1] =	wrdreg $0xFFFFFFFF  }
0xa8: {  	s28 =	simm.s32 $_size_execute0_lowered;
	s4 =	sadd.s32 s4, s5;
	[dreg:$0x0] =	wrdreg $0x0  }
0xa9: {  	s5 =	sshll.u32 s28, $0x1;
	[dreg:$0x2] =	wrdreg s4  }
0xaa: {  	[dreg:$0x3] =	wrdreg s5  }
0xab: {  	[dreg:$0x4] =	wrdreg $0xC0  }
0xac: {  	_ =	task [dreg:s8], $0x5FFFF  }
0xad: {  	[dreg:$0x1] =	wrdreg $0xFFFFFFFF  }
0xae: {  	[dreg:$0x0] =	wrdreg $0x60  }
0xaf: {  	[dreg:$0x2] =	wrdreg s2  }
0xb0: {  	[dreg:$0x3] =	wrdreg s19  }
0xb1: {  	[dreg:$0x4] =	wrdreg $0x9  }
0xb2: {  	_ =	task.clear_ibuf [dreg:s8], $0x5FFFF;
	_ =	strace $0x90000049  }
0xb3: {  	s29 =	simm.s32 $0x9;
	_ =	strace $0x8000004B  }
0xb4: {  	_ =	swait.ge [sflag:s29], $0x1  }
0xb5: {  	[sflag:s29] =	ssyncadd.s32 $0xFFFFFFFF  }
0xb6: {  	_ =	strace $0x9000004B  }
0xb7: {  	_ =	sfence  }
0xb8: {  	s30 =	sld [smem:$0x0];
	_ =	sdelay $0x2  }
0xb9: {  	s31 =	sshll.u32 s1, $0xD;
	s1 =	sshrl.u32 s1, $0x2  }
0xba: {  	s3 =	sand.u32 $0x4000, s31;
	s1 =	sadd.s32 s1, s30  }
0xbb: {  	s0 =	sor.u32 s3, s0;
	s1 =	sshll.u32 s1, $0x11  }
0xbc: {  	s0 =	sor.u32 s1, s0  }
0xbd: {  	s0 =	sadd.s32 $0x8F2B, s0  }
0xbe: {  	[sflag:s0] =	ssyncadd.remote.s32 $0x1  }
0xbf: {  	_ =	sfence.sel $0xFFFF  }
0xc0: {  	[dreg:$0x0] =	wrdreg $0xFFFFFFFF;
	(pc) =	sbr.abs _section_cstart, $3  }
0xc1: {  	[dreg:$0x1] =	wrdreg $0xFFFFFFFF  }
0xc2: {  	_ =	task.clear_ibuf [dreg:s8], $0x2FFFF;
	_ =	strace $0x9FFFFFFF  }
0xc3: {  	(tm) =	ssettm $0x7FFFFFFF  }
tec
execute0_lowered:
.L_overlay_start_1:
0x0: {  	(tag) =	ssettag $0x1  }
0x1: {  	s10 =	rddreg [dreg:$0x0]  }
0x2: {  	s11 =	rddreg [dreg:$0x1];
	s2 =	srdreg.scid  }
0x3: {  	s0 =	rddreg [dreg:$0x2];
	s1 =	stileid.u32;
	s12 =	sand.u32 $0x1, s2  }
0x4: {  	s2 =	simm.s32 $0x0;
	s3 =	sshll.u32 s1, $0x11;
	s4 =	sshll.u32 s12, $0x10  }
0x5: {  	[smem:$0x7FF] =	sst s2;
	s13 =	sor.u32 s4, s3  }
0x6: {  	_ =	strace $0x8000004A;
	s3 =	simm.s32 $0x1;
	s4 =	sadd.s32 s10, s13  }
0x7: {  	[tilespmem:s2], [sflag:$0x1] =	stream.linear.gather [hbm4b:s4+s2], $0x20000, $0x38;
	v63 =	vld [tilespmem:$0x0]  }
0x8: {  	_ =	swait.ge [sflag:s3], $0x20000  }
0x9: {  	[sflag:s3] =	ssyncset.done $0x0  }
0xa: {  	s5 =	sadd.s32 s11, s13;
	[sflag:s3] =	ssyncadd.s32 $0xFFFE0000  }
0xb: {  	[hbm4b:s5+s2] =	stream.linear.scatter [tilespmem:s2], [sflag:$0x1], $0x20000, $0x38;
	v63 =	vld [tilespmem:$0x0]  }
0xc: {  	_ =	swait.ge [sflag:s3], $0x20000  }
0xd: {  	s7 =	sor.u32 $0x4000, s13;
	[sflag:s3] =	ssyncset.done $0x0  }
0xe: {  	s6 =	sadd.s32 s10, s7;
	[sflag:s3] =	ssyncadd.s32 $0xFFFE0000  }
0xf: {  	[tilespmem:s2], [sflag:$0x1] =	stream.linear.gather [hbm4b:s6+s2], $0x20000, $0x38;
	v63 =	vld [tilespmem:$0x0]  }
0x10: {  	_ =	swait.ge [sflag:s3], $0x20000  }
0x11: {  	[sflag:s3] =	ssyncset.done $0x0  }
0x12: {  	s7 =	sadd.s32 s11, s7;
	[sflag:s3] =	ssyncadd.s32 $0xFFFE0000  }
0x13: {  	[hbm4b:s7+s2] =	stream.linear.scatter [tilespmem:s2], [sflag:$0x1], $0x20000, $0x38;
	v63 =	vld [tilespmem:$0x0]  }
0x14: {  	_ =	swait.ge [sflag:s3], $0x20000  }
0x15: {  	s9 =	sor.u32 $0x8000, s13;
	[sflag:s3] =	ssyncset.done $0x0  }
0x16: {  	s8 =	sadd.s32 s10, s9;
	[sflag:s3] =	ssyncadd.s32 $0xFFFE0000  }
0x17: {  	[tilespmem:s2], [sflag:$0x1] =	stream.linear.gather [hbm4b:s8+s2], $0x20000, $0x38;
	v63 =	vld [tilespmem:$0x0]  }
0x18: {  	_ =	swait.ge [sflag:s3], $0x20000  }
0x19: {  	[sflag:s3] =	ssyncset.done $0x0  }
0x1a: {  	s12 =	ssub.s32 $0x2, s12;
	s9 =	sadd.s32 s11, s9;
	[sflag:s3] =	ssyncadd.s32 $0xFFFE0000  }
0x1b: {  	[hbm4b:s9+s2] =	stream.linear.scatter [tilespmem:s2], [sflag:$0x1], $0x20000, $0x38;
	v63 =	vld [tilespmem:$0x0]  }
0x1c: {  	s14 =	sshrl.u32 s12, $0x1;
	_ =	swait.ge [sflag:s3], $0x20000  }
0x1d: {  	s13 =	sor.u32 $0xC000, s13;
	s12 =	ssub.s32 s12, s14;
	[sflag:s3] =	ssyncset.done $0x0  }
0x1e: {  	s10 =	sadd.s32 s10, s13;
	s12 =	smax.u32 s12, $0x1;
	[sflag:s3] =	ssyncadd.s32 $0xFFFE0000  }
0x1f: {  	[tilespmem:s2], [sflag:$0x1] =	stream.linear.gather [hbm4b:s10+s2], $0x20000, $0x38;
	v63 =	vld [tilespmem:$0x0]  }
0x20: {  	p0 =	sne.s32 s12, $0x1;
	_ =	swait.ge [sflag:s3], $0x20000  }
.Ltmp0:
0x21: {  	[sflag:s3] =	ssyncset.done $0x0;
	(pc) =	sbr.rel @!p0 .LBB2_2-.Ltmp0, $4  }
0x22: {  	s11 =	sadd.s32 s11, s13;
	[sflag:s3] =	ssyncadd.s32 $0xFFFE0000  }
0x23: {  	[hbm4b:s11+s2] =	stream.linear.scatter [tilespmem:s2], [sflag:$0x1], $0x20000, $0x38;
	v63 =	vld [tilespmem:$0x0]  }
0x24: {  	_ =	swait.ge [sflag:s3], $0x20000  }
0x25: {  	s12 =	sadd.s32 $0xFFFFFFFF, s12;
	[sflag:s3] =	ssyncset.done $0x0  }
.LBB2_1:
0x26: {  	p0 =	sne.s32 s12, $0x1;
	s12 =	sadd.s32 $0xFFFFFFFF, s12;
	[sflag:s3] =	ssyncadd.s32 $0xFFFE0000  }
0x27: {  	[tilespmem:s2], [sflag:$0x1] =	stream.linear.gather [hbm4b:s4+s2], $0x20000, $0x38;
	v63 =	vld [tilespmem:$0x0]  }
0x28: {  	_ =	swait.ge [sflag:s3], $0x20000  }
0x29: {  	[sflag:s3] =	ssyncset.done $0x0  }
0x2a: {  	[sflag:s3] =	ssyncadd.s32 $0xFFFE0000  }
0x2b: {  	[hbm4b:s5+s2] =	stream.linear.scatter [tilespmem:s2], [sflag:$0x1], $0x20000, $0x38;
	v63 =	vld [tilespmem:$0x0]  }
0x2c: {  	_ =	swait.ge [sflag:s3], $0x20000  }
0x2d: {  	[sflag:s3] =	ssyncset.done $0x0  }
0x2e: {  	[sflag:s3] =	ssyncadd.s32 $0xFFFE0000  }
0x2f: {  	[tilespmem:s2], [sflag:$0x1] =	stream.linear.gather [hbm4b:s6+s2], $0x20000, $0x38;
	v63 =	vld [tilespmem:$0x0]  }
0x30: {  	_ =	swait.ge [sflag:s3], $0x20000  }
0x31: {  	[sflag:s3] =	ssyncset.done $0x0  }
0x32: {  	[sflag:s3] =	ssyncadd.s32 $0xFFFE0000  }
0x33: {  	[hbm4b:s7+s2] =	stream.linear.scatter [tilespmem:s2], [sflag:$0x1], $0x20000, $0x38;
	v63 =	vld [tilespmem:$0x0]  }
0x34: {  	_ =	swait.ge [sflag:s3], $0x20000  }
0x35: {  	[sflag:s3] =	ssyncset.done $0x0  }
0x36: {  	[sflag:s3] =	ssyncadd.s32 $0xFFFE0000  }
0x37: {  	[tilespmem:s2], [sflag:$0x1] =	stream.linear.gather [hbm4b:s8+s2], $0x20000, $0x38;
	v63 =	vld [tilespmem:$0x0]  }
0x38: {  	_ =	swait.ge [sflag:s3], $0x20000  }
0x39: {  	[sflag:s3] =	ssyncset.done $0x0  }
0x3a: {  	[sflag:s3] =	ssyncadd.s32 $0xFFFE0000  }
0x3b: {  	[hbm4b:s9+s2] =	stream.linear.scatter [tilespmem:s2], [sflag:$0x1], $0x20000, $0x38;
	v63 =	vld [tilespmem:$0x0]  }
0x3c: {  	_ =	swait.ge [sflag:s3], $0x20000  }
0x3d: {  	[sflag:s3] =	ssyncset.done $0x0  }
0x3e: {  	[sflag:s3] =	ssyncadd.s32 $0xFFFE0000  }
0x3f: {  	[tilespmem:s2], [sflag:$0x1] =	stream.linear.gather [hbm4b:s10+s2], $0x20000, $0x38;
	v63 =	vld [tilespmem:$0x0]  }
0x40: {  	_ =	swait.ge [sflag:s3], $0x20000  }
.Ltmp1:
0x41: {  	[sflag:s3] =	ssyncset.done $0x0;
	(pc) =	sbr.rel @p0 .LBB2_1-.Ltmp1, $4  }
0x42: {  	[sflag:s3] =	ssyncadd.s32 $0xFFFE0000  }
0x43: {  	[hbm4b:s11+s2] =	stream.linear.scatter [tilespmem:s2], [sflag:$0x1], $0x20000, $0x38;
	v63 =	vld [tilespmem:$0x0]  }
0x44: {  	_ =	swait.ge [sflag:s3], $0x20000  }
0x45: {  	[sflag:s3] =	ssyncset.done $0x0  }
.LBB2_2:
0x46: {  	[sflag:s3] =	ssyncadd.s32 $0xFFFE0000  }
0x47: {  	_ =	sfence.sel $0x180000  }
0x48: {  	[bflag:$0x0] =	sbarrier.arrive $0xFFFF  }
0x49: {  	p0 =	sne.s32 s1, $0x0;
	_ =	strace $0x9000004A  }
0x4a: {  	s0 =	sadd.s32 @!p0 $0x100000, s0;
	[bflag:$0x2] =	sbarrier.arrive $0xFFFF  }
0x4b: {  	[sflag:s0] =	ssyncadd.tile.s32 @!p0 $0x1;
	_ =	shalt  }
.Lfunc_end2:
_tile_overlayer_lowered:
.L_overlay_start_2:
0x4c: {  	(tag) =	ssettag $0x2  }
0x4d: {  	s0 =	rddreg [dreg:$0x0];
	s2 =	stileid.u32  }
0x4e: {  	s1 =	rddreg [dreg:$0x1];
	p0 =	sne.s32 s2, $0x0  }
0x4f: {  	s3 =	rddreg [dreg:$0x2];
	[bflag:$0x3] =	sbarrier.arrive $0xFFFF;
	s2 =	simm.s32 @!p0 $0x1C01  }
0x50: {  	[timem:s3], [sflag:s2] =	dma.local @!p0 [hbm:s0], s1  }
0x51: {  	s0 =	simm.s32 @!p0 $0x1  }
0x52: {  	_ =	swait.ge @!p0 [sflag:s0], s1  }
0x53: {  	s1 =	ssub.s32 @!p0 $0x0, s1;
	[sflag:s0] =	ssyncset.done @!p0 $0x0  }
0x54: {  	[sflag:s0] =	ssyncadd.s32 @!p0 s1  }
0x55: {  	[bflag:$0x3] =	sbarrier.arrive $0xFFFF  }
0x56: {  	_ =	shalt  }

// kernel: kernel.31.cloned.1.call-start
scs
__scs_entry_jumppad:
0x0: {  	(pc) =	sbr.rel $0x88, $3  }
0x1: {  	(tag) =	ssettag $0x0;
	lr =	simm.s32 $0x1  }
0x2: {  	[smem:$0x3F9A] =	sst lr;
	_ =	strace $0xD0000000  }
0x3: {  	_ = 	snop  }
0x4: {  	_ = 	snop  }
0x5: {  	_ = 	snop  }
0x6: {  	_ = 	snop  }
0x7: {  	_ = 	snop  }
__scs_overlays_trampoline_lowered:
0x8: {  	[smem:$0x3FA9] =	sst s0  }
0x9: {  	[smem:$0x3FAA] =	sst s1  }
0xa: {  	[smem:$0x3FAB] =	sst s2  }
0xb: {  	[smem:$0x3FAC] =	sst s3  }
0xc: {  	[smem:$0x3FAD] =	sst s4  }
0xd: {  	[smem:$0x3FAE] =	sst s5  }
0xe: {  	[smem:$0x3FAF] =	sst s6  }
0xf: {  	[smem:$0x3FB0] =	sst s7  }
0x10: {  	[smem:$0x3FB1] =	sst s8  }
0x11: {  	[smem:$0x3FB2] =	sst s9;
	s0 =	simm.s32 @!p0 $0x0  }
0x12: {  	s1 =	sld [smem:$0x3F98];
	s0 =	simm.s32 @p0 $0x1  }
0x13: {  	[smem:$0x3FB3] =	sst s0;
	s0 =	simm.s32 @!p1 $0x0  }
0x14: {  	s2 =	sld [smem:$0x3F97];
	s0 =	simm.s32 @p1 $0x1  }
0x15: {  	[smem:$0x3FB4] =	sst s0;
	s0 =	simm.s32 @!p2 $0x0  }
0x16: {  	s3 =	sld [smem:$0x3FDB];
	s0 =	simm.s32 @p2 $0x1  }
0x17: {  	s4 =	simm.s32 $0x1BF5;
	[smem:$0x3FB6] =	sst s0  }
0x18: {  	s0 =	sld [smem:$0x3F99];
	_ =	swait.ge [sflag:s4], $0x0  }
0x19: {  	s7 =	sld [smem:$0x3F9A]  }
0x1a: {  	s8 =	sadd.s32 $0xFFFFE003, lr  }
0x1b: {  	s9 =	sadd.s32 $0xFFFFFEF7, lr;
	s5 =	simm.s32 $0xFFFFFFFF;
	p2 =	slt.u32 s8, $0xFFFFF086  }
0x1c: {  	p1 =	slt.u32 s9, $0xF7A;
	s5 =	simm.s32 @!p2 $0x0  }
0x1d: {  	s5 =	simm.s32 @p1 $0x1;
	p0 =	seq.s32 s7, s2  }
0x1e: {  	s7 =	smul.u32 @!p0 $0xF7A, s2;
	p2 =	seq.s32 @!p0 s5, $0x0  }
0x1f: {  	s9 =	smul.u32 $0xF7A, s1;
	s8 =	simm.s32 @!p0 $0x1BF5;
	p2 =	por !p2, p0  }
0x20: {  	[sflag:s8] =	ssyncset.s32 @!p0 $0xFFFFF086;
	s6 =	sadd.s32 @!p0 s3, s7;
	s7 =	simm.s32 @!p0 $0x108  }
0x21: {  	s3 =	sadd.s32 s3, s9;
	s6 =	sadd.s32 @!p0 $0x88, s6;
	s7 =	simm.s32 @p2 $0x1082  }
0x22: {  	[simem:s7], [sflag:s8] =	dma.local @!p0 [hbm:s6], $0xF7A  }
0x23: {  	s9 =	sor.u32 $0xD0000000, s2;
	s6 =	simm.s32 $0x108;
	_ =	swait.ge @!p0 [sflag:s8], $0x0  }
0x24: {  	s3 =	sadd.s32 $0x88, s3;
	s6 =	simm.s32 @!p1 $0x1082;
	[sflag:s4] =	ssyncset.s32 $0xFFFFF086  }
0x25: {  	[simem:s6], [sflag:s4] =	dma.local [hbm:s3], $0xF7A  }
0x26: {  	[smem:$0x3F9A] =	sst s1;
	(tag) =	ssettag s2;
	_ =	strace s9  }
0x27: {  	s1 =	sld [smem:$0x3FAA]  }
0x28: {  	s2 =	sld [smem:$0x3FAB]  }
0x29: {  	s4 =	sld [smem:$0x3FAD]  }
0x2a: {  	p0 =	seq.s32 s5, $0x0;
	s5 =	sld [smem:$0x3FAE]  }
0x2b: {  	s6 =	sld [smem:$0x3FAF]  }
0x2c: {  	s7 =	sld [smem:$0x3FB0]  }
0x2d: {  	s3 =	simm.s32 $0x108;
	s8 =	sld [smem:$0x3FB1]  }
0x2e: {  	s3 =	simm.s32 @!p0 $0x1082;
	s9 =	sld [smem:$0x3FB2]  }
0x2f: {  	lr =	sadd.s32 s0, s3;
	s0 =	sld [smem:$0x3FA9]  }
0x30: {  	s3 =	sld [smem:$0x3FAC]  }
0x31: {  	[smem:$0x3FB5] =	sst s10  }
0x32: {  	s10 =	sld [smem:$0x3FB3];
	_ =	sdelay $0x3  }
0x33: {  	p0 =	seq.s32 s10, $0x1;
	s10 =	sld [smem:$0x3FB5];
	_ =	sdelay $0x3  }
0x34: {  	[smem:$0x3FB5] =	sst s10  }
0x35: {  	s10 =	sld [smem:$0x3FB4];
	_ =	sdelay $0x3  }
0x36: {  	p1 =	seq.s32 s10, $0x1;
	s10 =	sld [smem:$0x3FB5];
	_ =	sdelay $0x3  }
0x37: {  	[smem:$0x3FB5] =	sst s10  }
0x38: {  	s10 =	sld [smem:$0x3FB6]  }
0x39: {  	_ = 	snop;
	(pc) =	sbr.ind lr, $3  }
0x3a: {  	_ = 	snop  }
0x3b: {  	_ = 	snop  }
0x3c: {  	p2 =	seq.s32 s10, $0x1;
	s10 =	sld [smem:$0x3FB5]  }
0x3d: {  	_ =	shalt  }
0x3e: {  	_ =	shalt  }
0x3f: {  	_ =	shalt  }
0x40: {  	_ =	shalt  }
0x41: {  	_ =	shalt  }
0x42: {  	_ =	shalt  }
0x43: {  	_ =	shalt  }
0x44: {  	_ =	shalt  }
0x45: {  	_ =	shalt  }
0x46: {  	_ =	shalt  }
0x47: {  	_ =	shalt  }
0x48: {  	_ =	shalt  }
0x49: {  	_ =	shalt  }
0x4a: {  	_ =	shalt  }
0x4b: {  	_ =	shalt  }
0x4c: {  	_ =	shalt  }
0x4d: {  	_ =	shalt  }
0x4e: {  	_ =	shalt  }
0x4f: {  	_ =	shalt  }
0x50: {  	_ =	shalt  }
0x51: {  	_ =	shalt  }
0x52: {  	_ =	shalt  }
0x53: {  	_ =	shalt  }
0x54: {  	_ =	shalt  }
0x55: {  	_ =	shalt  }
0x56: {  	_ =	shalt  }
0x57: {  	_ =	shalt  }
0x58: {  	_ =	shalt  }
0x59: {  	_ =	shalt  }
0x5a: {  	_ =	shalt  }
0x5b: {  	_ =	shalt  }
0x5c: {  	_ =	shalt  }
0x5d: {  	_ =	shalt  }
0x5e: {  	_ =	shalt  }
0x5f: {  	_ =	shalt  }
0x60: {  	_ =	shalt  }
0x61: {  	_ =	shalt  }
0x62: {  	_ =	shalt  }
0x63: {  	_ =	shalt  }
0x64: {  	_ =	shalt  }
0x65: {  	_ =	shalt  }
0x66: {  	_ =	shalt  }
0x67: {  	_ =	shalt  }
0x68: {  	_ =	shalt  }
0x69: {  	_ =	shalt  }
0x6a: {  	_ =	shalt  }
0x6b: {  	_ =	shalt  }
0x6c: {  	_ =	shalt  }
0x6d: {  	_ =	shalt  }
0x6e: {  	_ =	shalt  }
0x6f: {  	_ =	shalt  }
0x70: {  	_ =	shalt  }
0x71: {  	_ =	shalt  }
0x72: {  	_ =	shalt  }
0x73: {  	_ =	shalt  }
0x74: {  	_ =	shalt  }
0x75: {  	_ =	shalt  }
0x76: {  	_ =	shalt  }
0x77: {  	_ =	shalt  }
0x78: {  	_ =	shalt  }
0x79: {  	_ =	shalt  }
0x7a: {  	_ =	shalt  }
0x7b: {  	_ =	shalt  }
0x7c: {  	_ =	shalt  }
0x7d: {  	_ =	shalt  }
0x7e: {  	_ =	shalt  }
0x7f: {  	_ =	shalt  }
0x80: {  	_ =	shalt  }
0x81: {  	_ =	shalt  }
0x82: {  	_ =	shalt  }
0x83: {  	_ =	shalt  }
0x84: {  	_ =	shalt  }
0x85: {  	_ =	shalt  }
0x86: {  	_ =	shalt  }
0x87: {  	_ =	shalt  }
.Lfunc_end0:
.L_simem_size_0:
called_computation.5_lowered:
.L_overlay_start_0:
0x88: {  	s2 =	sld [smem:$0x3FD9]  }
0x89: {  	s3 =	sld [smem:$0x3FFE];
	_ =	sdelay $0x1  }
0x8a: {  	s1 =	srdreg.scid  }
0x8b: {  	s0 =	sand.u32 $0x1, s1  }
0x8c: {  	s17 =	sshll.u32 s0, $0xA;
	s2 =	sadd.s32 s3, s2  }
0x8d: {  	s2 =	sadd.s32 s2, s17  }
0x8e: {  	[smem:$0x3FC1] =	sst s2  }
0x8f: {  	_ = 	snop  }
0x90: {  	s18 =	sld [smem:$0x3FD0];
	(tm) =	ssettm $0x1  }
0x91: {  	s19 =	sld [smem:$0x3FFB];
	_ =	sdelay $0x3  }
0x92: {  	_ =	strace s19  }
0x93: {  	s2 =	sld [smem:$0x3FFC];
	_ =	sdelay $0x3  }
0x94: {  	_ =	strace s2  }
0x95: {  	s2 =	sld [smem:$0x3FFD];
	_ =	sdelay $0x3  }
0x96: {  	_ =	strace s2  }
0x97: {  	_ =	strace $0x8FFFFFFF  }
0x98: {  	s20 =	sld [smem:$0x3FDB];
	_ =	sdelay $0x1  }
0x99: {  	s4 =	simm.s32 $_scs_section_size  }
0x9a: {  	s5 =	simm.s32 $_size__tile_overlayer_lowered;
	s6 =	simm.s32 $_tile_overlayer_lowered  }
0x9b: {  	s7 =	simm.s32 $0x1BFF;
	s21 =	sshll.u32 s6, $0x1;
	s4 =	sadd.s32 s4, s20  }
0x9c: {  	s22 =	simm.s32 $0x0;
	s5 =	sshll.u32 s5, $0x1;
	s6 =	sadd.s32 s21, s4  }
0x9d: {  	[timem:s22], [sflag:s7] =	dma.local [hbm:s6], s5  }
0x9e: {  	_ =	swait.ge [sflag:s7], s5  }
0x9f: {  	s5 =	ssub.s32 $0x0, s5;
	[sflag:s7] =	ssyncset.done $0x0  }
0xa0: {  	[sflag:s7] =	ssyncadd.s32 s5;
	_ =	sdelay $0x1  }
0xa1: {  	s23 =	simm.s32 $0x1B8B  }
0xa2: {  	_ =	swait.ge [sflag:s23], $0x1  }
0xa3: {  	[sflag:s23] =	ssyncset.done $0x0  }
0xa4: {  	[sflag:s23] =	ssyncadd.s32 $0xFFFFFFFF  }
0xa5: {  	s5 =	sld [smem:$0x0]  }
0xa6: {  	s6 =	sand.u32 $0xFFFFFFFE, s1  }
0xa7: {  	p0 =	sne.s32 s1, s6  }
0xa8: {  	s6 =	sshll.u32 @p0 s6, $0xE  }
0xa9: {  	s6 =	sadd.s32 @p0 $0x11B8D, s6;
	s7 =	sshll.u32 @p0 s5, $0x11  }
0xaa: {  	s6 =	sor.u32 @p0 s7, s6  }
0xab: {  	[sflag:s6] =	ssyncadd.remote.s32 @p0 $0x1;
	_ =	sdelay $0x1  }
0xac: {  	s6 =	simm.s32 @p0 $0x1B8D  }
0xad: {  	_ =	swait.eq @p0 [sflag:s6], $0x1  }
0xae: {  	[sflag:s6] =	ssyncadd.s32 @p0 $0xFFFFFFFF  }
0xaf: {  	s7 =	sshll.u32 @!p0 s1, $0xE  }
0xb0: {  	s7 =	sor.u32 @!p0 $0x4000, s7;
	s6 =	simm.s32 @!p0 $0x1B8D  }
0xb1: {  	s5 =	sshll.u32 @!p0 s5, $0x11;
	s7 =	sadd.s32 @!p0 $0x11B8D, s7;
	_ =	swait.eq @!p0 [sflag:s6], $0x1  }
0xb2: {  	s5 =	sor.u32 @!p0 s5, s7;
	[sflag:s6] =	ssyncadd.s32 @!p0 $0xFFFFFFFF  }
0xb3: {  	s25 =	simm.s32 $0x1B8E;
	s24 =	sld [smem:$0x3FFE];
	[sflag:s5] =	ssyncadd.remote.s32 @!p0 $0x1  }
0xb4: {  	s26 =	simm.s32 $execute0_lowered;
	[smem:$0x3FD2] =	sst s25  }
0xb5: {  	s6 =	sshll.u32 s26, $0x1;
	_ =	strace $0x8000004F;
	[dreg:$0x1] =	wrdreg $0xFFFFFFFF  }
0xb6: {  	s28 =	simm.s32 $_size_execute0_lowered;
	s4 =	sadd.s32 s4, s6;
	[dreg:$0x0] =	wrdreg $0x0  }
0xb7: {  	s6 =	sshll.u32 s28, $0x1;
	[dreg:$0x2] =	wrdreg s4  }
0xb8: {  	[dreg:$0x3] =	wrdreg s6  }
0xb9: {  	[dreg:$0x4] =	wrdreg $0xC0  }
0xba: {  	_ =	task [dreg:s22], $0x5FFFF  }
0xbb: {  	[dreg:$0x1] =	wrdreg $0xFFFFFFFF  }
0xbc: {  	[dreg:$0x0] =	wrdreg $0x60  }
0xbd: {  	[dreg:$0x2] =	wrdreg s18  }
0xbe: {  	[dreg:$0x3] =	wrdreg s24  }
0xbf: {  	[dreg:$0x4] =	wrdreg $0xB  }
0xc0: {  	_ =	task.clear_ibuf [dreg:s22], $0x5FFFF;
	_ =	strace $0x9000004F  }
0xc1: {  	s29 =	simm.s32 $0xB;
	_ =	strace $0x80000051  }
0xc2: {  	_ =	swait.ge [sflag:s29], $0x1  }
0xc3: {  	[sflag:s29] =	ssyncadd.s32 $0xFFFFFFFF  }
0xc4: {  	_ =	strace $0x90000051  }
0xc5: {  	_ =	sfence  }
0xc6: {  	s30 =	sld [smem:$0x0];
	_ =	sdelay $0x2  }
0xc7: {  	s31 =	sshll.u32 s1, $0xD;
	s1 =	sshrl.u32 s1, $0x2  }
0xc8: {  	s4 =	sand.u32 $0x4000, s31;
	s1 =	sadd.s32 s1, s30  }
0xc9: {  	s0 =	sor.u32 s4, s0;
	s1 =	sshll.u32 s1, $0x11  }
0xca: {  	s0 =	sor.u32 s1, s0  }
0xcb: {  	s0 =	sadd.s32 $0x8F2B, s0  }
0xcc: {  	[sflag:s0] =	ssyncadd.remote.s32 $0x1  }
0xcd: {  	_ =	sfence.sel $0xFFFF  }
0xce: {  	[dreg:$0x0] =	wrdreg $0xFFFFFFFF;
	(pc) =	sbr.abs _section_cstart, $3  }
0xcf: {  	[dreg:$0x1] =	wrdreg $0xFFFFFFFF  }
0xd0: {  	_ =	task.clear_ibuf [dreg:s22], $0x2FFFF;
	_ =	strace $0x9FFFFFFF  }
0xd1: {  	(tm) =	ssettm $0x7FFFFFFF  }
tec
execute0_lowered:
.L_overlay_start_1:
0x0: {  	(tag) =	ssettag $0x1  }
0x1: {  	s1 =	srdreg.scid  }
0x2: {  	s0 =	stileid.u32;
	s2 =	rddreg [dreg:$0x0]  }
0x3: {  	s5 =	rddreg [dreg:$0x1];
	s18 =	simm.s32 $0x880;
	s19 =	simm.s32 $0x1080  }
0x4: {  	s20 =	simm.s32 $0x1880;
	s22 =	simm.s32 $0x2080;
	s23 =	simm.s32 $0x2880  }
0x5: {  	s24 =	simm.s32 $0x3080;
	s7 =	simm.s32 $0x3880;
	s8 =	simm.s32 $0x4080  }
0x6: {  	s25 =	simm.s32 $0x4880;
	s26 =	simm.s32 $0x5080;
	s1 =	sand.u32 $0x1, s1  }
0x7: {  	s9 =	simm.s32 $0x80;
	s3 =	sshll.u32 s0, $0x7;
	s4 =	sshll.u32 s1, $0x6  }
0x8: {  	s11 =	simm.s32 $0x6080;
	s4 =	sor.u32 s4, s3;
	s3 =	simm.s32 $0x0  }
0x9: {  	s12 =	simm.s32 $0x6880;
	s13 =	simm.s32 $0x7080;
	[smem:$0x7FF] =	sst s3  }
0xa: {  	s14 =	simm.s32 $0x7880;
	_ =	strace $0x80000050;
	[dreg:$0x5] =	wrdreg s18  }
0xb: {  	s15 =	simm.s32 $0x8080;
	s16 =	simm.s32 $0x8880;
	[dreg:$0x6] =	wrdreg s19  }
0xc: {  	s28 =	simm.s32 $0xE080;
	s29 =	simm.s32 $0xE880;
	[dreg:$0x7] =	wrdreg s20  }
0xd: {  	s30 =	simm.s32 $0xF080;
	s1 =	ssub.s32 $0x2, s1;
	[dreg:$0x8] =	wrdreg s22  }
0xe: {  	s31 =	simm.s32 $0xF880;
	s21 =	sshrl.u32 s1, $0x1;
	[dreg:$0x9] =	wrdreg s23  }
0xf: {  	s6 =	sshrl.u32 s4, $0x3;
	s4 =	sshll.u32 s4, $0x7;
	[dreg:$0xa] =	wrdreg s24  }
0x10: {  	s1 =	ssub.s32 s1, s21;
	s21 =	simm.s32 $0xB080;
	[dreg:$0xb] =	wrdreg s7  }
0x11: {  	s6 =	sadd.s32 s6, s5;
	s4 =	sadd.s32 s4, s5;
	[dreg:$0xc] =	wrdreg s8  }
0x12: {  	s5 =	sadd.s32 $0x200, s2;
	s7 =	smax.u32 s1, $0x1;
	[dreg:$0xd] =	wrdreg s25  }
0x13: {  	s8 =	simm.s32 $0x2;
	[dreg:$0xe] =	wrdreg s26;
	s18 =	simm.s32 $0x9880  }
0x14: {  	s19 =	simm.s32 $0xA080;
	s20 =	simm.s32 $0xA880;
	s22 =	simm.s32 $0xB880  }
0x15: {  	s23 =	simm.s32 $0xC080;
	s24 =	simm.s32 $0xC880;
	s25 =	simm.s32 $0xD080  }
0x16: {  	v2 =	vlaneseq.u32;
	s26 =	simm.s32 $0xD880;
	s1 =	simm.s32 $0x1;
	s17 =	sadd.s32 $0x84200, s6  }
0x17: {  	vm0 =	vmmov $0xffff;
	v1 =	vshrl.u32 v2, $0x3;
	s4 =	sadd.s32 $0x104400, s4;
	s6 =	sadd.s32 $0x300, s2;
	[dreg:$0x3] =	wrdreg s17  }
0x18: {  	v0 =	vand.u32 $0x7, v2;
	v2 =	vor.u32 $0x8, v2;
	v1 =	vmul.u32 $0x8, v1;
	[dreg:$0x4] =	wrdreg s4;
	s4 =	sadd.s32 $0x100, s2;
	s17 =	simm.s32 $0x9080  }
.LBB2_1:
0x19: {  	s0 =	rddreg [dreg:$0x3]  }
0x1a: {  	[tilespmem:s3], [sflag:$0x2] =	stream.linear.gather [hbm4b:s0+s3], $0x40, $0x38;
	[tilespmem:$0x10080] =	vst v63  }
0x1b: {  	_ =	swait.ge [sflag:s8], $0x40  }
0x1c: {  	[sflag:s8] =	ssyncset.done $0x0  }
0x1d: {  	s10 =	rddreg [dreg:$0x4];
	[sflag:s8] =	ssyncadd.s32 $0xFFFFFFC0  }
0x1e: {  	[tilespmem:s9], [sflag:$0x2] =	stream.linear.gather [hbm4b:s10+s3], $0x10000, $0x38;
	[tilespmem:$0x10080] =	vst v63  }
0x1f: {  	_ =	swait.ge [sflag:s8], $0x10000  }
0x20: {  	[sflag:s8] =	ssyncset.done $0x0  }
0x21: {  	[sflag:s8] =	ssyncadd.s32 $0xFFFF0000  }
0x22: {  	v3 =	vld [tilespmem:$0x0];
	_ =	sdelay $0x4  }
0x23: {  	v4 =	vshll.u32 v3, $0x3  }
0x24: {  	v3 =	vand.u32 $0x7, v3;
	v4 =	vand.u32 $0xFFFFFFC0, v4  }
0x25: {  	v3 =	vor.u32 v3, v4  }
0x26: {  	v4 =	vperm.xlane v3, v0;
	_ =	sdelay $0x1  }
0x27: {  	v4 =	vadd.s32 v1, v4;
	_ =	sdelay $0x4  }
0x28: {  	[hbm4b:s2+s3] =	stream.indirect_vreg.scatter [tilespmem:s9], [sflag:$0x1], $0x80, v4, vm0, $0xb8;
	[tilespmem:$0x10080] =	vst v63  }
0x29: {  	s0 =	rddreg [dreg:$0x5];
	v3 =	vperm.xlane v3, v2  }
0x2a: {  	[hbm4b:s4+s3] =	stream.indirect_vreg.scatter [tilespmem:s0], [sflag:$0x1], $0x80, v4, vm0, $0xb8;
	[tilespmem:$0x10080] =	vst v63  }
0x2b: {  	s10 =	rddreg [dreg:$0x6];
	v3 =	vadd.s32 v1, v3  }
0x2c: {  	[hbm4b:s5+s3] =	stream.indirect_vreg.scatter [tilespmem:s10], [sflag:$0x1], $0x80, v4, vm0, $0xb8;
	[tilespmem:$0x10080] =	vst v63  }
0x2d: {  	s0 =	rddreg [dreg:$0x7]  }
0x2e: {  	[hbm4b:s6+s3] =	stream.indirect_vreg.scatter [tilespmem:s0], [sflag:$0x1], $0x80, v4, vm0, $0xb8;
	[tilespmem:$0x10080] =	vst v63  }
0x2f: {  	s10 =	rddreg [dreg:$0x8]  }
0x30: {  	[hbm4b:s2+s3] =	stream.indirect_vreg.scatter [tilespmem:s10], [sflag:$0x1], $0x80, v3, vm0, $0xb8;
	[tilespmem:$0x10080] =	vst v63  }
0x31: {  	s0 =	rddreg [dreg:$0x9]  }
0x32: {  	[hbm4b:s4+s3] =	stream.indirect_vreg.scatter [tilespmem:s0], [sflag:$0x1], $0x80, v3, vm0, $0xb8;
	[tilespmem:$0x10080] =	vst v63  }
0x33: {  	s10 =	rddreg [dreg:$0xa]  }
0x34: {  	[hbm4b:s5+s3] =	stream.indirect_vreg.scatter [tilespmem:s10], [sflag:$0x1], $0x80, v3, vm0, $0xb8;
	[tilespmem:$0x10080] =	vst v63  }
0x35: {  	s0 =	rddreg [dreg:$0xb]  }
0x36: {  	[hbm4b:s6+s3] =	stream.indirect_vreg.scatter [tilespmem:s0], [sflag:$0x1], $0x80, v3, vm0, $0xb8;
	[tilespmem:$0x10080] =	vst v63  }
0x37: {  	v3 =	vld [tilespmem:$0x10];
	_ =	sdelay $0x4  }
0x38: {  	v61 =	vshll.u32 v3, $0x3  }
0x39: {  	v3 =	vand.u32 $0x7, v3;
	v4 =	vand.u32 $0xFFFFFFC0, v61  }
0x3a: {  	v3 =	vor.u32 v3, v4  }
0x3b: {  	v4 =	vperm.xlane v3, v0;
	_ =	sdelay $0x1  }
0x3c: {  	v4 =	vadd.s32 v1, v4;
	_ =	sdelay $0x3  }
0x3d: {  	s0 =	rddreg [dreg:$0xc]  }
0x3e: {  	[hbm4b:s2+s3] =	stream.indirect_vreg.scatter [tilespmem:s0], [sflag:$0x1], $0x80, v4, vm0, $0xb8;
	[tilespmem:$0x10080] =	vst v63  }
0x3f: {  	s10 =	rddreg [dreg:$0xd];
	v3 =	vperm.xlane v3, v2  }
0x40: {  	[hbm4b:s4+s3] =	stream.indirect_vreg.scatter [tilespmem:s10], [sflag:$0x1], $0x80, v4, vm0, $0xb8;
	[tilespmem:$0x10080] =	vst v63  }
0x41: {  	v3 =	vadd.s32 v1, v3;
	s0 =	rddreg [dreg:$0xe]  }
0x42: {  	[hbm4b:s5+s3] =	stream.indirect_vreg.scatter [tilespmem:s0], [sflag:$0x1], $0x80, v4, vm0, $0xb8;
	[tilespmem:$0x10080] =	vst v63  }
0x43: {  	s10 =	simm.s32 $0x5880  }
0x44: {  	[hbm4b:s6+s3] =	stream.indirect_vreg.scatter [tilespmem:s10], [sflag:$0x1], $0x80, v4, vm0, $0xb8;
	[tilespmem:$0x10080] =	vst v63  }
0x45: {  	_ = 	snop  }
0x46: {  	[hbm4b:s2+s3] =	stream.indirect_vreg.scatter [tilespmem:s11], [sflag:$0x1], $0x80, v3, vm0, $0xb8;
	[tilespmem:$0x10080] =	vst v63  }
0x47: {  	_ = 	snop  }
0x48: {  	[hbm4b:s4+s3] =	stream.indirect_vreg.scatter [tilespmem:s12], [sflag:$0x1], $0x80, v3, vm0, $0xb8;
	[tilespmem:$0x10080] =	vst v63  }
0x49: {  	_ = 	snop  }
0x4a: {  	[hbm4b:s5+s3] =	stream.indirect_vreg.scatter [tilespmem:s13], [sflag:$0x1], $0x80, v3, vm0, $0xb8;
	[tilespmem:$0x10080] =	vst v63  }
0x4b: {  	_ = 	snop  }
0x4c: {  	[hbm4b:s6+s3] =	stream.indirect_vreg.scatter [tilespmem:s14], [sflag:$0x1], $0x80, v3, vm0, $0xb8;
	[tilespmem:$0x10080] =	vst v63  }
0x4d: {  	v3 =	vld [tilespmem:$0x20];
	_ =	sdelay $0x4  }
0x4e: {  	v62 =	vshll.u32 v3, $0x3  }
0x4f: {  	v3 =	vand.u32 $0x7, v3;
	v4 =	vand.u32 $0xFFFFFFC0, v62  }
0x50: {  	v3 =	vor.u32 v3, v4  }
0x51: {  	v4 =	vperm.xlane v3, v0;
	_ =	sdelay $0x1  }
0x52: {  	v4 =	vadd.s32 v1, v4;
	_ =	sdelay $0x4  }
0x53: {  	[hbm4b:s2+s3] =	stream.indirect_vreg.scatter [tilespmem:s15], [sflag:$0x1], $0x80, v4, vm0, $0xb8;
	[tilespmem:$0x10080] =	vst v63  }
0x54: {  	v3 =	vperm.xlane v3, v2  }
0x55: {  	[hbm4b:s4+s3] =	stream.indirect_vreg.scatter [tilespmem:s16], [sflag:$0x1], $0x80, v4, vm0, $0xb8;
	[tilespmem:$0x10080] =	vst v63  }
0x56: {  	v3 =	vadd.s32 v1, v3  }
0x57: {  	[hbm4b:s5+s3] =	stream.indirect_vreg.scatter [tilespmem:s17], [sflag:$0x1], $0x80, v4, vm0, $0xb8;
	[tilespmem:$0x10080] =	vst v63  }
0x58: {  	_ = 	snop  }
0x59: {  	[hbm4b:s6+s3] =	stream.indirect_vreg.scatter [tilespmem:s18], [sflag:$0x1], $0x80, v4, vm0, $0xb8;
	[tilespmem:$0x10080] =	vst v63  }
0x5a: {  	_ = 	snop  }
0x5b: {  	[hbm4b:s2+s3] =	stream.indirect_vreg.scatter [tilespmem:s19], [sflag:$0x1], $0x80, v3, vm0, $0xb8;
	[tilespmem:$0x10080] =	vst v63  }
0x5c: {  	_ = 	snop  }
0x5d: {  	[hbm4b:s4+s3] =	stream.indirect_vreg.scatter [tilespmem:s20], [sflag:$0x1], $0x80, v3, vm0, $0xb8;
	[tilespmem:$0x10080] =	vst v63  }
0x5e: {  	_ = 	snop  }
0x5f: {  	[hbm4b:s5+s3] =	stream.indirect_vreg.scatter [tilespmem:s21], [sflag:$0x1], $0x80, v3, vm0, $0xb8;
	[tilespmem:$0x10080] =	vst v63  }
0x60: {  	_ = 	snop  }
0x61: {  	[hbm4b:s6+s3] =	stream.indirect_vreg.scatter [tilespmem:s22], [sflag:$0x1], $0x80, v3, vm0, $0xb8;
	[tilespmem:$0x10080] =	vst v63  }
0x62: {  	v3 =	vld [tilespmem:$0x30];
	_ =	sdelay $0x4  }
0x63: {  	v63 =	vshll.u32 v3, $0x3  }
0x64: {  	v3 =	vand.u32 $0x7, v3;
	v4 =	vand.u32 $0xFFFFFFC0, v63  }
0x65: {  	v3 =	vor.u32 v3, v4  }
0x66: {  	v4 =	vperm.xlane v3, v0;
	_ =	sdelay $0x1  }
0x67: {  	v4 =	vadd.s32 v1, v4;
	_ =	sdelay $0x4  }
0x68: {  	[hbm4b:s2+s3] =	stream.indirect_vreg.scatter [tilespmem:s23], [sflag:$0x1], $0x80, v4, vm0, $0xb8;
	[tilespmem:$0x10080] =	vst v63  }
0x69: {  	v3 =	vperm.xlane v3, v2  }
0x6a: {  	[hbm4b:s4+s3] =	stream.indirect_vreg.scatter [tilespmem:s24], [sflag:$0x1], $0x80, v4, vm0, $0xb8;
	[tilespmem:$0x10080] =	vst v63  }
0x6b: {  	v3 =	vadd.s32 v1, v3  }
0x6c: {  	[hbm4b:s5+s3] =	stream.indirect_vreg.scatter [tilespmem:s25], [sflag:$0x1], $0x80, v4, vm0, $0xb8;
	[tilespmem:$0x10080] =	vst v63  }
0x6d: {  	_ = 	snop  }
0x6e: {  	[hbm4b:s6+s3] =	stream.indirect_vreg.scatter [tilespmem:s26], [sflag:$0x1], $0x80, v4, vm0, $0xb8;
	[tilespmem:$0x10080] =	vst v63  }
0x6f: {  	_ = 	snop  }
0x70: {  	[hbm4b:s2+s3] =	stream.indirect_vreg.scatter [tilespmem:s28], [sflag:$0x1], $0x80, v3, vm0, $0xb8;
	[tilespmem:$0x10080] =	vst v63  }
0x71: {  	_ = 	snop  }
0x72: {  	[hbm4b:s4+s3] =	stream.indirect_vreg.scatter [tilespmem:s29], [sflag:$0x1], $0x80, v3, vm0, $0xb8;
	[tilespmem:$0x10080] =	vst v63  }
0x73: {  	p0 =	sne.s32 s7, $0x1  }
0x74: {  	[hbm4b:s5+s3] =	stream.indirect_vreg.scatter [tilespmem:s30], [sflag:$0x1], $0x80, v3, vm0, $0xb8;
	[tilespmem:$0x10080] =	vst v63  }
.Ltmp0:
0x75: {  	_ = 	snop;
	(pc) =	sbr.rel @p0 .LBB2_1-.Ltmp0, $4  }
0x76: {  	[hbm4b:s6+s3] =	stream.indirect_vreg.scatter [tilespmem:s31], [sflag:$0x1], $0x80, v3, vm0, $0xb8;
	[tilespmem:$0x10080] =	vst v63  }
0x77: {  	_ =	swait.ge [sflag:s1], $0x10000  }
0x78: {  	[sflag:s1] =	ssyncset.done $0x0  }
0x79: {  	s7 =	sadd.s32 $0xFFFFFFFF, s7;
	[sflag:s1] =	ssyncadd.s32 $0xFFFF0000  }
0x7a: {  	_ =	sfence.sel $0x180000  }
0x7b: {  	[bflag:$0x0] =	sbarrier.arrive $0xFFFF  }
0x7c: {  	_ =	strace $0x90000050  }
0x7d: {  	s0 =	stileid.u32;
	[bflag:$0x2] =	sbarrier.arrive $0xFFFF  }
0x7e: {  	p0 =	sne.s32 s0, $0x0;
	s0 =	rddreg [dreg:$0x2]  }
0x7f: {  	s0 =	sadd.s32 @!p0 $0x100000, s0  }
0x80: {  	[sflag:s0] =	ssyncadd.tile.s32 @!p0 $0x1;
	_ =	shalt  }
.Lfunc_end2:
_tile_overlayer_lowered:
.L_overlay_start_2:
0x81: {  	(tag) =	ssettag $0x2  }
0x82: {  	s0 =	rddreg [dreg:$0x0];
	s2 =	stileid.u32  }
0x83: {  	s1 =	rddreg [dreg:$0x1];
	p0 =	sne.s32 s2, $0x0  }
0x84: {  	s3 =	rddreg [dreg:$0x2];
	[bflag:$0x3] =	sbarrier.arrive $0xFFFF;
	s2 =	simm.s32 @!p0 $0x1C02  }
0x85: {  	[timem:s3], [sflag:s2] =	dma.local @!p0 [hbm:s0], s1  }
0x86: {  	s0 =	simm.s32 @!p0 $0x2  }
0x87: {  	_ =	swait.ge @!p0 [sflag:s0], s1  }
0x88: {  	s1 =	ssub.s32 @!p0 $0x0, s1;
	[sflag:s0] =	ssyncset.done @!p0 $0x0  }
0x89: {  	[sflag:s0] =	ssyncadd.s32 @!p0 s1  }
0x8a: {  	[bflag:$0x3] =	sbarrier.arrive $0xFFFF  }
0x8b: {  	_ =	shalt  }

// kernel: kernel.34.cloned.1.call-start
scs
__scs_entry_jumppad:
0x0: {  	(pc) =	sbr.rel $0x88, $3  }
0x1: {  	(tag) =	ssettag $0x0;
	lr =	simm.s32 $0x1  }
0x2: {  	[smem:$0x3F9A] =	sst lr;
	_ =	strace $0xD0000000  }
0x3: {  	_ = 	snop  }
0x4: {  	_ = 	snop  }
0x5: {  	_ = 	snop  }
0x6: {  	_ = 	snop  }
0x7: {  	_ = 	snop  }
__scs_overlays_trampoline_lowered:
0x8: {  	[smem:$0x3FA9] =	sst s0  }
0x9: {  	[smem:$0x3FAA] =	sst s1  }
0xa: {  	[smem:$0x3FAB] =	sst s2  }
0xb: {  	[smem:$0x3FAC] =	sst s3  }
0xc: {  	[smem:$0x3FAD] =	sst s4  }
0xd: {  	[smem:$0x3FAE] =	sst s5  }
0xe: {  	[smem:$0x3FAF] =	sst s6  }
0xf: {  	[smem:$0x3FB0] =	sst s7  }
0x10: {  	[smem:$0x3FB1] =	sst s8  }
0x11: {  	[smem:$0x3FB2] =	sst s9;
	s0 =	simm.s32 @!p0 $0x0  }
0x12: {  	s1 =	sld [smem:$0x3F98];
	s0 =	simm.s32 @p0 $0x1  }
0x13: {  	[smem:$0x3FB3] =	sst s0;
	s0 =	simm.s32 @!p1 $0x0  }
0x14: {  	s2 =	sld [smem:$0x3F97];
	s0 =	simm.s32 @p1 $0x1  }
0x15: {  	[smem:$0x3FB4] =	sst s0;
	s0 =	simm.s32 @!p2 $0x0  }
0x16: {  	s3 =	sld [smem:$0x3FDB];
	s0 =	simm.s32 @p2 $0x1  }
0x17: {  	s4 =	simm.s32 $0x1BF5;
	[smem:$0x3FB6] =	sst s0  }
0x18: {  	s0 =	sld [smem:$0x3F99];
	_ =	swait.ge [sflag:s4], $0x0  }
0x19: {  	s7 =	sld [smem:$0x3F9A]  }
0x1a: {  	s8 =	sadd.s32 $0xFFFFE003, lr  }
0x1b: {  	s9 =	sadd.s32 $0xFFFFFEF7, lr;
	s5 =	simm.s32 $0xFFFFFFFF;
	p2 =	slt.u32 s8, $0xFFFFF086  }
0x1c: {  	p1 =	slt.u32 s9, $0xF7A;
	s5 =	simm.s32 @!p2 $0x0  }
0x1d: {  	s5 =	simm.s32 @p1 $0x1;
	p0 =	seq.s32 s7, s2  }
0x1e: {  	s7 =	smul.u32 @!p0 $0xF7A, s2;
	p2 =	seq.s32 @!p0 s5, $0x0  }
0x1f: {  	s9 =	smul.u32 $0xF7A, s1;
	s8 =	simm.s32 @!p0 $0x1BF5;
	p2 =	por !p2, p0  }
0x20: {  	[sflag:s8] =	ssyncset.s32 @!p0 $0xFFFFF086;
	s6 =	sadd.s32 @!p0 s3, s7;
	s7 =	simm.s32 @!p0 $0x108  }
0x21: {  	s3 =	sadd.s32 s3, s9;
	s6 =	sadd.s32 @!p0 $0x88, s6;
	s7 =	simm.s32 @p2 $0x1082  }
0x22: {  	[simem:s7], [sflag:s8] =	dma.local @!p0 [hbm:s6], $0xF7A  }
0x23: {  	s9 =	sor.u32 $0xD0000000, s2;
	s6 =	simm.s32 $0x108;
	_ =	swait.ge @!p0 [sflag:s8], $0x0  }
0x24: {  	s3 =	sadd.s32 $0x88, s3;
	s6 =	simm.s32 @!p1 $0x1082;
	[sflag:s4] =	ssyncset.s32 $0xFFFFF086  }
0x25: {  	[simem:s6], [sflag:s4] =	dma.local [hbm:s3], $0xF7A  }
0x26: {  	[smem:$0x3F9A] =	sst s1;
	(tag) =	ssettag s2;
	_ =	strace s9  }
0x27: {  	s1 =	sld [smem:$0x3FAA]  }
0x28: {  	s2 =	sld [smem:$0x3FAB]  }
0x29: {  	s4 =	sld [smem:$0x3FAD]  }
0x2a: {  	p0 =	seq.s32 s5, $0x0;
	s5 =	sld [smem:$0x3FAE]  }
0x2b: {  	s6 =	sld [smem:$0x3FAF]  }
0x2c: {  	s7 =	sld [smem:$0x3FB0]  }
0x2d: {  	s3 =	simm.s32 $0x108;
	s8 =	sld [smem:$0x3FB1]  }
0x2e: {  	s3 =	simm.s32 @!p0 $0x1082;
	s9 =	sld [smem:$0x3FB2]  }
0x2f: {  	lr =	sadd.s32 s0, s3;
	s0 =	sld [smem:$0x3FA9]  }
0x30: {  	s3 =	sld [smem:$0x3FAC]  }
0x31: {  	[smem:$0x3FB5] =	sst s10  }
0x32: {  	s10 =	sld [smem:$0x3FB3];
	_ =	sdelay $0x3  }
0x33: {  	p0 =	seq.s32 s10, $0x1;
	s10 =	sld [smem:$0x3FB5];
	_ =	sdelay $0x3  }
0x34: {  	[smem:$0x3FB5] =	sst s10  }
0x35: {  	s10 =	sld [smem:$0x3FB4];
	_ =	sdelay $0x3  }
0x36: {  	p1 =	seq.s32 s10, $0x1;
	s10 =	sld [smem:$0x3FB5];
	_ =	sdelay $0x3  }
0x37: {  	[smem:$0x3FB5] =	sst s10  }
0x38: {  	s10 =	sld [smem:$0x3FB6]  }
0x39: {  	_ = 	snop;
	(pc) =	sbr.ind lr, $3  }
0x3a: {  	_ = 	snop  }
0x3b: {  	_ = 	snop  }
0x3c: {  	p2 =	seq.s32 s10, $0x1;
	s10 =	sld [smem:$0x3FB5]  }
0x3d: {  	_ =	shalt  }
0x3e: {  	_ =	shalt  }
0x3f: {  	_ =	shalt  }
0x40: {  	_ =	shalt  }
0x41: {  	_ =	shalt  }
0x42: {  	_ =	shalt  }
0x43: {  	_ =	shalt  }
0x44: {  	_ =	shalt  }
0x45: {  	_ =	shalt  }
0x46: {  	_ =	shalt  }
0x47: {  	_ =	shalt  }
0x48: {  	_ =	shalt  }
0x49: {  	_ =	shalt  }
0x4a: {  	_ =	shalt  }
0x4b: {  	_ =	shalt  }
0x4c: {  	_ =	shalt  }
0x4d: {  	_ =	shalt  }
0x4e: {  	_ =	shalt  }
0x4f: {  	_ =	shalt  }
0x50: {  	_ =	shalt  }
0x51: {  	_ =	shalt  }
0x52: {  	_ =	shalt  }
0x53: {  	_ =	shalt  }
0x54: {  	_ =	shalt  }
0x55: {  	_ =	shalt  }
0x56: {  	_ =	shalt  }
0x57: {  	_ =	shalt  }
0x58: {  	_ =	shalt  }
0x59: {  	_ =	shalt  }
0x5a: {  	_ =	shalt  }
0x5b: {  	_ =	shalt  }
0x5c: {  	_ =	shalt  }
0x5d: {  	_ =	shalt  }
0x5e: {  	_ =	shalt  }
0x5f: {  	_ =	shalt  }
0x60: {  	_ =	shalt  }
0x61: {  	_ =	shalt  }
0x62: {  	_ =	shalt  }
0x63: {  	_ =	shalt  }
0x64: {  	_ =	shalt  }
0x65: {  	_ =	shalt  }
0x66: {  	_ =	shalt  }
0x67: {  	_ =	shalt  }
0x68: {  	_ =	shalt  }
0x69: {  	_ =	shalt  }
0x6a: {  	_ =	shalt  }
0x6b: {  	_ =	shalt  }
0x6c: {  	_ =	shalt  }
0x6d: {  	_ =	shalt  }
0x6e: {  	_ =	shalt  }
0x6f: {  	_ =	shalt  }
0x70: {  	_ =	shalt  }
0x71: {  	_ =	shalt  }
0x72: {  	_ =	shalt  }
0x73: {  	_ =	shalt  }
0x74: {  	_ =	shalt  }
0x75: {  	_ =	shalt  }
0x76: {  	_ =	shalt  }
0x77: {  	_ =	shalt  }
0x78: {  	_ =	shalt  }
0x79: {  	_ =	shalt  }
0x7a: {  	_ =	shalt  }
0x7b: {  	_ =	shalt  }
0x7c: {  	_ =	shalt  }
0x7d: {  	_ =	shalt  }
0x7e: {  	_ =	shalt  }
0x7f: {  	_ =	shalt  }
0x80: {  	_ =	shalt  }
0x81: {  	_ =	shalt  }
0x82: {  	_ =	shalt  }
0x83: {  	_ =	shalt  }
0x84: {  	_ =	shalt  }
0x85: {  	_ =	shalt  }
0x86: {  	_ =	shalt  }
0x87: {  	_ =	shalt  }
.Lfunc_end0:
.L_simem_size_0:
called_computation.6_lowered:
.L_overlay_start_0:
0x88: {  	s2 =	sld [smem:$0x3FD9]  }
0x89: {  	s3 =	sld [smem:$0x3FFE];
	_ =	sdelay $0x1  }
0x8a: {  	s1 =	srdreg.scid  }
0x8b: {  	s0 =	sand.u32 $0x1, s1  }
0x8c: {  	s17 =	sshll.u32 s0, $0xA;
	s2 =	sadd.s32 s3, s2  }
0x8d: {  	s2 =	sadd.s32 s2, s17  }
0x8e: {  	[smem:$0x3FC1] =	sst s2  }
0x8f: {  	_ = 	snop  }
0x90: {  	s18 =	sld [smem:$0x3FD0];
	(tm) =	ssettm $0x1  }
0x91: {  	s19 =	sld [smem:$0x3FFB];
	_ =	sdelay $0x3  }
0x92: {  	_ =	strace s19  }
0x93: {  	s2 =	sld [smem:$0x3FFC];
	_ =	sdelay $0x3  }
0x94: {  	_ =	strace s2  }
0x95: {  	s2 =	sld [smem:$0x3FFD];
	_ =	sdelay $0x3  }
0x96: {  	_ =	strace s2  }
0x97: {  	_ =	strace $0x8FFFFFFF  }
0x98: {  	s20 =	sld [smem:$0x3FDB];
	_ =	sdelay $0x1  }
0x99: {  	s4 =	simm.s32 $_scs_section_size  }
0x9a: {  	s5 =	simm.s32 $_size__tile_overlayer_lowered;
	s6 =	simm.s32 $_tile_overlayer_lowered  }
0x9b: {  	s7 =	simm.s32 $0x1BFF;
	s21 =	sshll.u32 s6, $0x1;
	s4 =	sadd.s32 s4, s20  }
0x9c: {  	s22 =	simm.s32 $0x0;
	s5 =	sshll.u32 s5, $0x1;
	s6 =	sadd.s32 s21, s4  }
0x9d: {  	[timem:s22], [sflag:s7] =	dma.local [hbm:s6], s5  }
0x9e: {  	_ =	swait.ge [sflag:s7], s5  }
0x9f: {  	s5 =	ssub.s32 $0x0, s5;
	[sflag:s7] =	ssyncset.done $0x0  }
0xa0: {  	[sflag:s7] =	ssyncadd.s32 s5;
	_ =	sdelay $0x1  }
0xa1: {  	s23 =	simm.s32 $0x1B8B  }
0xa2: {  	_ =	swait.ge [sflag:s23], $0x1  }
0xa3: {  	[sflag:s23] =	ssyncset.done $0x0  }
0xa4: {  	[sflag:s23] =	ssyncadd.s32 $0xFFFFFFFF  }
0xa5: {  	s5 =	sld [smem:$0x0]  }
0xa6: {  	s6 =	sand.u32 $0xFFFFFFFE, s1  }
0xa7: {  	p0 =	sne.s32 s1, s6  }
0xa8: {  	s6 =	sshll.u32 @p0 s6, $0xE  }
0xa9: {  	s6 =	sadd.s32 @p0 $0x11B8D, s6;
	s7 =	sshll.u32 @p0 s5, $0x11  }
0xaa: {  	s6 =	sor.u32 @p0 s7, s6  }
0xab: {  	[sflag:s6] =	ssyncadd.remote.s32 @p0 $0x1;
	_ =	sdelay $0x1  }
0xac: {  	s6 =	simm.s32 @p0 $0x1B8D  }
0xad: {  	_ =	swait.eq @p0 [sflag:s6], $0x1  }
0xae: {  	[sflag:s6] =	ssyncadd.s32 @p0 $0xFFFFFFFF  }
0xaf: {  	s7 =	sshll.u32 @!p0 s1, $0xE  }
0xb0: {  	s7 =	sor.u32 @!p0 $0x4000, s7;
	s6 =	simm.s32 @!p0 $0x1B8D  }
0xb1: {  	s5 =	sshll.u32 @!p0 s5, $0x11;
	s7 =	sadd.s32 @!p0 $0x11B8D, s7;
	_ =	swait.eq @!p0 [sflag:s6], $0x1  }
0xb2: {  	s5 =	sor.u32 @!p0 s5, s7;
	[sflag:s6] =	ssyncadd.s32 @!p0 $0xFFFFFFFF  }
0xb3: {  	s25 =	simm.s32 $0x1B8E;
	s24 =	sld [smem:$0x3FFE];
	[sflag:s5] =	ssyncadd.remote.s32 @!p0 $0x1  }
0xb4: {  	s26 =	simm.s32 $execute0_lowered;
	[smem:$0x3FD2] =	sst s25  }
0xb5: {  	s6 =	sshll.u32 s26, $0x1;
	_ =	strace $0x80000055;
	[dreg:$0x1] =	wrdreg $0xFFFFFFFF  }
0xb6: {  	s28 =	simm.s32 $_size_execute0_lowered;
	s4 =	sadd.s32 s4, s6;
	[dreg:$0x0] =	wrdreg $0x0  }
0xb7: {  	s6 =	sshll.u32 s28, $0x1;
	[dreg:$0x2] =	wrdreg s4  }
0xb8: {  	[dreg:$0x3] =	wrdreg s6  }
0xb9: {  	[dreg:$0x4] =	wrdreg $0xC0  }
0xba: {  	_ =	task [dreg:s22], $0x5FFFF  }
0xbb: {  	[dreg:$0x1] =	wrdreg $0xFFFFFFFF  }
0xbc: {  	[dreg:$0x0] =	wrdreg $0x60  }
0xbd: {  	[dreg:$0x2] =	wrdreg s18  }
0xbe: {  	[dreg:$0x3] =	wrdreg s24  }
0xbf: {  	[dreg:$0x4] =	wrdreg $0xB  }
0xc0: {  	_ =	task.clear_ibuf [dreg:s22], $0x5FFFF;
	_ =	strace $0x90000055  }
0xc1: {  	s29 =	simm.s32 $0xB;
	_ =	strace $0x80000057  }
0xc2: {  	_ =	swait.ge [sflag:s29], $0x1  }
0xc3: {  	[sflag:s29] =	ssyncadd.s32 $0xFFFFFFFF  }
0xc4: {  	_ =	strace $0x90000057  }
0xc5: {  	_ =	sfence  }
0xc6: {  	s30 =	sld [smem:$0x0];
	_ =	sdelay $0x2  }
0xc7: {  	s31 =	sshll.u32 s1, $0xD;
	s1 =	sshrl.u32 s1, $0x2  }
0xc8: {  	s4 =	sand.u32 $0x4000, s31;
	s1 =	sadd.s32 s1, s30  }
0xc9: {  	s0 =	sor.u32 s4, s0;
	s1 =	sshll.u32 s1, $0x11  }
0xca: {  	s0 =	sor.u32 s1, s0  }
0xcb: {  	s0 =	sadd.s32 $0x8F2B, s0  }
0xcc: {  	[sflag:s0] =	ssyncadd.remote.s32 $0x1  }
0xcd: {  	_ =	sfence.sel $0xFFFF  }
0xce: {  	[dreg:$0x0] =	wrdreg $0xFFFFFFFF;
	(pc) =	sbr.abs _section_cstart, $3  }
0xcf: {  	[dreg:$0x1] =	wrdreg $0xFFFFFFFF  }
0xd0: {  	_ =	task.clear_ibuf [dreg:s22], $0x2FFFF;
	_ =	strace $0x9FFFFFFF  }
0xd1: {  	(tm) =	ssettm $0x7FFFFFFF  }
tec
execute0_lowered:
.L_overlay_start_1:
0x0: {  	(tag) =	ssettag $0x1  }
0x1: {  	s1 =	srdreg.scid  }
0x2: {  	s0 =	stileid.u32;
	s2 =	rddreg [dreg:$0x0]  }
0x3: {  	s5 =	rddreg [dreg:$0x1];
	s18 =	simm.s32 $0x880;
	s19 =	simm.s32 $0x1080  }
0x4: {  	s20 =	simm.s32 $0x1880;
	s22 =	simm.s32 $0x2080;
	s23 =	simm.s32 $0x2880  }
0x5: {  	s24 =	simm.s32 $0x3080;
	s7 =	simm.s32 $0x3880;
	s8 =	simm.s32 $0x4080  }
0x6: {  	s25 =	simm.s32 $0x4880;
	s26 =	simm.s32 $0x5080;
	s1 =	sand.u32 $0x1, s1  }
0x7: {  	s9 =	simm.s32 $0x80;
	s3 =	sshll.u32 s0, $0x7;
	s4 =	sshll.u32 s1, $0x6  }
0x8: {  	s11 =	simm.s32 $0x6080;
	s4 =	sor.u32 s4, s3;
	s3 =	simm.s32 $0x0  }
0x9: {  	s12 =	simm.s32 $0x6880;
	s13 =	simm.s32 $0x7080;
	[smem:$0x7FF] =	sst s3  }
0xa: {  	s14 =	simm.s32 $0x7880;
	_ =	strace $0x80000056;
	[dreg:$0x5] =	wrdreg s18  }
0xb: {  	s15 =	simm.s32 $0x8080;
	s16 =	simm.s32 $0x8880;
	[dreg:$0x6] =	wrdreg s19  }
0xc: {  	s28 =	simm.s32 $0xE080;
	s29 =	simm.s32 $0xE880;
	[dreg:$0x7] =	wrdreg s20  }
0xd: {  	s30 =	simm.s32 $0xF080;
	s1 =	ssub.s32 $0x2, s1;
	[dreg:$0x8] =	wrdreg s22  }
0xe: {  	s31 =	simm.s32 $0xF880;
	s21 =	sshrl.u32 s1, $0x1;
	[dreg:$0x9] =	wrdreg s23  }
0xf: {  	s6 =	sshrl.u32 s4, $0x3;
	s4 =	sshll.u32 s4, $0x7;
	[dreg:$0xa] =	wrdreg s24  }
0x10: {  	s1 =	ssub.s32 s1, s21;
	s21 =	simm.s32 $0xB080;
	[dreg:$0xb] =	wrdreg s7  }
0x11: {  	s6 =	sadd.s32 s6, s5;
	s4 =	sadd.s32 s4, s5;
	[dreg:$0xc] =	wrdreg s8  }
0x12: {  	s5 =	sadd.s32 $0x200, s2;
	s7 =	smax.u32 s1, $0x1;
	[dreg:$0xd] =	wrdreg s25  }
0x13: {  	s8 =	simm.s32 $0x2;
	[dreg:$0xe] =	wrdreg s26;
	s18 =	simm.s32 $0x9880  }
0x14: {  	s19 =	simm.s32 $0xA080;
	s20 =	simm.s32 $0xA880;
	s22 =	simm.s32 $0xB880  }
0x15: {  	s23 =	simm.s32 $0xC080;
	s24 =	simm.s32 $0xC880;
	s25 =	simm.s32 $0xD080  }
0x16: {  	v2 =	vlaneseq.u32;
	s26 =	simm.s32 $0xD880;
	s1 =	simm.s32 $0x1;
	s17 =	sadd.s32 $0x83A00, s6  }
0x17: {  	vm0 =	vmmov $0xffff;
	v1 =	vshrl.u32 v2, $0x3;
	s4 =	sadd.s32 $0xC4400, s4;
	s6 =	sadd.s32 $0x300, s2;
	[dreg:$0x3] =	wrdreg s17  }
0x18: {  	v0 =	vand.u32 $0x7, v2;
	v2 =	vor.u32 $0x8, v2;
	v1 =	vmul.u32 $0x8, v1;
	[dreg:$0x4] =	wrdreg s4;
	s4 =	sadd.s32 $0x100, s2;
	s17 =	simm.s32 $0x9080  }
.LBB2_1:
0x19: {  	s0 =	rddreg [dreg:$0x3]  }
0x1a: {  	[tilespmem:s3], [sflag:$0x2] =	stream.linear.gather [hbm4b:s0+s3], $0x40, $0x38;
	[tilespmem:$0x10080] =	vst v63  }
0x1b: {  	_ =	swait.ge [sflag:s8], $0x40  }
0x1c: {  	[sflag:s8] =	ssyncset.done $0x0  }
0x1d: {  	s10 =	rddreg [dreg:$0x4];
	[sflag:s8] =	ssyncadd.s32 $0xFFFFFFC0  }
0x1e: {  	[tilespmem:s9], [sflag:$0x2] =	stream.linear.gather [hbm4b:s10+s3], $0x10000, $0x38;
	[tilespmem:$0x10080] =	vst v63  }
0x1f: {  	_ =	swait.ge [sflag:s8], $0x10000  }
0x20: {  	[sflag:s8] =	ssyncset.done $0x0  }
0x21: {  	[sflag:s8] =	ssyncadd.s32 $0xFFFF0000  }
0x22: {  	v3 =	vld [tilespmem:$0x0];
	_ =	sdelay $0x4  }
0x23: {  	v4 =	vshll.u32 v3, $0x3  }
0x24: {  	v3 =	vand.u32 $0x7, v3;
	v4 =	vand.u32 $0xFFFFFFC0, v4  }
0x25: {  	v3 =	vor.u32 v3, v4  }
0x26: {  	v4 =	vperm.xlane v3, v0;
	_ =	sdelay $0x1  }
0x27: {  	v4 =	vadd.s32 v1, v4;
	_ =	sdelay $0x4  }
0x28: {  	[hbm4b:s2+s3] =	stream.indirect_vreg.scatter [tilespmem:s9], [sflag:$0x1], $0x80, v4, vm0, $0xb8;
	[tilespmem:$0x10080] =	vst v63  }
0x29: {  	s0 =	rddreg [dreg:$0x5];
	v3 =	vperm.xlane v3, v2  }
0x2a: {  	[hbm4b:s4+s3] =	stream.indirect_vreg.scatter [tilespmem:s0], [sflag:$0x1], $0x80, v4, vm0, $0xb8;
	[tilespmem:$0x10080] =	vst v63  }
0x2b: {  	s10 =	rddreg [dreg:$0x6];
	v3 =	vadd.s32 v1, v3  }
0x2c: {  	[hbm4b:s5+s3] =	stream.indirect_vreg.scatter [tilespmem:s10], [sflag:$0x1], $0x80, v4, vm0, $0xb8;
	[tilespmem:$0x10080] =	vst v63  }
0x2d: {  	s0 =	rddreg [dreg:$0x7]  }
0x2e: {  	[hbm4b:s6+s3] =	stream.indirect_vreg.scatter [tilespmem:s0], [sflag:$0x1], $0x80, v4, vm0, $0xb8;
	[tilespmem:$0x10080] =	vst v63  }
0x2f: {  	s10 =	rddreg [dreg:$0x8]  }
0x30: {  	[hbm4b:s2+s3] =	stream.indirect_vreg.scatter [tilespmem:s10], [sflag:$0x1], $0x80, v3, vm0, $0xb8;
	[tilespmem:$0x10080] =	vst v63  }
0x31: {  	s0 =	rddreg [dreg:$0x9]  }
0x32: {  	[hbm4b:s4+s3] =	stream.indirect_vreg.scatter [tilespmem:s0], [sflag:$0x1], $0x80, v3, vm0, $0xb8;
	[tilespmem:$0x10080] =	vst v63  }
0x33: {  	s10 =	rddreg [dreg:$0xa]  }
0x34: {  	[hbm4b:s5+s3] =	stream.indirect_vreg.scatter [tilespmem:s10], [sflag:$0x1], $0x80, v3, vm0, $0xb8;
	[tilespmem:$0x10080] =	vst v63  }
0x35: {  	s0 =	rddreg [dreg:$0xb]  }
0x36: {  	[hbm4b:s6+s3] =	stream.indirect_vreg.scatter [tilespmem:s0], [sflag:$0x1], $0x80, v3, vm0, $0xb8;
	[tilespmem:$0x10080] =	vst v63  }
0x37: {  	v3 =	vld [tilespmem:$0x10];
	_ =	sdelay $0x4  }
0x38: {  	v61 =	vshll.u32 v3, $0x3  }
0x39: {  	v3 =	vand.u32 $0x7, v3;
	v4 =	vand.u32 $0xFFFFFFC0, v61  }
0x3a: {  	v3 =	vor.u32 v3, v4  }
0x3b: {  	v4 =	vperm.xlane v3, v0;
	_ =	sdelay $0x1  }
0x3c: {  	v4 =	vadd.s32 v1, v4;
	_ =	sdelay $0x3  }
0x3d: {  	s0 =	rddreg [dreg:$0xc]  }
0x3e: {  	[hbm4b:s2+s3] =	stream.indirect_vreg.scatter [tilespmem:s0], [sflag:$0x1], $0x80, v4, vm0, $0xb8;
	[tilespmem:$0x10080] =	vst v63  }
0x3f: {  	s10 =	rddreg [dreg:$0xd];
	v3 =	vperm.xlane v3, v2  }
0x40: {  	[hbm4b:s4+s3] =	stream.indirect_vreg.scatter [tilespmem:s10], [sflag:$0x1], $0x80, v4, vm0, $0xb8;
	[tilespmem:$0x10080] =	vst v63  }
0x41: {  	v3 =	vadd.s32 v1, v3;
	s0 =	rddreg [dreg:$0xe]  }
0x42: {  	[hbm4b:s5+s3] =	stream.indirect_vreg.scatter [tilespmem:s0], [sflag:$0x1], $0x80, v4, vm0, $0xb8;
	[tilespmem:$0x10080] =	vst v63  }
0x43: {  	s10 =	simm.s32 $0x5880  }
0x44: {  	[hbm4b:s6+s3] =	stream.indirect_vreg.scatter [tilespmem:s10], [sflag:$0x1], $0x80, v4, vm0, $0xb8;
	[tilespmem:$0x10080] =	vst v63  }
0x45: {  	_ = 	snop  }
0x46: {  	[hbm4b:s2+s3] =	stream.indirect_vreg.scatter [tilespmem:s11], [sflag:$0x1], $0x80, v3, vm0, $0xb8;
	[tilespmem:$0x10080] =	vst v63  }
0x47: {  	_ = 	snop  }
0x48: {  	[hbm4b:s4+s3] =	stream.indirect_vreg.scatter [tilespmem:s12], [sflag:$0x1], $0x80, v3, vm0, $0xb8;
	[tilespmem:$0x10080] =	vst v63  }
0x49: {  	_ = 	snop  }
0x4a: {  	[hbm4b:s5+s3] =	stream.indirect_vreg.scatter [tilespmem:s13], [sflag:$0x1], $0x80, v3, vm0, $0xb8;
	[tilespmem:$0x10080] =	vst v63  }
0x4b: {  	_ = 	snop  }
0x4c: {  	[hbm4b:s6+s3] =	stream.indirect_vreg.scatter [tilespmem:s14], [sflag:$0x1], $0x80, v3, vm0, $0xb8;
	[tilespmem:$0x10080] =	vst v63  }
0x4d: {  	v3 =	vld [tilespmem:$0x20];
	_ =	sdelay $0x4  }
0x4e: {  	v62 =	vshll.u32 v3, $0x3  }
0x4f: {  	v3 =	vand.u32 $0x7, v3;
	v4 =	vand.u32 $0xFFFFFFC0, v62  }
0x50: {  	v3 =	vor.u32 v3, v4  }
0x51: {  	v4 =	vperm.xlane v3, v0;
	_ =	sdelay $0x1  }
0x52: {  	v4 =	vadd.s32 v1, v4;
	_ =	sdelay $0x4  }
0x53: {  	[hbm4b:s2+s3] =	stream.indirect_vreg.scatter [tilespmem:s15], [sflag:$0x1], $0x80, v4, vm0, $0xb8;
	[tilespmem:$0x10080] =	vst v63  }
0x54: {  	v3 =	vperm.xlane v3, v2  }
0x55: {  	[hbm4b:s4+s3] =	stream.indirect_vreg.scatter [tilespmem:s16], [sflag:$0x1], $0x80, v4, vm0, $0xb8;
	[tilespmem:$0x10080] =	vst v63  }
0x56: {  	v3 =	vadd.s32 v1, v3  }
0x57: {  	[hbm4b:s5+s3] =	stream.indirect_vreg.scatter [tilespmem:s17], [sflag:$0x1], $0x80, v4, vm0, $0xb8;
	[tilespmem:$0x10080] =	vst v63  }
0x58: {  	_ = 	snop  }
0x59: {  	[hbm4b:s6+s3] =	stream.indirect_vreg.scatter [tilespmem:s18], [sflag:$0x1], $0x80, v4, vm0, $0xb8;
	[tilespmem:$0x10080] =	vst v63  }
0x5a: {  	_ = 	snop  }
0x5b: {  	[hbm4b:s2+s3] =	stream.indirect_vreg.scatter [tilespmem:s19], [sflag:$0x1], $0x80, v3, vm0, $0xb8;
	[tilespmem:$0x10080] =	vst v63  }
0x5c: {  	_ = 	snop  }
0x5d: {  	[hbm4b:s4+s3] =	stream.indirect_vreg.scatter [tilespmem:s20], [sflag:$0x1], $0x80, v3, vm0, $0xb8;
	[tilespmem:$0x10080] =	vst v63  }
0x5e: {  	_ = 	snop  }
0x5f: {  	[hbm4b:s5+s3] =	stream.indirect_vreg.scatter [tilespmem:s21], [sflag:$0x1], $0x80, v3, vm0, $0xb8;
	[tilespmem:$0x10080] =	vst v63  }
0x60: {  	_ = 	snop  }
0x61: {  	[hbm4b:s6+s3] =	stream.indirect_vreg.scatter [tilespmem:s22], [sflag:$0x1], $0x80, v3, vm0, $0xb8;
	[tilespmem:$0x10080] =	vst v63  }
0x62: {  	v3 =	vld [tilespmem:$0x30];
	_ =	sdelay $0x4  }
0x63: {  	v63 =	vshll.u32 v3, $0x3  }
0x64: {  	v3 =	vand.u32 $0x7, v3;
	v4 =	vand.u32 $0xFFFFFFC0, v63  }
0x65: {  	v3 =	vor.u32 v3, v4  }
0x66: {  	v4 =	vperm.xlane v3, v0;
	_ =	sdelay $0x1  }
0x67: {  	v4 =	vadd.s32 v1, v4;
	_ =	sdelay $0x4  }
0x68: {  	[hbm4b:s2+s3] =	stream.indirect_vreg.scatter [tilespmem:s23], [sflag:$0x1], $0x80, v4, vm0, $0xb8;
	[tilespmem:$0x10080] =	vst v63  }
0x69: {  	v3 =	vperm.xlane v3, v2  }
0x6a: {  	[hbm4b:s4+s3] =	stream.indirect_vreg.scatter [tilespmem:s24], [sflag:$0x1], $0x80, v4, vm0, $0xb8;
	[tilespmem:$0x10080] =	vst v63  }
0x6b: {  	v3 =	vadd.s32 v1, v3  }
0x6c: {  	[hbm4b:s5+s3] =	stream.indirect_vreg.scatter [tilespmem:s25], [sflag:$0x1], $0x80, v4, vm0, $0xb8;
	[tilespmem:$0x10080] =	vst v63  }
0x6d: {  	_ = 	snop  }
0x6e: {  	[hbm4b:s6+s3] =	stream.indirect_vreg.scatter [tilespmem:s26], [sflag:$0x1], $0x80, v4, vm0, $0xb8;
	[tilespmem:$0x10080] =	vst v63  }
0x6f: {  	_ = 	snop  }
0x70: {  	[hbm4b:s2+s3] =	stream.indirect_vreg.scatter [tilespmem:s28], [sflag:$0x1], $0x80, v3, vm0, $0xb8;
	[tilespmem:$0x10080] =	vst v63  }
0x71: {  	_ = 	snop  }
0x72: {  	[hbm4b:s4+s3] =	stream.indirect_vreg.scatter [tilespmem:s29], [sflag:$0x1], $0x80, v3, vm0, $0xb8;
	[tilespmem:$0x10080] =	vst v63  }
0x73: {  	p0 =	sne.s32 s7, $0x1  }
0x74: {  	[hbm4b:s5+s3] =	stream.indirect_vreg.scatter [tilespmem:s30], [sflag:$0x1], $0x80, v3, vm0, $0xb8;
	[tilespmem:$0x10080] =	vst v63  }
.Ltmp0:
0x75: {  	_ = 	snop;
	(pc) =	sbr.rel @p0 .LBB2_1-.Ltmp0, $4  }
0x76: {  	[hbm4b:s6+s3] =	stream.indirect_vreg.scatter [tilespmem:s31], [sflag:$0x1], $0x80, v3, vm0, $0xb8;
	[tilespmem:$0x10080] =	vst v63  }
0x77: {  	_ =	swait.ge [sflag:s1], $0x10000  }
0x78: {  	[sflag:s1] =	ssyncset.done $0x0  }
0x79: {  	s7 =	sadd.s32 $0xFFFFFFFF, s7;
	[sflag:s1] =	ssyncadd.s32 $0xFFFF0000  }
0x7a: {  	_ =	sfence.sel $0x180000  }
0x7b: {  	[bflag:$0x0] =	sbarrier.arrive $0xFFFF  }
0x7c: {  	_ =	strace $0x90000056  }
0x7d: {  	s0 =	stileid.u32;
	[bflag:$0x2] =	sbarrier.arrive $0xFFFF  }
0x7e: {  	p0 =	sne.s32 s0, $0x0;
	s0 =	rddreg [dreg:$0x2]  }
0x7f: {  	s0 =	sadd.s32 @!p0 $0x100000, s0  }
0x80: {  	[sflag:s0] =	ssyncadd.tile.s32 @!p0 $0x1;
	_ =	shalt  }
.Lfunc_end2:
_tile_overlayer_lowered:
.L_overlay_start_2:
0x81: {  	(tag) =	ssettag $0x2  }
0x82: {  	s0 =	rddreg [dreg:$0x0];
	s2 =	stileid.u32  }
0x83: {  	s1 =	rddreg [dreg:$0x1];
	p0 =	sne.s32 s2, $0x0  }
0x84: {  	s3 =	rddreg [dreg:$0x2];
	[bflag:$0x3] =	sbarrier.arrive $0xFFFF;
	s2 =	simm.s32 @!p0 $0x1C02  }
0x85: {  	[timem:s3], [sflag:s2] =	dma.local @!p0 [hbm:s0], s1  }
0x86: {  	s0 =	simm.s32 @!p0 $0x2  }
0x87: {  	_ =	swait.ge @!p0 [sflag:s0], s1  }
0x88: {  	s1 =	ssub.s32 @!p0 $0x0, s1;
	[sflag:s0] =	ssyncset.done @!p0 $0x0  }
0x89: {  	[sflag:s0] =	ssyncadd.s32 @!p0 s1  }
0x8a: {  	[bflag:$0x3] =	sbarrier.arrive $0xFFFF  }
0x8b: {  	_ =	shalt  }

// kernel: kernel.37.cloned.1.call-start
scs
__scs_entry_jumppad:
0x0: {  	(pc) =	sbr.rel $0x88, $3  }
0x1: {  	(tag) =	ssettag $0x0;
	lr =	simm.s32 $0x1  }
0x2: {  	[smem:$0x3F9A] =	sst lr;
	_ =	strace $0xD0000000  }
0x3: {  	_ = 	snop  }
0x4: {  	_ = 	snop  }
0x5: {  	_ = 	snop  }
0x6: {  	_ = 	snop  }
0x7: {  	_ = 	snop  }
__scs_overlays_trampoline_lowered:
0x8: {  	[smem:$0x3FA9] =	sst s0  }
0x9: {  	[smem:$0x3FAA] =	sst s1  }
0xa: {  	[smem:$0x3FAB] =	sst s2  }
0xb: {  	[smem:$0x3FAC] =	sst s3  }
0xc: {  	[smem:$0x3FAD] =	sst s4  }
0xd: {  	[smem:$0x3FAE] =	sst s5  }
0xe: {  	[smem:$0x3FAF] =	sst s6  }
0xf: {  	[smem:$0x3FB0] =	sst s7  }
0x10: {  	[smem:$0x3FB1] =	sst s8  }
0x11: {  	[smem:$0x3FB2] =	sst s9;
	s0 =	simm.s32 @!p0 $0x0  }
0x12: {  	s1 =	sld [smem:$0x3F98];
	s0 =	simm.s32 @p0 $0x1  }
0x13: {  	[smem:$0x3FB3] =	sst s0;
	s0 =	simm.s32 @!p1 $0x0  }
0x14: {  	s2 =	sld [smem:$0x3F97];
	s0 =	simm.s32 @p1 $0x1  }
0x15: {  	[smem:$0x3FB4] =	sst s0;
	s0 =	simm.s32 @!p2 $0x0  }
0x16: {  	s3 =	sld [smem:$0x3FDB];
	s0 =	simm.s32 @p2 $0x1  }
0x17: {  	s4 =	simm.s32 $0x1BF5;
	[smem:$0x3FB6] =	sst s0  }
0x18: {  	s0 =	sld [smem:$0x3F99];
	_ =	swait.ge [sflag:s4], $0x0  }
0x19: {  	s7 =	sld [smem:$0x3F9A]  }
0x1a: {  	s8 =	sadd.s32 $0xFFFFE003, lr  }
0x1b: {  	s9 =	sadd.s32 $0xFFFFFEF7, lr;
	s5 =	simm.s32 $0xFFFFFFFF;
	p2 =	slt.u32 s8, $0xFFFFF086  }
0x1c: {  	p1 =	slt.u32 s9, $0xF7A;
	s5 =	simm.s32 @!p2 $0x0  }
0x1d: {  	s5 =	simm.s32 @p1 $0x1;
	p0 =	seq.s32 s7, s2  }
0x1e: {  	s7 =	smul.u32 @!p0 $0xF7A, s2;
	p2 =	seq.s32 @!p0 s5, $0x0  }
0x1f: {  	s9 =	smul.u32 $0xF7A, s1;
	s8 =	simm.s32 @!p0 $0x1BF5;
	p2 =	por !p2, p0  }
0x20: {  	[sflag:s8] =	ssyncset.s32 @!p0 $0xFFFFF086;
	s6 =	sadd.s32 @!p0 s3, s7;
	s7 =	simm.s32 @!p0 $0x108  }
0x21: {  	s3 =	sadd.s32 s3, s9;
	s6 =	sadd.s32 @!p0 $0x88, s6;
	s7 =	simm.s32 @p2 $0x1082  }
0x22: {  	[simem:s7], [sflag:s8] =	dma.local @!p0 [hbm:s6], $0xF7A  }
0x23: {  	s9 =	sor.u32 $0xD0000000, s2;
	s6 =	simm.s32 $0x108;
	_ =	swait.ge @!p0 [sflag:s8], $0x0  }
0x24: {  	s3 =	sadd.s32 $0x88, s3;
	s6 =	simm.s32 @!p1 $0x1082;
	[sflag:s4] =	ssyncset.s32 $0xFFFFF086  }
0x25: {  	[simem:s6], [sflag:s4] =	dma.local [hbm:s3], $0xF7A  }
0x26: {  	[smem:$0x3F9A] =	sst s1;
	(tag) =	ssettag s2;
	_ =	strace s9  }
0x27: {  	s1 =	sld [smem:$0x3FAA]  }
0x28: {  	s2 =	sld [smem:$0x3FAB]  }
0x29: {  	s4 =	sld [smem:$0x3FAD]  }
0x2a: {  	p0 =	seq.s32 s5, $0x0;
	s5 =	sld [smem:$0x3FAE]  }
0x2b: {  	s6 =	sld [smem:$0x3FAF]  }
0x2c: {  	s7 =	sld [smem:$0x3FB0]  }
0x2d: {  	s3 =	simm.s32 $0x108;
	s8 =	sld [smem:$0x3FB1]  }
0x2e: {  	s3 =	simm.s32 @!p0 $0x1082;
	s9 =	sld [smem:$0x3FB2]  }
0x2f: {  	lr =	sadd.s32 s0, s3;
	s0 =	sld [smem:$0x3FA9]  }
0x30: {  	s3 =	sld [smem:$0x3FAC]  }
0x31: {  	[smem:$0x3FB5] =	sst s10  }
0x32: {  	s10 =	sld [smem:$0x3FB3];
	_ =	sdelay $0x3  }
0x33: {  	p0 =	seq.s32 s10, $0x1;
	s10 =	sld [smem:$0x3FB5];
	_ =	sdelay $0x3  }
0x34: {  	[smem:$0x3FB5] =	sst s10  }
0x35: {  	s10 =	sld [smem:$0x3FB4];
	_ =	sdelay $0x3  }
0x36: {  	p1 =	seq.s32 s10, $0x1;
	s10 =	sld [smem:$0x3FB5];
	_ =	sdelay $0x3  }
0x37: {  	[smem:$0x3FB5] =	sst s10  }
0x38: {  	s10 =	sld [smem:$0x3FB6]  }
0x39: {  	_ = 	snop;
	(pc) =	sbr.ind lr, $3  }
0x3a: {  	_ = 	snop  }
0x3b: {  	_ = 	snop  }
0x3c: {  	p2 =	seq.s32 s10, $0x1;
	s10 =	sld [smem:$0x3FB5]  }
0x3d: {  	_ =	shalt  }
0x3e: {  	_ =	shalt  }
0x3f: {  	_ =	shalt  }
0x40: {  	_ =	shalt  }
0x41: {  	_ =	shalt  }
0x42: {  	_ =	shalt  }
0x43: {  	_ =	shalt  }
0x44: {  	_ =	shalt  }
0x45: {  	_ =	shalt  }
0x46: {  	_ =	shalt  }
0x47: {  	_ =	shalt  }
0x48: {  	_ =	shalt  }
0x49: {  	_ =	shalt  }
0x4a: {  	_ =	shalt  }
0x4b: {  	_ =	shalt  }
0x4c: {  	_ =	shalt  }
0x4d: {  	_ =	shalt  }
0x4e: {  	_ =	shalt  }
0x4f: {  	_ =	shalt  }
0x50: {  	_ =	shalt  }
0x51: {  	_ =	shalt  }
0x52: {  	_ =	shalt  }
0x53: {  	_ =	shalt  }
0x54: {  	_ =	shalt  }
0x55: {  	_ =	shalt  }
0x56: {  	_ =	shalt  }
0x57: {  	_ =	shalt  }
0x58: {  	_ =	shalt  }
0x59: {  	_ =	shalt  }
0x5a: {  	_ =	shalt  }
0x5b: {  	_ =	shalt  }
0x5c: {  	_ =	shalt  }
0x5d: {  	_ =	shalt  }
0x5e: {  	_ =	shalt  }
0x5f: {  	_ =	shalt  }
0x60: {  	_ =	shalt  }
0x61: {  	_ =	shalt  }
0x62: {  	_ =	shalt  }
0x63: {  	_ =	shalt  }
0x64: {  	_ =	shalt  }
0x65: {  	_ =	shalt  }
0x66: {  	_ =	shalt  }
0x67: {  	_ =	shalt  }
0x68: {  	_ =	shalt  }
0x69: {  	_ =	shalt  }
0x6a: {  	_ =	shalt  }
0x6b: {  	_ =	shalt  }
0x6c: {  	_ =	shalt  }
0x6d: {  	_ =	shalt  }
0x6e: {  	_ =	shalt  }
0x6f: {  	_ =	shalt  }
0x70: {  	_ =	shalt  }
0x71: {  	_ =	shalt  }
0x72: {  	_ =	shalt  }
0x73: {  	_ =	shalt  }
0x74: {  	_ =	shalt  }
0x75: {  	_ =	shalt  }
0x76: {  	_ =	shalt  }
0x77: {  	_ =	shalt  }
0x78: {  	_ =	shalt  }
0x79: {  	_ =	shalt  }
0x7a: {  	_ =	shalt  }
0x7b: {  	_ =	shalt  }
0x7c: {  	_ =	shalt  }
0x7d: {  	_ =	shalt  }
0x7e: {  	_ =	shalt  }
0x7f: {  	_ =	shalt  }
0x80: {  	_ =	shalt  }
0x81: {  	_ =	shalt  }
0x82: {  	_ =	shalt  }
0x83: {  	_ =	shalt  }
0x84: {  	_ =	shalt  }
0x85: {  	_ =	shalt  }
0x86: {  	_ =	shalt  }
0x87: {  	_ =	shalt  }
.Lfunc_end0:
.L_simem_size_0:
called_computation.7_lowered:
.L_overlay_start_0:
0x88: {  	s2 =	sld [smem:$0x3FD9]  }
0x89: {  	s3 =	sld [smem:$0x3FFE];
	_ =	sdelay $0x1  }
0x8a: {  	s1 =	srdreg.scid  }
0x8b: {  	s0 =	sand.u32 $0x1, s1  }
0x8c: {  	s17 =	sshll.u32 s0, $0xA;
	s2 =	sadd.s32 s3, s2  }
0x8d: {  	s2 =	sadd.s32 s2, s17  }
0x8e: {  	[smem:$0x3FC1] =	sst s2  }
0x8f: {  	_ = 	snop  }
0x90: {  	s18 =	sld [smem:$0x3FD0];
	(tm) =	ssettm $0x1  }
0x91: {  	s19 =	sld [smem:$0x3FFB];
	_ =	sdelay $0x3  }
0x92: {  	_ =	strace s19  }
0x93: {  	s2 =	sld [smem:$0x3FFC];
	_ =	sdelay $0x3  }
0x94: {  	_ =	strace s2  }
0x95: {  	s2 =	sld [smem:$0x3FFD];
	_ =	sdelay $0x3  }
0x96: {  	_ =	strace s2  }
0x97: {  	_ =	strace $0x8FFFFFFF  }
0x98: {  	s20 =	sld [smem:$0x3FDB];
	_ =	sdelay $0x1  }
0x99: {  	s4 =	simm.s32 $_scs_section_size  }
0x9a: {  	s5 =	simm.s32 $_size__tile_overlayer_lowered;
	s6 =	simm.s32 $_tile_overlayer_lowered  }
0x9b: {  	s7 =	simm.s32 $0x1BFF;
	s21 =	sshll.u32 s6, $0x1;
	s4 =	sadd.s32 s4, s20  }
0x9c: {  	s22 =	simm.s32 $0x0;
	s5 =	sshll.u32 s5, $0x1;
	s6 =	sadd.s32 s21, s4  }
0x9d: {  	[timem:s22], [sflag:s7] =	dma.local [hbm:s6], s5  }
0x9e: {  	_ =	swait.ge [sflag:s7], s5  }
0x9f: {  	s5 =	ssub.s32 $0x0, s5;
	[sflag:s7] =	ssyncset.done $0x0  }
0xa0: {  	[sflag:s7] =	ssyncadd.s32 s5;
	_ =	sdelay $0x1  }
0xa1: {  	s23 =	simm.s32 $0x1B8B  }
0xa2: {  	_ =	swait.ge [sflag:s23], $0x1  }
0xa3: {  	[sflag:s23] =	ssyncset.done $0x0  }
0xa4: {  	[sflag:s23] =	ssyncadd.s32 $0xFFFFFFFF  }
0xa5: {  	s5 =	sld [smem:$0x0]  }
0xa6: {  	s6 =	sand.u32 $0xFFFFFFFE, s1  }
0xa7: {  	p0 =	sne.s32 s1, s6  }
0xa8: {  	s6 =	sshll.u32 @p0 s6, $0xE  }
0xa9: {  	s6 =	sadd.s32 @p0 $0x11B8D, s6;
	s7 =	sshll.u32 @p0 s5, $0x11  }
0xaa: {  	s6 =	sor.u32 @p0 s7, s6  }
0xab: {  	[sflag:s6] =	ssyncadd.remote.s32 @p0 $0x1;
	_ =	sdelay $0x1  }
0xac: {  	s6 =	simm.s32 @p0 $0x1B8D  }
0xad: {  	_ =	swait.eq @p0 [sflag:s6], $0x1  }
0xae: {  	[sflag:s6] =	ssyncadd.s32 @p0 $0xFFFFFFFF  }
0xaf: {  	s7 =	sshll.u32 @!p0 s1, $0xE  }
0xb0: {  	s7 =	sor.u32 @!p0 $0x4000, s7;
	s6 =	simm.s32 @!p0 $0x1B8D  }
0xb1: {  	s5 =	sshll.u32 @!p0 s5, $0x11;
	s7 =	sadd.s32 @!p0 $0x11B8D, s7;
	_ =	swait.eq @!p0 [sflag:s6], $0x1  }
0xb2: {  	s5 =	sor.u32 @!p0 s5, s7;
	[sflag:s6] =	ssyncadd.s32 @!p0 $0xFFFFFFFF  }
0xb3: {  	s25 =	simm.s32 $0x1B8E;
	s24 =	sld [smem:$0x3FFE];
	[sflag:s5] =	ssyncadd.remote.s32 @!p0 $0x1  }
0xb4: {  	s26 =	simm.s32 $execute0_lowered;
	[smem:$0x3FD2] =	sst s25  }
0xb5: {  	s6 =	sshll.u32 s26, $0x1;
	_ =	strace $0x8000005B;
	[dreg:$0x1] =	wrdreg $0xFFFFFFFF  }
0xb6: {  	s28 =	simm.s32 $_size_execute0_lowered;
	s4 =	sadd.s32 s4, s6;
	[dreg:$0x0] =	wrdreg $0x0  }
0xb7: {  	s6 =	sshll.u32 s28, $0x1;
	[dreg:$0x2] =	wrdreg s4  }
0xb8: {  	[dreg:$0x3] =	wrdreg s6  }
0xb9: {  	[dreg:$0x4] =	wrdreg $0xC0  }
0xba: {  	_ =	task [dreg:s22], $0x5FFFF  }
0xbb: {  	[dreg:$0x1] =	wrdreg $0xFFFFFFFF  }
0xbc: {  	[dreg:$0x0] =	wrdreg $0x60  }
0xbd: {  	[dreg:$0x2] =	wrdreg s18  }
0xbe: {  	[dreg:$0x3] =	wrdreg s24  }
0xbf: {  	[dreg:$0x4] =	wrdreg $0x9  }
0xc0: {  	_ =	task.clear_ibuf [dreg:s22], $0x5FFFF;
	_ =	strace $0x9000005B  }
0xc1: {  	s29 =	simm.s32 $0x9;
	_ =	strace $0x8000005D  }
0xc2: {  	_ =	swait.ge [sflag:s29], $0x1  }
0xc3: {  	[sflag:s29] =	ssyncadd.s32 $0xFFFFFFFF  }
0xc4: {  	_ =	strace $0x9000005D  }
0xc5: {  	_ =	sfence  }
0xc6: {  	s30 =	sld [smem:$0x0];
	_ =	sdelay $0x2  }
0xc7: {  	s31 =	sshll.u32 s1, $0xD;
	s1 =	sshrl.u32 s1, $0x2  }
0xc8: {  	s4 =	sand.u32 $0x4000, s31;
	s1 =	sadd.s32 s1, s30  }
0xc9: {  	s0 =	sor.u32 s4, s0;
	s1 =	sshll.u32 s1, $0x11  }
0xca: {  	s0 =	sor.u32 s1, s0  }
0xcb: {  	s0 =	sadd.s32 $0x8F2B, s0  }
0xcc: {  	[sflag:s0] =	ssyncadd.remote.s32 $0x1  }
0xcd: {  	_ =	sfence.sel $0xFFFF  }
0xce: {  	[dreg:$0x0] =	wrdreg $0xFFFFFFFF;
	(pc) =	sbr.abs _section_cstart, $3  }
0xcf: {  	[dreg:$0x1] =	wrdreg $0xFFFFFFFF  }
0xd0: {  	_ =	task.clear_ibuf [dreg:s22], $0x2FFFF;
	_ =	strace $0x9FFFFFFF  }
0xd1: {  	(tm) =	ssettm $0x7FFFFFFF  }
tec
execute0_lowered:
.L_overlay_start_1:
0x0: {  	(tag) =	ssettag $0x1  }
0x1: {  	s1 =	srdreg.scid  }
0x2: {  	s0 =	stileid.u32;
	s2 =	rddreg [dreg:$0x0]  }
0x3: {  	s5 =	rddreg [dreg:$0x1];
	s18 =	simm.s32 $0x880;
	s19 =	simm.s32 $0x1080  }
0x4: {  	s20 =	simm.s32 $0x1880;
	s22 =	simm.s32 $0x2080;
	s23 =	simm.s32 $0x2880  }
0x5: {  	s24 =	simm.s32 $0x3080;
	s7 =	simm.s32 $0x3880;
	s8 =	simm.s32 $0x4080  }
0x6: {  	s25 =	simm.s32 $0x4880;
	s26 =	simm.s32 $0x5080;
	s1 =	sand.u32 $0x1, s1  }
0x7: {  	s9 =	simm.s32 $0x80;
	s3 =	sshll.u32 s0, $0x7;
	s4 =	sshll.u32 s1, $0x6  }
0x8: {  	s11 =	simm.s32 $0x6080;
	s4 =	sor.u32 s4, s3;
	s3 =	simm.s32 $0x0  }
0x9: {  	s12 =	simm.s32 $0x6880;
	s13 =	simm.s32 $0x7080;
	[smem:$0x7FF] =	sst s3  }
0xa: {  	s14 =	simm.s32 $0x7880;
	_ =	strace $0x8000005C;
	[dreg:$0x5] =	wrdreg s18  }
0xb: {  	s15 =	simm.s32 $0x8080;
	s16 =	simm.s32 $0x8880;
	[dreg:$0x6] =	wrdreg s19  }
0xc: {  	s28 =	simm.s32 $0xE080;
	s29 =	simm.s32 $0xE880;
	[dreg:$0x7] =	wrdreg s20  }
0xd: {  	s30 =	simm.s32 $0xF080;
	s1 =	ssub.s32 $0x2, s1;
	[dreg:$0x8] =	wrdreg s22  }
0xe: {  	s31 =	simm.s32 $0xF880;
	s21 =	sshrl.u32 s1, $0x1;
	[dreg:$0x9] =	wrdreg s23  }
0xf: {  	s6 =	sshrl.u32 s4, $0x3;
	s4 =	sshll.u32 s4, $0x7;
	[dreg:$0xa] =	wrdreg s24  }
0x10: {  	s1 =	ssub.s32 s1, s21;
	s21 =	simm.s32 $0xB080;
	[dreg:$0xb] =	wrdreg s7  }
0x11: {  	s6 =	sadd.s32 s6, s5;
	s4 =	sadd.s32 s4, s5;
	[dreg:$0xc] =	wrdreg s8  }
0x12: {  	s5 =	sadd.s32 $0x200, s2;
	s7 =	smax.u32 s1, $0x1;
	[dreg:$0xd] =	wrdreg s25  }
0x13: {  	s8 =	simm.s32 $0x2;
	[dreg:$0xe] =	wrdreg s26;
	s18 =	simm.s32 $0x9880  }
0x14: {  	s19 =	simm.s32 $0xA080;
	s20 =	simm.s32 $0xA880;
	s22 =	simm.s32 $0xB880  }
0x15: {  	s23 =	simm.s32 $0xC080;
	s24 =	simm.s32 $0xC880;
	s25 =	simm.s32 $0xD080  }
0x16: {  	v2 =	vlaneseq.u32;
	s26 =	simm.s32 $0xD880;
	s1 =	simm.s32 $0x1;
	s17 =	sadd.s32 $0x83C00, s6  }
0x17: {  	vm0 =	vmmov $0xffff;
	v1 =	vshrl.u32 v2, $0x3;
	s4 =	sadd.s32 $0x84000, s4;
	s6 =	sadd.s32 $0x300, s2;
	[dreg:$0x3] =	wrdreg s17  }
0x18: {  	v0 =	vand.u32 $0x7, v2;
	v2 =	vor.u32 $0x8, v2;
	v1 =	vmul.u32 $0x8, v1;
	[dreg:$0x4] =	wrdreg s4;
	s4 =	sadd.s32 $0x100, s2;
	s17 =	simm.s32 $0x9080  }
.LBB2_1:
0x19: {  	s0 =	rddreg [dreg:$0x3]  }
0x1a: {  	[tilespmem:s3], [sflag:$0x2] =	stream.linear.gather [hbm4b:s0+s3], $0x40, $0x38;
	[tilespmem:$0x10080] =	vst v63  }
0x1b: {  	_ =	swait.ge [sflag:s8], $0x40  }
0x1c: {  	[sflag:s8] =	ssyncset.done $0x0  }
0x1d: {  	s10 =	rddreg [dreg:$0x4];
	[sflag:s8] =	ssyncadd.s32 $0xFFFFFFC0  }
0x1e: {  	[tilespmem:s9], [sflag:$0x2] =	stream.linear.gather [hbm4b:s10+s3], $0x10000, $0x38;
	[tilespmem:$0x10080] =	vst v63  }
0x1f: {  	_ =	swait.ge [sflag:s8], $0x10000  }
0x20: {  	[sflag:s8] =	ssyncset.done $0x0  }
0x21: {  	[sflag:s8] =	ssyncadd.s32 $0xFFFF0000  }
0x22: {  	v3 =	vld [tilespmem:$0x0];
	_ =	sdelay $0x4  }
0x23: {  	v4 =	vshll.u32 v3, $0x3  }
0x24: {  	v3 =	vand.u32 $0x7, v3;
	v4 =	vand.u32 $0xFFFFFFC0, v4  }
0x25: {  	v3 =	vor.u32 v3, v4  }
0x26: {  	v4 =	vperm.xlane v3, v0;
	_ =	sdelay $0x1  }
0x27: {  	v4 =	vadd.s32 v1, v4;
	_ =	sdelay $0x4  }
0x28: {  	[hbm4b:s2+s3] =	stream.indirect_vreg.scatter [tilespmem:s9], [sflag:$0x1], $0x80, v4, vm0, $0xb8;
	[tilespmem:$0x10080] =	vst v63  }
0x29: {  	s0 =	rddreg [dreg:$0x5];
	v3 =	vperm.xlane v3, v2  }
0x2a: {  	[hbm4b:s4+s3] =	stream.indirect_vreg.scatter [tilespmem:s0], [sflag:$0x1], $0x80, v4, vm0, $0xb8;
	[tilespmem:$0x10080] =	vst v63  }
0x2b: {  	s10 =	rddreg [dreg:$0x6];
	v3 =	vadd.s32 v1, v3  }
0x2c: {  	[hbm4b:s5+s3] =	stream.indirect_vreg.scatter [tilespmem:s10], [sflag:$0x1], $0x80, v4, vm0, $0xb8;
	[tilespmem:$0x10080] =	vst v63  }
0x2d: {  	s0 =	rddreg [dreg:$0x7]  }
0x2e: {  	[hbm4b:s6+s3] =	stream.indirect_vreg.scatter [tilespmem:s0], [sflag:$0x1], $0x80, v4, vm0, $0xb8;
	[tilespmem:$0x10080] =	vst v63  }
0x2f: {  	s10 =	rddreg [dreg:$0x8]  }
0x30: {  	[hbm4b:s2+s3] =	stream.indirect_vreg.scatter [tilespmem:s10], [sflag:$0x1], $0x80, v3, vm0, $0xb8;
	[tilespmem:$0x10080] =	vst v63  }
0x31: {  	s0 =	rddreg [dreg:$0x9]  }
0x32: {  	[hbm4b:s4+s3] =	stream.indirect_vreg.scatter [tilespmem:s0], [sflag:$0x1], $0x80, v3, vm0, $0xb8;
	[tilespmem:$0x10080] =	vst v63  }
0x33: {  	s10 =	rddreg [dreg:$0xa]  }
0x34: {  	[hbm4b:s5+s3] =	stream.indirect_vreg.scatter [tilespmem:s10], [sflag:$0x1], $0x80, v3, vm0, $0xb8;
	[tilespmem:$0x10080] =	vst v63  }
0x35: {  	s0 =	rddreg [dreg:$0xb]  }
0x36: {  	[hbm4b:s6+s3] =	stream.indirect_vreg.scatter [tilespmem:s0], [sflag:$0x1], $0x80, v3, vm0, $0xb8;
	[tilespmem:$0x10080] =	vst v63  }
0x37: {  	v3 =	vld [tilespmem:$0x10];
	_ =	sdelay $0x4  }
0x38: {  	v61 =	vshll.u32 v3, $0x3  }
0x39: {  	v3 =	vand.u32 $0x7, v3;
	v4 =	vand.u32 $0xFFFFFFC0, v61  }
0x3a: {  	v3 =	vor.u32 v3, v4  }
0x3b: {  	v4 =	vperm.xlane v3, v0;
	_ =	sdelay $0x1  }
0x3c: {  	v4 =	vadd.s32 v1, v4;
	_ =	sdelay $0x3  }
0x3d: {  	s0 =	rddreg [dreg:$0xc]  }
0x3e: {  	[hbm4b:s2+s3] =	stream.indirect_vreg.scatter [tilespmem:s0], [sflag:$0x1], $0x80, v4, vm0, $0xb8;
	[tilespmem:$0x10080] =	vst v63  }
0x3f: {  	s10 =	rddreg [dreg:$0xd];
	v3 =	vperm.xlane v3, v2  }
0x40: {  	[hbm4b:s4+s3] =	stream.indirect_vreg.scatter [tilespmem:s10], [sflag:$0x1], $0x80, v4, vm0, $0xb8;
	[tilespmem:$0x10080] =	vst v63  }
0x41: {  	v3 =	vadd.s32 v1, v3;
	s0 =	rddreg [dreg:$0xe]  }
0x42: {  	[hbm4b:s5+s3] =	stream.indirect_vreg.scatter [tilespmem:s0], [sflag:$0x1], $0x80, v4, vm0, $0xb8;
	[tilespmem:$0x10080] =	vst v63  }
0x43: {  	s10 =	simm.s32 $0x5880  }
0x44: {  	[hbm4b:s6+s3] =	stream.indirect_vreg.scatter [tilespmem:s10], [sflag:$0x1], $0x80, v4, vm0, $0xb8;
	[tilespmem:$0x10080] =	vst v63  }
0x45: {  	_ = 	snop  }
0x46: {  	[hbm4b:s2+s3] =	stream.indirect_vreg.scatter [tilespmem:s11], [sflag:$0x1], $0x80, v3, vm0, $0xb8;
	[tilespmem:$0x10080] =	vst v63  }
0x47: {  	_ = 	snop  }
0x48: {  	[hbm4b:s4+s3] =	stream.indirect_vreg.scatter [tilespmem:s12], [sflag:$0x1], $0x80, v3, vm0, $0xb8;
	[tilespmem:$0x10080] =	vst v63  }
0x49: {  	_ = 	snop  }
0x4a: {  	[hbm4b:s5+s3] =	stream.indirect_vreg.scatter [tilespmem:s13], [sflag:$0x1], $0x80, v3, vm0, $0xb8;
	[tilespmem:$0x10080] =	vst v63  }
0x4b: {  	_ = 	snop  }
0x4c: {  	[hbm4b:s6+s3] =	stream.indirect_vreg.scatter [tilespmem:s14], [sflag:$0x1], $0x80, v3, vm0, $0xb8;
	[tilespmem:$0x10080] =	vst v63  }
0x4d: {  	v3 =	vld [tilespmem:$0x20];
	_ =	sdelay $0x4  }
0x4e: {  	v62 =	vshll.u32 v3, $0x3  }
0x4f: {  	v3 =	vand.u32 $0x7, v3;
	v4 =	vand.u32 $0xFFFFFFC0, v62  }
0x50: {  	v3 =	vor.u32 v3, v4  }
0x51: {  	v4 =	vperm.xlane v3, v0;
	_ =	sdelay $0x1  }
0x52: {  	v4 =	vadd.s32 v1, v4;
	_ =	sdelay $0x4  }
0x53: {  	[hbm4b:s2+s3] =	stream.indirect_vreg.scatter [tilespmem:s15], [sflag:$0x1], $0x80, v4, vm0, $0xb8;
	[tilespmem:$0x10080] =	vst v63  }
0x54: {  	v3 =	vperm.xlane v3, v2  }
0x55: {  	[hbm4b:s4+s3] =	stream.indirect_vreg.scatter [tilespmem:s16], [sflag:$0x1], $0x80, v4, vm0, $0xb8;
	[tilespmem:$0x10080] =	vst v63  }
0x56: {  	v3 =	vadd.s32 v1, v3  }
0x57: {  	[hbm4b:s5+s3] =	stream.indirect_vreg.scatter [tilespmem:s17], [sflag:$0x1], $0x80, v4, vm0, $0xb8;
	[tilespmem:$0x10080] =	vst v63  }
0x58: {  	_ = 	snop  }
0x59: {  	[hbm4b:s6+s3] =	stream.indirect_vreg.scatter [tilespmem:s18], [sflag:$0x1], $0x80, v4, vm0, $0xb8;
	[tilespmem:$0x10080] =	vst v63  }
0x5a: {  	_ = 	snop  }
0x5b: {  	[hbm4b:s2+s3] =	stream.indirect_vreg.scatter [tilespmem:s19], [sflag:$0x1], $0x80, v3, vm0, $0xb8;
	[tilespmem:$0x10080] =	vst v63  }
0x5c: {  	_ = 	snop  }
0x5d: {  	[hbm4b:s4+s3] =	stream.indirect_vreg.scatter [tilespmem:s20], [sflag:$0x1], $0x80, v3, vm0, $0xb8;
	[tilespmem:$0x10080] =	vst v63  }
0x5e: {  	_ = 	snop  }
0x5f: {  	[hbm4b:s5+s3] =	stream.indirect_vreg.scatter [tilespmem:s21], [sflag:$0x1], $0x80, v3, vm0, $0xb8;
	[tilespmem:$0x10080] =	vst v63  }
0x60: {  	_ = 	snop  }
0x61: {  	[hbm4b:s6+s3] =	stream.indirect_vreg.scatter [tilespmem:s22], [sflag:$0x1], $0x80, v3, vm0, $0xb8;
	[tilespmem:$0x10080] =	vst v63  }
0x62: {  	v3 =	vld [tilespmem:$0x30];
	_ =	sdelay $0x4  }
0x63: {  	v63 =	vshll.u32 v3, $0x3  }
0x64: {  	v3 =	vand.u32 $0x7, v3;
	v4 =	vand.u32 $0xFFFFFFC0, v63  }
0x65: {  	v3 =	vor.u32 v3, v4  }
0x66: {  	v4 =	vperm.xlane v3, v0;
	_ =	sdelay $0x1  }
0x67: {  	v4 =	vadd.s32 v1, v4;
	_ =	sdelay $0x4  }
0x68: {  	[hbm4b:s2+s3] =	stream.indirect_vreg.scatter [tilespmem:s23], [sflag:$0x1], $0x80, v4, vm0, $0xb8;
	[tilespmem:$0x10080] =	vst v63  }
0x69: {  	v3 =	vperm.xlane v3, v2  }
0x6a: {  	[hbm4b:s4+s3] =	stream.indirect_vreg.scatter [tilespmem:s24], [sflag:$0x1], $0x80, v4, vm0, $0xb8;
	[tilespmem:$0x10080] =	vst v63  }
0x6b: {  	v3 =	vadd.s32 v1, v3  }
0x6c: {  	[hbm4b:s5+s3] =	stream.indirect_vreg.scatter [tilespmem:s25], [sflag:$0x1], $0x80, v4, vm0, $0xb8;
	[tilespmem:$0x10080] =	vst v63  }
0x6d: {  	_ = 	snop  }
0x6e: {  	[hbm4b:s6+s3] =	stream.indirect_vreg.scatter [tilespmem:s26], [sflag:$0x1], $0x80, v4, vm0, $0xb8;
	[tilespmem:$0x10080] =	vst v63  }
0x6f: {  	_ = 	snop  }
0x70: {  	[hbm4b:s2+s3] =	stream.indirect_vreg.scatter [tilespmem:s28], [sflag:$0x1], $0x80, v3, vm0, $0xb8;
	[tilespmem:$0x10080] =	vst v63  }
0x71: {  	_ = 	snop  }
0x72: {  	[hbm4b:s4+s3] =	stream.indirect_vreg.scatter [tilespmem:s29], [sflag:$0x1], $0x80, v3, vm0, $0xb8;
	[tilespmem:$0x10080] =	vst v63  }
0x73: {  	p0 =	sne.s32 s7, $0x1  }
0x74: {  	[hbm4b:s5+s3] =	stream.indirect_vreg.scatter [tilespmem:s30], [sflag:$0x1], $0x80, v3, vm0, $0xb8;
	[tilespmem:$0x10080] =	vst v63  }
.Ltmp0:
0x75: {  	_ = 	snop;
	(pc) =	sbr.rel @p0 .LBB2_1-.Ltmp0, $4  }
0x76: {  	[hbm4b:s6+s3] =	stream.indirect_vreg.scatter [tilespmem:s31], [sflag:$0x1], $0x80, v3, vm0, $0xb8;
	[tilespmem:$0x10080] =	vst v63  }
0x77: {  	_ =	swait.ge [sflag:s1], $0x10000  }
0x78: {  	[sflag:s1] =	ssyncset.done $0x0  }
0x79: {  	s7 =	sadd.s32 $0xFFFFFFFF, s7;
	[sflag:s1] =	ssyncadd.s32 $0xFFFF0000  }
0x7a: {  	_ =	sfence.sel $0x180000  }
0x7b: {  	[bflag:$0x0] =	sbarrier.arrive $0xFFFF  }
0x7c: {  	_ =	strace $0x9000005C  }
0x7d: {  	s0 =	stileid.u32;
	[bflag:$0x2] =	sbarrier.arrive $0xFFFF  }
0x7e: {  	p0 =	sne.s32 s0, $0x0;
	s0 =	rddreg [dreg:$0x2]  }
0x7f: {  	s0 =	sadd.s32 @!p0 $0x100000, s0  }
0x80: {  	[sflag:s0] =	ssyncadd.tile.s32 @!p0 $0x1;
	_ =	shalt  }
.Lfunc_end2:
_tile_overlayer_lowered:
.L_overlay_start_2:
0x81: {  	(tag) =	ssettag $0x2  }
0x82: {  	s0 =	rddreg [dreg:$0x0];
	s2 =	stileid.u32  }
0x83: {  	s1 =	rddreg [dreg:$0x1];
	p0 =	sne.s32 s2, $0x0  }
0x84: {  	s3 =	rddreg [dreg:$0x2];
	[bflag:$0x3] =	sbarrier.arrive $0xFFFF;
	s2 =	simm.s32 @!p0 $0x1C02  }
0x85: {  	[timem:s3], [sflag:s2] =	dma.local @!p0 [hbm:s0], s1  }
0x86: {  	s0 =	simm.s32 @!p0 $0x2  }
0x87: {  	_ =	swait.ge @!p0 [sflag:s0], s1  }
0x88: {  	s1 =	ssub.s32 @!p0 $0x0, s1;
	[sflag:s0] =	ssyncset.done @!p0 $0x0  }
0x89: {  	[sflag:s0] =	ssyncadd.s32 @!p0 s1  }
0x8a: {  	[bflag:$0x3] =	sbarrier.arrive $0xFFFF  }
0x8b: {  	_ =	shalt  }

// kernel: kernel.40.cloned.1.call-start
scs
__scs_entry_jumppad:
0x0: {  	(pc) =	sbr.rel $0x88, $3  }
0x1: {  	(tag) =	ssettag $0x0;
	lr =	simm.s32 $0x1  }
0x2: {  	[smem:$0x3F9A] =	sst lr;
	_ =	strace $0xD0000000  }
0x3: {  	_ = 	snop  }
0x4: {  	_ = 	snop  }
0x5: {  	_ = 	snop  }
0x6: {  	_ = 	snop  }
0x7: {  	_ = 	snop  }
__scs_overlays_trampoline_lowered:
0x8: {  	[smem:$0x3FA9] =	sst s0  }
0x9: {  	[smem:$0x3FAA] =	sst s1  }
0xa: {  	[smem:$0x3FAB] =	sst s2  }
0xb: {  	[smem:$0x3FAC] =	sst s3  }
0xc: {  	[smem:$0x3FAD] =	sst s4  }
0xd: {  	[smem:$0x3FAE] =	sst s5  }
0xe: {  	[smem:$0x3FAF] =	sst s6  }
0xf: {  	[smem:$0x3FB0] =	sst s7  }
0x10: {  	[smem:$0x3FB1] =	sst s8  }
0x11: {  	[smem:$0x3FB2] =	sst s9;
	s0 =	simm.s32 @!p0 $0x0  }
0x12: {  	s1 =	sld [smem:$0x3F98];
	s0 =	simm.s32 @p0 $0x1  }
0x13: {  	[smem:$0x3FB3] =	sst s0;
	s0 =	simm.s32 @!p1 $0x0  }
0x14: {  	s2 =	sld [smem:$0x3F97];
	s0 =	simm.s32 @p1 $0x1  }
0x15: {  	[smem:$0x3FB4] =	sst s0;
	s0 =	simm.s32 @!p2 $0x0  }
0x16: {  	s3 =	sld [smem:$0x3FDB];
	s0 =	simm.s32 @p2 $0x1  }
0x17: {  	s4 =	simm.s32 $0x1BF5;
	[smem:$0x3FB6] =	sst s0  }
0x18: {  	s0 =	sld [smem:$0x3F99];
	_ =	swait.ge [sflag:s4], $0x0  }
0x19: {  	s7 =	sld [smem:$0x3F9A]  }
0x1a: {  	s8 =	sadd.s32 $0xFFFFE003, lr  }
0x1b: {  	s9 =	sadd.s32 $0xFFFFFEF7, lr;
	s5 =	simm.s32 $0xFFFFFFFF;
	p2 =	slt.u32 s8, $0xFFFFF086  }
0x1c: {  	p1 =	slt.u32 s9, $0xF7A;
	s5 =	simm.s32 @!p2 $0x0  }
0x1d: {  	s5 =	simm.s32 @p1 $0x1;
	p0 =	seq.s32 s7, s2  }
0x1e: {  	s7 =	smul.u32 @!p0 $0xF7A, s2;
	p2 =	seq.s32 @!p0 s5, $0x0  }
0x1f: {  	s9 =	smul.u32 $0xF7A, s1;
	s8 =	simm.s32 @!p0 $0x1BF5;
	p2 =	por !p2, p0  }
0x20: {  	[sflag:s8] =	ssyncset.s32 @!p0 $0xFFFFF086;
	s6 =	sadd.s32 @!p0 s3, s7;
	s7 =	simm.s32 @!p0 $0x108  }
0x21: {  	s3 =	sadd.s32 s3, s9;
	s6 =	sadd.s32 @!p0 $0x88, s6;
	s7 =	simm.s32 @p2 $0x1082  }
0x22: {  	[simem:s7], [sflag:s8] =	dma.local @!p0 [hbm:s6], $0xF7A  }
0x23: {  	s9 =	sor.u32 $0xD0000000, s2;
	s6 =	simm.s32 $0x108;
	_ =	swait.ge @!p0 [sflag:s8], $0x0  }
0x24: {  	s3 =	sadd.s32 $0x88, s3;
	s6 =	simm.s32 @!p1 $0x1082;
	[sflag:s4] =	ssyncset.s32 $0xFFFFF086  }
0x25: {  	[simem:s6], [sflag:s4] =	dma.local [hbm:s3], $0xF7A  }
0x26: {  	[smem:$0x3F9A] =	sst s1;
	(tag) =	ssettag s2;
	_ =	strace s9  }
0x27: {  	s1 =	sld [smem:$0x3FAA]  }
0x28: {  	s2 =	sld [smem:$0x3FAB]  }
0x29: {  	s4 =	sld [smem:$0x3FAD]  }
0x2a: {  	p0 =	seq.s32 s5, $0x0;
	s5 =	sld [smem:$0x3FAE]  }
0x2b: {  	s6 =	sld [smem:$0x3FAF]  }
0x2c: {  	s7 =	sld [smem:$0x3FB0]  }
0x2d: {  	s3 =	simm.s32 $0x108;
	s8 =	sld [smem:$0x3FB1]  }
0x2e: {  	s3 =	simm.s32 @!p0 $0x1082;
	s9 =	sld [smem:$0x3FB2]  }
0x2f: {  	lr =	sadd.s32 s0, s3;
	s0 =	sld [smem:$0x3FA9]  }
0x30: {  	s3 =	sld [smem:$0x3FAC]  }
0x31: {  	[smem:$0x3FB5] =	sst s10  }
0x32: {  	s10 =	sld [smem:$0x3FB3];
	_ =	sdelay $0x3  }
0x33: {  	p0 =	seq.s32 s10, $0x1;
	s10 =	sld [smem:$0x3FB5];
	_ =	sdelay $0x3  }
0x34: {  	[smem:$0x3FB5] =	sst s10  }
0x35: {  	s10 =	sld [smem:$0x3FB4];
	_ =	sdelay $0x3  }
0x36: {  	p1 =	seq.s32 s10, $0x1;
	s10 =	sld [smem:$0x3FB5];
	_ =	sdelay $0x3  }
0x37: {  	[smem:$0x3FB5] =	sst s10  }
0x38: {  	s10 =	sld [smem:$0x3FB6]  }
0x39: {  	_ = 	snop;
	(pc) =	sbr.ind lr, $3  }
0x3a: {  	_ = 	snop  }
0x3b: {  	_ = 	snop  }
0x3c: {  	p2 =	seq.s32 s10, $0x1;
	s10 =	sld [smem:$0x3FB5]  }
0x3d: {  	_ =	shalt  }
0x3e: {  	_ =	shalt  }
0x3f: {  	_ =	shalt  }
0x40: {  	_ =	shalt  }
0x41: {  	_ =	shalt  }
0x42: {  	_ =	shalt  }
0x43: {  	_ =	shalt  }
0x44: {  	_ =	shalt  }
0x45: {  	_ =	shalt  }
0x46: {  	_ =	shalt  }
0x47: {  	_ =	shalt  }
0x48: {  	_ =	shalt  }
0x49: {  	_ =	shalt  }
0x4a: {  	_ =	shalt  }
0x4b: {  	_ =	shalt  }
0x4c: {  	_ =	shalt  }
0x4d: {  	_ =	shalt  }
0x4e: {  	_ =	shalt  }
0x4f: {  	_ =	shalt  }
0x50: {  	_ =	shalt  }
0x51: {  	_ =	shalt  }
0x52: {  	_ =	shalt  }
0x53: {  	_ =	shalt  }
0x54: {  	_ =	shalt  }
0x55: {  	_ =	shalt  }
0x56: {  	_ =	shalt  }
0x57: {  	_ =	shalt  }
0x58: {  	_ =	shalt  }
0x59: {  	_ =	shalt  }
0x5a: {  	_ =	shalt  }
0x5b: {  	_ =	shalt  }
0x5c: {  	_ =	shalt  }
0x5d: {  	_ =	shalt  }
0x5e: {  	_ =	shalt  }
0x5f: {  	_ =	shalt  }
0x60: {  	_ =	shalt  }
0x61: {  	_ =	shalt  }
0x62: {  	_ =	shalt  }
0x63: {  	_ =	shalt  }
0x64: {  	_ =	shalt  }
0x65: {  	_ =	shalt  }
0x66: {  	_ =	shalt  }
0x67: {  	_ =	shalt  }
0x68: {  	_ =	shalt  }
0x69: {  	_ =	shalt  }
0x6a: {  	_ =	shalt  }
0x6b: {  	_ =	shalt  }
0x6c: {  	_ =	shalt  }
0x6d: {  	_ =	shalt  }
0x6e: {  	_ =	shalt  }
0x6f: {  	_ =	shalt  }
0x70: {  	_ =	shalt  }
0x71: {  	_ =	shalt  }
0x72: {  	_ =	shalt  }
0x73: {  	_ =	shalt  }
0x74: {  	_ =	shalt  }
0x75: {  	_ =	shalt  }
0x76: {  	_ =	shalt  }
0x77: {  	_ =	shalt  }
0x78: {  	_ =	shalt  }
0x79: {  	_ =	shalt  }
0x7a: {  	_ =	shalt  }
0x7b: {  	_ =	shalt  }
0x7c: {  	_ =	shalt  }
0x7d: {  	_ =	shalt  }
0x7e: {  	_ =	shalt  }
0x7f: {  	_ =	shalt  }
0x80: {  	_ =	shalt  }
0x81: {  	_ =	shalt  }
0x82: {  	_ =	shalt  }
0x83: {  	_ =	shalt  }
0x84: {  	_ =	shalt  }
0x85: {  	_ =	shalt  }
0x86: {  	_ =	shalt  }
0x87: {  	_ =	shalt  }
.Lfunc_end0:
.L_simem_size_0:
called_computation.8_lowered:
.L_overlay_start_0:
0x88: {  	s2 =	sld [smem:$0x3FD9]  }
0x89: {  	s3 =	sld [smem:$0x3FFE];
	_ =	sdelay $0x1  }
0x8a: {  	s1 =	srdreg.scid  }
0x8b: {  	s0 =	sand.u32 $0x1, s1  }
0x8c: {  	s17 =	sshll.u32 s0, $0xA;
	s2 =	sadd.s32 s3, s2  }
0x8d: {  	s2 =	sadd.s32 s2, s17  }
0x8e: {  	[smem:$0x3FC1] =	sst s2  }
0x8f: {  	_ = 	snop  }
0x90: {  	s2 =	sld [smem:$0x3FD0];
	(tm) =	ssettm $0x1  }
0x91: {  	s18 =	sld [smem:$0x3FFB];
	_ =	sdelay $0x3  }
0x92: {  	_ =	strace s18  }
0x93: {  	s3 =	sld [smem:$0x3FFC];
	_ =	sdelay $0x3  }
0x94: {  	_ =	strace s3  }
0x95: {  	s3 =	sld [smem:$0x3FFD];
	_ =	sdelay $0x3  }
0x96: {  	_ =	strace s3  }
0x97: {  	_ =	strace $0x8FFFFFFF  }
0x98: {  	s19 =	sld [smem:$0x3FDB];
	_ =	sdelay $0x1  }
0x99: {  	s4 =	simm.s32 $_scs_section_size  }
0x9a: {  	s5 =	simm.s32 $_size__tile_overlayer_lowered;
	s6 =	simm.s32 $_tile_overlayer_lowered  }
0x9b: {  	s22 =	simm.s32 $0x1BFF;
	s21 =	sshll.u32 s6, $0x1;
	s3 =	sadd.s32 s4, s19  }
0x9c: {  	s7 =	simm.s32 $0x0;
	s20 =	sshll.u32 s5, $0x1;
	s5 =	sadd.s32 s21, s3  }
0x9d: {  	[timem:s7], [sflag:s22] =	dma.local [hbm:s5], s20  }
0x9e: {  	_ =	swait.ge [sflag:s22], s20  }
0x9f: {  	s4 =	ssub.s32 $0x0, s20;
	[sflag:s22] =	ssyncset.done $0x0  }
0xa0: {  	[sflag:s22] =	ssyncadd.s32 s4;
	_ =	sdelay $0x1  }
0xa1: {  	s23 =	simm.s32 $0x1B8B  }
0xa2: {  	_ =	swait.ge [sflag:s23], $0x1  }
0xa3: {  	[sflag:s23] =	ssyncset.done $0x0  }
0xa4: {  	s25 =	simm.s32 $0x1B8E;
	s24 =	sld [smem:$0x3FFE];
	[sflag:s23] =	ssyncadd.s32 $0xFFFFFFFF  }
0xa5: {  	s26 =	simm.s32 $execute0_lowered;
	[smem:$0x3FD2] =	sst s25  }
0xa6: {  	s5 =	sshll.u32 s26, $0x1;
	_ =	strace $0x8000005E;
	[dreg:$0x1] =	wrdreg $0xFFFFFFFF  }
0xa7: {  	s28 =	simm.s32 $_size_execute0_lowered;
	s3 =	sadd.s32 s3, s5;
	[dreg:$0x0] =	wrdreg $0x0  }
0xa8: {  	s5 =	sshll.u32 s28, $0x1;
	[dreg:$0x2] =	wrdreg s3  }
0xa9: {  	[dreg:$0x3] =	wrdreg s5  }
0xaa: {  	[dreg:$0x4] =	wrdreg $0xC0  }
0xab: {  	_ =	task [dreg:s7], $0x5FFFF  }
0xac: {  	[dreg:$0x1] =	wrdreg $0xFFFFFFFF  }
0xad: {  	[dreg:$0x0] =	wrdreg $0x60  }
0xae: {  	[dreg:$0x2] =	wrdreg s2  }
0xaf: {  	[dreg:$0x3] =	wrdreg s24  }
0xb0: {  	[dreg:$0x4] =	wrdreg $0x9  }
0xb1: {  	_ =	task.clear_ibuf [dreg:s7], $0x5FFFF;
	_ =	strace $0x9000005E  }
0xb2: {  	s29 =	simm.s32 $0x9;
	_ =	strace $0x80000060  }
0xb3: {  	_ =	swait.ge [sflag:s29], $0x1  }
0xb4: {  	[sflag:s29] =	ssyncadd.s32 $0xFFFFFFFF  }
0xb5: {  	_ =	strace $0x90000060  }
0xb6: {  	_ =	sfence  }
0xb7: {  	s30 =	sld [smem:$0x0];
	_ =	sdelay $0x2  }
0xb8: {  	s31 =	sshll.u32 s1, $0xD;
	s1 =	sshrl.u32 s1, $0x2  }
0xb9: {  	s3 =	sand.u32 $0x4000, s31;
	s1 =	sadd.s32 s1, s30  }
0xba: {  	s0 =	sor.u32 s3, s0;
	s1 =	sshll.u32 s1, $0x11  }
0xbb: {  	s0 =	sor.u32 s1, s0  }
0xbc: {  	s0 =	sadd.s32 $0x8F2B, s0  }
0xbd: {  	[sflag:s0] =	ssyncadd.remote.s32 $0x1  }
0xbe: {  	_ =	sfence.sel $0xFFFF  }
0xbf: {  	[dreg:$0x0] =	wrdreg $0xFFFFFFFF;
	(pc) =	sbr.abs _section_cstart, $3  }
0xc0: {  	[dreg:$0x1] =	wrdreg $0xFFFFFFFF  }
0xc1: {  	_ =	task.clear_ibuf [dreg:s7], $0x2FFFF;
	_ =	strace $0x9FFFFFFF  }
0xc2: {  	(tm) =	ssettm $0x7FFFFFFF  }
0xc3: {  	_ =	shalt  }
tec
execute0_lowered:
.L_overlay_start_1:
0x0: {  	(tag) =	ssettag $0x1  }
0x1: {  	s1 =	srdreg.scid  }
0x2: {  	s0 =	stileid.u32;
	s2 =	rddreg [dreg:$0x0]  }
0x3: {  	s5 =	rddreg [dreg:$0x1];
	s18 =	simm.s32 $0x880;
	s19 =	simm.s32 $0x1080  }
0x4: {  	s20 =	simm.s32 $0x1880;
	s22 =	simm.s32 $0x2080;
	s23 =	simm.s32 $0x2880  }
0x5: {  	s24 =	simm.s32 $0x3080;
	s7 =	simm.s32 $0x3880;
	s8 =	simm.s32 $0x4080  }
0x6: {  	s25 =	simm.s32 $0x4880;
	s26 =	simm.s32 $0x5080;
	s1 =	sand.u32 $0x1, s1  }
0x7: {  	s9 =	simm.s32 $0x80;
	s3 =	sshll.u32 s0, $0x7;
	s4 =	sshll.u32 s1, $0x6  }
0x8: {  	s11 =	simm.s32 $0x6080;
	s4 =	sor.u32 s4, s3;
	s3 =	simm.s32 $0x0  }
0x9: {  	s12 =	simm.s32 $0x6880;
	s13 =	simm.s32 $0x7080;
	[smem:$0x7FF] =	sst s3  }
0xa: {  	s14 =	simm.s32 $0x7880;
	_ =	strace $0x8000005F;
	[dreg:$0x5] =	wrdreg s18  }
0xb: {  	s15 =	simm.s32 $0x8080;
	s16 =	simm.s32 $0x8880;
	[dreg:$0x6] =	wrdreg s19  }
0xc: {  	s28 =	simm.s32 $0xE080;
	s29 =	simm.s32 $0xE880;
	[dreg:$0x7] =	wrdreg s20  }
0xd: {  	s30 =	simm.s32 $0xF080;
	s1 =	ssub.s32 $0x2, s1;
	[dreg:$0x8] =	wrdreg s22  }
0xe: {  	s31 =	simm.s32 $0xF880;
	s21 =	sshrl.u32 s1, $0x1;
	[dreg:$0x9] =	wrdreg s23  }
0xf: {  	s6 =	sshrl.u32 s4, $0x3;
	s4 =	sshll.u32 s4, $0x7;
	[dreg:$0xa] =	wrdreg s24  }
0x10: {  	s1 =	ssub.s32 s1, s21;
	s21 =	simm.s32 $0xB080;
	[dreg:$0xb] =	wrdreg s7  }
0x11: {  	s6 =	sadd.s32 s6, s5;
	s4 =	sadd.s32 s4, s5;
	[dreg:$0xc] =	wrdreg s8  }
0x12: {  	s5 =	sadd.s32 $0x200, s2;
	s7 =	smax.u32 s1, $0x1;
	[dreg:$0xd] =	wrdreg s25  }
0x13: {  	s8 =	simm.s32 $0x2;
	[dreg:$0xe] =	wrdreg s26;
	s18 =	simm.s32 $0x9880  }
0x14: {  	s19 =	simm.s32 $0xA080;
	s20 =	simm.s32 $0xA880;
	s22 =	simm.s32 $0xB880  }
0x15: {  	s23 =	simm.s32 $0xC080;
	s24 =	simm.s32 $0xC880;
	s25 =	simm.s32 $0xD080  }
0x16: {  	v2 =	vlaneseq.u32;
	s26 =	simm.s32 $0xD880;
	s1 =	simm.s32 $0x1;
	s17 =	sadd.s32 $0x83E00, s6  }
0x17: {  	vm0 =	vmmov $0xffff;
	v1 =	vshrl.u32 v2, $0x3;
	s4 =	sadd.s32 $0x3000, s4;
	s6 =	sadd.s32 $0x300, s2;
	[dreg:$0x3] =	wrdreg s17  }
0x18: {  	v0 =	vand.u32 $0x7, v2;
	v2 =	vor.u32 $0x8, v2;
	v1 =	vmul.u32 $0x8, v1;
	[dreg:$0x4] =	wrdreg s4;
	s4 =	sadd.s32 $0x100, s2;
	s17 =	simm.s32 $0x9080  }
.LBB2_1:
0x19: {  	s0 =	rddreg [dreg:$0x3]  }
0x1a: {  	[tilespmem:s3], [sflag:$0x2] =	stream.linear.gather [hbm4b:s0+s3], $0x40, $0x38;
	[tilespmem:$0x10080] =	vst v63  }
0x1b: {  	_ =	swait.ge [sflag:s8], $0x40  }
0x1c: {  	[sflag:s8] =	ssyncset.done $0x0  }
0x1d: {  	s10 =	rddreg [dreg:$0x4];
	[sflag:s8] =	ssyncadd.s32 $0xFFFFFFC0  }
0x1e: {  	[tilespmem:s9], [sflag:$0x2] =	stream.linear.gather [hbm4b:s10+s3], $0x10000, $0x38;
	[tilespmem:$0x10080] =	vst v63  }
0x1f: {  	_ =	swait.ge [sflag:s8], $0x10000  }
0x20: {  	[sflag:s8] =	ssyncset.done $0x0  }
0x21: {  	[sflag:s8] =	ssyncadd.s32 $0xFFFF0000  }
0x22: {  	v3 =	vld [tilespmem:$0x0];
	_ =	sdelay $0x4  }
0x23: {  	v4 =	vshll.u32 v3, $0x3  }
0x24: {  	v3 =	vand.u32 $0x7, v3;
	v4 =	vand.u32 $0xFFFFFFC0, v4  }
0x25: {  	v3 =	vor.u32 v3, v4  }
0x26: {  	v4 =	vperm.xlane v3, v0;
	_ =	sdelay $0x1  }
0x27: {  	v4 =	vadd.s32 v1, v4;
	_ =	sdelay $0x4  }
0x28: {  	[hbm4b:s2+s3] =	stream.indirect_vreg.scatter [tilespmem:s9], [sflag:$0x1], $0x80, v4, vm0, $0xb8;
	[tilespmem:$0x10080] =	vst v63  }
0x29: {  	s0 =	rddreg [dreg:$0x5];
	v3 =	vperm.xlane v3, v2  }
0x2a: {  	[hbm4b:s4+s3] =	stream.indirect_vreg.scatter [tilespmem:s0], [sflag:$0x1], $0x80, v4, vm0, $0xb8;
	[tilespmem:$0x10080] =	vst v63  }
0x2b: {  	s10 =	rddreg [dreg:$0x6];
	v3 =	vadd.s32 v1, v3  }
0x2c: {  	[hbm4b:s5+s3] =	stream.indirect_vreg.scatter [tilespmem:s10], [sflag:$0x1], $0x80, v4, vm0, $0xb8;
	[tilespmem:$0x10080] =	vst v63  }
0x2d: {  	s0 =	rddreg [dreg:$0x7]  }
0x2e: {  	[hbm4b:s6+s3] =	stream.indirect_vreg.scatter [tilespmem:s0], [sflag:$0x1], $0x80, v4, vm0, $0xb8;
	[tilespmem:$0x10080] =	vst v63  }
0x2f: {  	s10 =	rddreg [dreg:$0x8]  }
0x30: {  	[hbm4b:s2+s3] =	stream.indirect_vreg.scatter [tilespmem:s10], [sflag:$0x1], $0x80, v3, vm0, $0xb8;
	[tilespmem:$0x10080] =	vst v63  }
0x31: {  	s0 =	rddreg [dreg:$0x9]  }
0x32: {  	[hbm4b:s4+s3] =	stream.indirect_vreg.scatter [tilespmem:s0], [sflag:$0x1], $0x80, v3, vm0, $0xb8;
	[tilespmem:$0x10080] =	vst v63  }
0x33: {  	s10 =	rddreg [dreg:$0xa]  }
0x34: {  	[hbm4b:s5+s3] =	stream.indirect_vreg.scatter [tilespmem:s10], [sflag:$0x1], $0x80, v3, vm0, $0xb8;
	[tilespmem:$0x10080] =	vst v63  }
0x35: {  	s0 =	rddreg [dreg:$0xb]  }
0x36: {  	[hbm4b:s6+s3] =	stream.indirect_vreg.scatter [tilespmem:s0], [sflag:$0x1], $0x80, v3, vm0, $0xb8;
	[tilespmem:$0x10080] =	vst v63  }
0x37: {  	v3 =	vld [tilespmem:$0x10];
	_ =	sdelay $0x4  }
0x38: {  	v61 =	vshll.u32 v3, $0x3  }
0x39: {  	v3 =	vand.u32 $0x7, v3;
	v4 =	vand.u32 $0xFFFFFFC0, v61  }
0x3a: {  	v3 =	vor.u32 v3, v4  }
0x3b: {  	v4 =	vperm.xlane v3, v0;
	_ =	sdelay $0x1  }
0x3c: {  	v4 =	vadd.s32 v1, v4;
	_ =	sdelay $0x3  }
0x3d: {  	s0 =	rddreg [dreg:$0xc]  }
0x3e: {  	[hbm4b:s2+s3] =	stream.indirect_vreg.scatter [tilespmem:s0], [sflag:$0x1], $0x80, v4, vm0, $0xb8;
	[tilespmem:$0x10080] =	vst v63  }
0x3f: {  	s10 =	rddreg [dreg:$0xd];
	v3 =	vperm.xlane v3, v2  }
0x40: {  	[hbm4b:s4+s3] =	stream.indirect_vreg.scatter [tilespmem:s10], [sflag:$0x1], $0x80, v4, vm0, $0xb8;
	[tilespmem:$0x10080] =	vst v63  }
0x41: {  	v3 =	vadd.s32 v1, v3;
	s0 =	rddreg [dreg:$0xe]  }
0x42: {  	[hbm4b:s5+s3] =	stream.indirect_vreg.scatter [tilespmem:s0], [sflag:$0x1], $0x80, v4, vm0, $0xb8;
	[tilespmem:$0x10080] =	vst v63  }
0x43: {  	s10 =	simm.s32 $0x5880  }
0x44: {  	[hbm4b:s6+s3] =	stream.indirect_vreg.scatter [tilespmem:s10], [sflag:$0x1], $0x80, v4, vm0, $0xb8;
	[tilespmem:$0x10080] =	vst v63  }
0x45: {  	_ = 	snop  }
0x46: {  	[hbm4b:s2+s3] =	stream.indirect_vreg.scatter [tilespmem:s11], [sflag:$0x1], $0x80, v3, vm0, $0xb8;
	[tilespmem:$0x10080] =	vst v63  }
0x47: {  	_ = 	snop  }
0x48: {  	[hbm4b:s4+s3] =	stream.indirect_vreg.scatter [tilespmem:s12], [sflag:$0x1], $0x80, v3, vm0, $0xb8;
	[tilespmem:$0x10080] =	vst v63  }
0x49: {  	_ = 	snop  }
0x4a: {  	[hbm4b:s5+s3] =	stream.indirect_vreg.scatter [tilespmem:s13], [sflag:$0x1], $0x80, v3, vm0, $0xb8;
	[tilespmem:$0x10080] =	vst v63  }
0x4b: {  	_ = 	snop  }
0x4c: {  	[hbm4b:s6+s3] =	stream.indirect_vreg.scatter [tilespmem:s14], [sflag:$0x1], $0x80, v3, vm0, $0xb8;
	[tilespmem:$0x10080] =	vst v63  }
0x4d: {  	v3 =	vld [tilespmem:$0x20];
	_ =	sdelay $0x4  }
0x4e: {  	v62 =	vshll.u32 v3, $0x3  }
0x4f: {  	v3 =	vand.u32 $0x7, v3;
	v4 =	vand.u32 $0xFFFFFFC0, v62  }
0x50: {  	v3 =	vor.u32 v3, v4  }
0x51: {  	v4 =	vperm.xlane v3, v0;
	_ =	sdelay $0x1  }
0x52: {  	v4 =	vadd.s32 v1, v4;
	_ =	sdelay $0x4  }
0x53: {  	[hbm4b:s2+s3] =	stream.indirect_vreg.scatter [tilespmem:s15], [sflag:$0x1], $0x80, v4, vm0, $0xb8;
	[tilespmem:$0x10080] =	vst v63  }
0x54: {  	v3 =	vperm.xlane v3, v2  }
0x55: {  	[hbm4b:s4+s3] =	stream.indirect_vreg.scatter [tilespmem:s16], [sflag:$0x1], $0x80, v4, vm0, $0xb8;
	[tilespmem:$0x10080] =	vst v63  }
0x56: {  	v3 =	vadd.s32 v1, v3  }
0x57: {  	[hbm4b:s5+s3] =	stream.indirect_vreg.scatter [tilespmem:s17], [sflag:$0x1], $0x80, v4, vm0, $0xb8;
	[tilespmem:$0x10080] =	vst v63  }
0x58: {  	_ = 	snop  }
0x59: {  	[hbm4b:s6+s3] =	stream.indirect_vreg.scatter [tilespmem:s18], [sflag:$0x1], $0x80, v4, vm0, $0xb8;
	[tilespmem:$0x10080] =	vst v63  }
0x5a: {  	_ = 	snop  }
0x5b: {  	[hbm4b:s2+s3] =	stream.indirect_vreg.scatter [tilespmem:s19], [sflag:$0x1], $0x80, v3, vm0, $0xb8;
	[tilespmem:$0x10080] =	vst v63  }
0x5c: {  	_ = 	snop  }
0x5d: {  	[hbm4b:s4+s3] =	stream.indirect_vreg.scatter [tilespmem:s20], [sflag:$0x1], $0x80, v3, vm0, $0xb8;
	[tilespmem:$0x10080] =	vst v63  }
0x5e: {  	_ = 	snop  }
0x5f: {  	[hbm4b:s5+s3] =	stream.indirect_vreg.scatter [tilespmem:s21], [sflag:$0x1], $0x80, v3, vm0, $0xb8;
	[tilespmem:$0x10080] =	vst v63  }
0x60: {  	_ = 	snop  }
0x61: {  	[hbm4b:s6+s3] =	stream.indirect_vreg.scatter [tilespmem:s22], [sflag:$0x1], $0x80, v3, vm0, $0xb8;
	[tilespmem:$0x10080] =	vst v63  }
0x62: {  	v3 =	vld [tilespmem:$0x30];
	_ =	sdelay $0x4  }
0x63: {  	v63 =	vshll.u32 v3, $0x3  }
0x64: {  	v3 =	vand.u32 $0x7, v3;
	v4 =	vand.u32 $0xFFFFFFC0, v63  }
0x65: {  	v3 =	vor.u32 v3, v4  }
0x66: {  	v4 =	vperm.xlane v3, v0;
	_ =	sdelay $0x1  }
0x67: {  	v4 =	vadd.s32 v1, v4;
	_ =	sdelay $0x4  }
0x68: {  	[hbm4b:s2+s3] =	stream.indirect_vreg.scatter [tilespmem:s23], [sflag:$0x1], $0x80, v4, vm0, $0xb8;
	[tilespmem:$0x10080] =	vst v63  }
0x69: {  	v3 =	vperm.xlane v3, v2  }
0x6a: {  	[hbm4b:s4+s3] =	stream.indirect_vreg.scatter [tilespmem:s24], [sflag:$0x1], $0x80, v4, vm0, $0xb8;
	[tilespmem:$0x10080] =	vst v63  }
0x6b: {  	v3 =	vadd.s32 v1, v3  }
0x6c: {  	[hbm4b:s5+s3] =	stream.indirect_vreg.scatter [tilespmem:s25], [sflag:$0x1], $0x80, v4, vm0, $0xb8;
	[tilespmem:$0x10080] =	vst v63  }
0x6d: {  	_ = 	snop  }
0x6e: {  	[hbm4b:s6+s3] =	stream.indirect_vreg.scatter [tilespmem:s26], [sflag:$0x1], $0x80, v4, vm0, $0xb8;
	[tilespmem:$0x10080] =	vst v63  }
0x6f: {  	_ = 	snop  }
0x70: {  	[hbm4b:s2+s3] =	stream.indirect_vreg.scatter [tilespmem:s28], [sflag:$0x1], $0x80, v3, vm0, $0xb8;
	[tilespmem:$0x10080] =	vst v63  }
0x71: {  	_ = 	snop  }
0x72: {  	[hbm4b:s4+s3] =	stream.indirect_vreg.scatter [tilespmem:s29], [sflag:$0x1], $0x80, v3, vm0, $0xb8;
	[tilespmem:$0x10080] =	vst v63  }
0x73: {  	p0 =	sne.s32 s7, $0x1  }
0x74: {  	[hbm4b:s5+s3] =	stream.indirect_vreg.scatter [tilespmem:s30], [sflag:$0x1], $0x80, v3, vm0, $0xb8;
	[tilespmem:$0x10080] =	vst v63  }
.Ltmp0:
0x75: {  	_ = 	snop;
	(pc) =	sbr.rel @p0 .LBB2_1-.Ltmp0, $4  }
0x76: {  	[hbm4b:s6+s3] =	stream.indirect_vreg.scatter [tilespmem:s31], [sflag:$0x1], $0x80, v3, vm0, $0xb8;
	[tilespmem:$0x10080] =	vst v63  }
0x77: {  	_ =	swait.ge [sflag:s1], $0x10000  }
0x78: {  	[sflag:s1] =	ssyncset.done $0x0  }
0x79: {  	s7 =	sadd.s32 $0xFFFFFFFF, s7;
	[sflag:s1] =	ssyncadd.s32 $0xFFFF0000  }
0x7a: {  	_ =	sfence.sel $0x180000  }
0x7b: {  	[bflag:$0x0] =	sbarrier.arrive $0xFFFF  }
0x7c: {  	_ =	strace $0x9000005F  }
0x7d: {  	s0 =	stileid.u32;
	[bflag:$0x2] =	sbarrier.arrive $0xFFFF  }
0x7e: {  	p0 =	sne.s32 s0, $0x0;
	s0 =	rddreg [dreg:$0x2]  }
0x7f: {  	s0 =	sadd.s32 @!p0 $0x100000, s0  }
0x80: {  	[sflag:s0] =	ssyncadd.tile.s32 @!p0 $0x1;
	_ =	shalt  }
.Lfunc_end2:
_tile_overlayer_lowered:
.L_overlay_start_2:
0x81: {  	(tag) =	ssettag $0x2  }
0x82: {  	s0 =	rddreg [dreg:$0x0];
	s2 =	stileid.u32  }
0x83: {  	s1 =	rddreg [dreg:$0x1];
	p0 =	sne.s32 s2, $0x0  }
0x84: {  	s3 =	rddreg [dreg:$0x2];
	[bflag:$0x3] =	sbarrier.arrive $0xFFFF;
	s2 =	simm.s32 @!p0 $0x1C02  }
0x85: {  	[timem:s3], [sflag:s2] =	dma.local @!p0 [hbm:s0], s1  }
0x86: {  	s0 =	simm.s32 @!p0 $0x2  }
0x87: {  	_ =	swait.ge @!p0 [sflag:s0], s1  }
0x88: {  	s1 =	ssub.s32 @!p0 $0x0, s1;
	[sflag:s0] =	ssyncset.done @!p0 $0x0  }
0x89: {  	[sflag:s0] =	ssyncadd.s32 @!p0 s1  }
0x8a: {  	[bflag:$0x3] =	sbarrier.arrive $0xFFFF  }
0x8b: {  	_ =	shalt  }

</sc_bundles>
